<compile_context>
chip_gen: v7x
topology: tpu7x:2x2x1
jax: 0.10.2.dev20260603
libtpu: 0.0.44.dev20260713+nightly
codegen_flags: <defaults>
</compile_context>

<pallas_src>
import dataclasses
import functools

import jax
import jax.numpy as jnp
from jax import lax
from jax.experimental import pallas as pl
from jax.experimental.pallas import tpu as pltpu
from jax.experimental.pallas import tpu_sc as plsc

T, B, D = 2048, 1, 1024
H = 16
DH = D // H
FF = 4096
E = 8
S = T * B
CAP = 2 * S // E
NSLOT = E * CAP
TRASH = NSLOT
TOS_PAD = NSLOT + 16
TB = 256
TBQ = 256
FFB = 2048
NW = 32

@functools.lru_cache(maxsize=None)
def _vec_mesh():
    return plsc.VectorSubcoreMesh(core_axis_name="c", subcore_axis_name="s")



def _ln(x, g, b):
    m = jnp.mean(x, axis=-1, keepdims=True)
    c = x - m
    v = jnp.mean(c * c, axis=-1, keepdims=True)
    return c * lax.rsqrt(v + 1e-5) * g + b


def _ln_qkv_body(x_ref, wq_ref, wk_ref, wv_ref, bq_ref, bk_ref, bv_ref,
                 g_ref, b_ref, q_ref, k_ref, v_ref):
    h = _ln(x_ref[...], g_ref[...], b_ref[...])
    q = (jnp.dot(h, wq_ref[...], preferred_element_type=jnp.float32)
         + bq_ref[...]) * (DH ** -0.5)
    k = jnp.dot(h, wk_ref[...], preferred_element_type=jnp.float32) + bk_ref[...]
    v = jnp.dot(h, wv_ref[...], preferred_element_type=jnp.float32) + bv_ref[...]
    q = q.astype(jnp.bfloat16)
    k = k.astype(jnp.bfloat16)
    v = v.astype(jnp.bfloat16)
    for hh in range(H):
        sl = slice(hh * DH, (hh + 1) * DH)
        q_ref[hh] = q[:, sl]
        k_ref[hh] = k[:, sl]
        v_ref[hh] = v[:, sl]


def _ln_qkv(x, Wq, Wk, Wv, bq, bk, bv, g, b):
    full = pl.BlockSpec((D, D), lambda i: (0, 0))
    row = pl.BlockSpec((1, D), lambda i: (0, 0))
    blk = pl.BlockSpec((TB, D), lambda i: (i, 0))
    hblk = pl.BlockSpec((H, TB, DH), lambda i: (0, i, 0))
    return pl.pallas_call(
        _ln_qkv_body,
        grid=(S // TB,),
        in_specs=[blk, full, full, full, row, row, row, row, row],
        out_specs=[hblk, hblk, hblk],
        out_shape=[jax.ShapeDtypeStruct((H, S, DH), jnp.bfloat16)] * 3,
    )(x, Wq, Wk, Wv, bq, bk, bv, g, b)


def _attn_body(q_ref, k_ref, v_ref, o_ref):
    s = lax.dot_general(q_ref[0], k_ref[0], (((1,), (1,)), ((), ())),
                        preferred_element_type=jnp.float32)
    e = jnp.exp(s)
    r = 1.0 / jnp.sum(e, axis=-1, keepdims=True)
    eb = e.astype(jnp.bfloat16)
    o_ref[0] = jnp.dot(eb, v_ref[0], preferred_element_type=jnp.float32) * r


def _attention(q, k, v):
    qspec = pl.BlockSpec((1, TBQ, DH), lambda h, i: (h, i, 0))
    kvspec = pl.BlockSpec((1, S, DH), lambda h, i: (h, 0, 0))
    return pl.pallas_call(
        _attn_body,
        grid=(H, S // TBQ),
        in_specs=[qspec, kvspec, kvspec],
        out_specs=qspec,
        out_shape=jax.ShapeDtypeStruct((H, S, DH), jnp.float32),
    )(q, k, v)


def _post_attn_body(ctx_ref, x_ref, wo_ref, bo_ref, g_ref, b_ref, wg_ref,
                    x2_ref, h2_ref, lg_ref):
    ctx = jnp.concatenate([ctx_ref[hh] for hh in range(H)], axis=-1)
    a = jnp.dot(ctx, wo_ref[...], preferred_element_type=jnp.float32)
    x2 = a + bo_ref[...] + x_ref[...]
    x2_ref[...] = x2
    h2 = _ln(x2, g_ref[...], b_ref[...])
    h2_ref[...] = h2
    lg_ref[...] = jnp.dot(h2, wg_ref[...], preferred_element_type=jnp.float32)


def _post_attn(ctx, x, Wo, bo, g, b, wg):
    blk = pl.BlockSpec((TB, D), lambda i: (i, 0))
    return pl.pallas_call(
        _post_attn_body,
        grid=(S // TB,),
        in_specs=[pl.BlockSpec((H, TB, DH), lambda i: (0, i, 0)), blk,
                  pl.BlockSpec((D, D), lambda i: (0, 0)),
                  pl.BlockSpec((1, D), lambda i: (0, 0)),
                  pl.BlockSpec((1, D), lambda i: (0, 0)),
                  pl.BlockSpec((1, D), lambda i: (0, 0)),
                  pl.BlockSpec((D, E), lambda i: (0, 0))],
        out_specs=[blk, blk, pl.BlockSpec((TB, E), lambda i: (i, 0))],
        out_shape=[jax.ShapeDtypeStruct((S, D), jnp.float32),
                   jax.ShapeDtypeStruct((S, D), jnp.float32),
                   jax.ShapeDtypeStruct((S, E), jnp.float32)],
    )(ctx, x, Wo, bo, g, b, wg)


def _routing_body(lg_ref, scat_ref, gath_ref, gw_ref):
    lg = lg_ref[...]
    eidx = lax.broadcasted_iota(jnp.int32, (S, E), 1)
    mx = jnp.max(lg, axis=-1, keepdims=True)
    ex = jnp.exp(lg - mx)
    gates = ex / jnp.sum(ex, axis=-1, keepdims=True)
    i1 = jnp.min(jnp.where(lg >= mx, eidx, E), axis=-1, keepdims=True)
    mask1 = eidx == i1
    lg2 = jnp.where(mask1, -1e30, lg)
    mx2 = jnp.max(lg2, axis=-1, keepdims=True)
    i2 = jnp.min(jnp.where(lg2 >= mx2, eidx, E), axis=-1, keepdims=True)
    mask2 = eidx == i2
    g1 = jnp.sum(jnp.where(mask1, gates, 0.0), axis=-1, keepdims=True)
    g2 = jnp.sum(jnp.where(mask2, gates, 0.0), axis=-1, keepdims=True)
    denom = jnp.maximum(g1 + g2, 1e-9)
    g1n = g1 / denom
    g2n = g2 / denom
    m1f = mask1.astype(jnp.float32)
    m2f = mask2.astype(jnp.float32)
    m12 = jnp.concatenate([m1f, m2f], axis=1)
    c_blocks = []
    for blk in range(S // TB):
        rr = lax.broadcasted_iota(jnp.int32, (TB, S), 0) + blk * TB
        cc = lax.broadcasted_iota(jnp.int32, (TB, S), 1)
        tri = (rr >= cc).astype(jnp.float32)
        c_blocks.append(jnp.dot(tri, m12, preferred_element_type=jnp.float32))
    c12 = jnp.concatenate(c_blocks, axis=0)
    c1 = c12[:, :E]
    c2 = c12[:, E:]
    loc1 = c1 - 1.0
    counts1 = jnp.sum(m1f, axis=0, keepdims=True)
    loc2 = c2 - 1.0 + counts1
    k1f = m1f * (loc1 < CAP).astype(jnp.float32)
    k2f = m2f * (loc2 < CAP).astype(jnp.float32)
    p1 = jnp.sum(loc1 * k1f, axis=-1, keepdims=True)
    p2 = jnp.sum(loc2 * k2f, axis=-1, keepdims=True)
    k1 = jnp.sum(k1f, axis=-1, keepdims=True)
    k2 = jnp.sum(k2f, axis=-1, keepdims=True)
    slot1 = i1.astype(jnp.float32) * CAP + p1
    slot2 = i2.astype(jnp.float32) * CAP + p2
    gath1 = jnp.where(k1 > 0, slot1, 0.0).astype(jnp.int32)
    gath2 = jnp.where(k2 > 0, slot2, 0.0).astype(jnp.int32)
    scat1 = jnp.where(k1 > 0, slot1, float(TRASH)).astype(jnp.int32)
    scat2 = jnp.where(k2 > 0, slot2, float(TRASH)).astype(jnp.int32)
    w1 = g1n * k1
    w2 = g2n * k2
    col = eidx
    scat_ref[...] = jnp.where(col == 0, scat1, jnp.where(col == 1, scat2, TRASH))
    gath_ref[...] = jnp.where(col == 0, gath1, jnp.where(col == 1, gath2, 0))
    gw_ref[...] = jnp.where(col == 0, w1, jnp.where(col == 1, w2, 0.0))


def _routing(lg):
    one = pl.BlockSpec((S, E), lambda: (0, 0))
    return pl.pallas_call(
        _routing_body,
        in_specs=[one],
        out_specs=[one, one, one],
        out_shape=[jax.ShapeDtypeStruct((S, E), jnp.int32),
                   jax.ShapeDtypeStruct((S, E), jnp.int32),
                   jax.ShapeDtypeStruct((S, E), jnp.float32)],
    )(lg)


def _ffn_body(disp_ref, w1_ref, b1_ref, w2_ref, b2_ref, out_ref, acc_ref):
    f = pl.program_id(1)
    h = jnp.dot(disp_ref[...].astype(jnp.bfloat16), w1_ref[0].astype(jnp.bfloat16),
                preferred_element_type=jnp.float32)
    h = jnp.maximum(h + b1_ref[0], 0.0)
    contrib = jnp.dot(h.astype(jnp.bfloat16), w2_ref[0].astype(jnp.bfloat16),
                      preferred_element_type=jnp.float32)

    @pl.when(f == 0)
    def _():
        acc_ref[...] = contrib

    @pl.when(f != 0)
    def _():
        acc_ref[...] = acc_ref[...] + contrib

    @pl.when(f == FF // FFB - 1)
    def _():
        out_ref[...] = acc_ref[...] + b2_ref[0]


def _ffn(disp, fc1_w, fc1_b, fc2_w, fc2_b):
    return pl.pallas_call(
        _ffn_body,
        grid=(E, FF // FFB),
        in_specs=[pl.BlockSpec((CAP, D), lambda e, f: (e, 0)),
                  pl.BlockSpec((1, D, FFB), lambda e, f: (e, 0, f)),
                  pl.BlockSpec((1, 1, FFB), lambda e, f: (e, 0, f)),
                  pl.BlockSpec((1, FFB, D), lambda e, f: (e, f, 0)),
                  pl.BlockSpec((1, 1, D), lambda e, f: (e, 0, 0))],
        out_specs=pl.BlockSpec((CAP, D), lambda e, f: (e, 0)),
        out_shape=jax.ShapeDtypeStruct((NSLOT, D), jnp.float32),
        scratch_shapes=[pltpu.VMEM((CAP, D), jnp.float32)],
        compiler_params=pltpu.CompilerParams(
            dimension_semantics=("arbitrary", "arbitrary"),
            vmem_limit_bytes=100 * 1024 * 1024),
    )(disp, fc1_w, fc1_b, fc2_w, fc2_b)


def _combine_body(x2_ref, gw_ref, b1_ref, b2_ref, o_ref):
    w1 = gw_ref[:, 0:1]
    w2 = gw_ref[:, 1:2]
    o_ref[...] = x2_ref[...] + w1 * b1_ref[...] + w2 * b2_ref[...]


def _combine(x2, gw, buf1, buf2):
    blk = pl.BlockSpec((TB, D), lambda i: (i, 0))
    return pl.pallas_call(
        _combine_body,
        grid=(S // TB,),
        in_specs=[blk, pl.BlockSpec((TB, E), lambda i: (i, 0)), blk, blk],
        out_specs=blk,
        out_shape=jax.ShapeDtypeStruct((S, D), jnp.float32),
    )(x2, gw, buf1, buf2)



def _sc_compiler_params():
    cp = pltpu.CompilerParams()
    if "needs_layout_passes" in pltpu.CompilerParams.__dataclass_fields__:
        cp = dataclasses.replace(cp, needs_layout_passes=False)
    return cp


@functools.lru_cache(maxsize=None)
def _sc_build_tos_kernel():
    return pl.kernel(
        _sc_build_tos_body,
        out_type=jax.ShapeDtypeStruct((TOS_PAD,), jnp.int32),
        mesh=_vec_mesh(),
        scratch_types=[pltpu.VMEM((TOS_PAD,), jnp.int32),
                       pltpu.VMEM((S,), jnp.int32),
                       pltpu.VMEM((S,), jnp.int32)],
        compiler_params=_sc_compiler_params(),
    )


def _sc_build_tos_body(scat1_hbm, scat2_hbm, tos_hbm, tos_v, s1_v, s2_v):
    cid = lax.axis_index("c")
    sid = lax.axis_index("s")

    @pl.when(jnp.logical_and(cid == 0, sid == 0))
    def _():
        pltpu.sync_copy(scat1_hbm, s1_v)
        pltpu.sync_copy(scat2_hbm, s2_v)

        @pl.loop(0, TOS_PAD, step=16)
        def _(i):
            tos_v[pl.ds(i, 16)] = jnp.zeros((16,), jnp.int32)

        @pl.loop(0, S, step=16)
        def _(i):
            ids = lax.iota(jnp.int32, 16) + i
            plsc.store_scatter(tos_v, [s1_v[pl.ds(i, 16)]], ids)
            plsc.store_scatter(tos_v, [s2_v[pl.ds(i, 16)]], ids)

        pltpu.sync_copy(tos_v, tos_hbm)


_ROWS_PER_W = NSLOT // NW
_CHUNK = 32


@functools.lru_cache(maxsize=None)
def _sc_dispatch_kernel():
    return pl.kernel(
        _sc_dispatch_body,
        out_type=jax.ShapeDtypeStruct((NSLOT, D), jnp.float32),
        mesh=_vec_mesh(),
        scratch_types=[pltpu.VMEM((_ROWS_PER_W,), jnp.int32),
                       pltpu.VMEM((_CHUNK, D), jnp.float32),
                       pltpu.VMEM((_CHUNK, D), jnp.float32),
                       pltpu.SemaphoreType.DMA,
                       pltpu.SemaphoreType.DMA,
                       pltpu.SemaphoreType.DMA,
                       pltpu.SemaphoreType.DMA],
    )


def _gather_rows_2buf(table_hbm, out_hbm, idx_v, chunks, rows, gsems, ssems):
    n = len(chunks)
    gh = [None] * n
    sh = [None] * n
    for i in range(min(2, n)):
        io_, _ = chunks[i]
        gh[i] = pltpu.async_copy(
            table_hbm.at[idx_v.at[pl.ds(io_, _CHUNK)]], rows[i % 2], gsems[i % 2])
    for i in range(n):
        _, oo = chunks[i]
        gh[i].wait()
        sh[i] = pltpu.async_copy(rows[i % 2], out_hbm.at[pl.ds(oo, _CHUNK)],
                                 ssems[i % 2])
        if i + 2 < n:
            io_, _ = chunks[i + 2]
            sh[i].wait()
            gh[i + 2] = pltpu.async_copy(
                table_hbm.at[idx_v.at[pl.ds(io_, _CHUNK)]], rows[i % 2],
                gsems[i % 2])
    for i in range(max(0, n - 2), n):
        sh[i].wait()


def _sc_dispatch_body(tos_hbm, tok_hbm, disp_hbm, idx_v, rows_a, rows_b,
                      gsem_a, gsem_b, ssem_a, ssem_b):
    cid = lax.axis_index("c")
    sid = lax.axis_index("s")
    base = (sid * 2 + cid) * _ROWS_PER_W
    pltpu.sync_copy(tos_hbm.at[pl.ds(base, _ROWS_PER_W)], idx_v)
    chunks = [(c, base + c) for c in range(0, _ROWS_PER_W, _CHUNK)]
    _gather_rows_2buf(tok_hbm, disp_hbm, idx_v, chunks,
                      [rows_a, rows_b], [gsem_a, gsem_b], [ssem_a, ssem_b])


_TOK_PER_W = S // NW


@functools.lru_cache(maxsize=None)
def _sc_combine_gather_kernel():
    return pl.kernel(
        _sc_combine_gather_body,
        out_type=[jax.ShapeDtypeStruct((S, D), jnp.float32)] * 2,
        mesh=_vec_mesh(),
        scratch_types=[pltpu.VMEM((2 * _TOK_PER_W,), jnp.int32),
                       pltpu.VMEM((_CHUNK, D), jnp.float32),
                       pltpu.VMEM((_CHUNK, D), jnp.float32),
                       pltpu.SemaphoreType.DMA,
                       pltpu.SemaphoreType.DMA,
                       pltpu.SemaphoreType.DMA,
                       pltpu.SemaphoreType.DMA],
    )


def _sc_combine_gather_body(oute_hbm, g1_hbm, g2_hbm, b1_hbm, b2_hbm,
                            idx_v, rows_a, rows_b,
                            gsem_a, gsem_b, ssem_a, ssem_b):
    cid = lax.axis_index("c")
    sid = lax.axis_index("s")
    base = (sid * 2 + cid) * _TOK_PER_W
    pltpu.sync_copy(g1_hbm.at[pl.ds(base, _TOK_PER_W)], idx_v.at[pl.ds(0, _TOK_PER_W)])
    pltpu.sync_copy(g2_hbm.at[pl.ds(base, _TOK_PER_W)],
                    idx_v.at[pl.ds(_TOK_PER_W, _TOK_PER_W)])
    rows = [rows_a, rows_b]
    gsems = [gsem_a, gsem_b]
    ssems = [ssem_a, ssem_b]
    n1 = _TOK_PER_W // _CHUNK
    gh = []
    sh = []
    outs = []
    for i in range(2 * n1):
        t, c = divmod(i, n1)
        outs.append((b1_hbm if t == 0 else b2_hbm, base + c * _CHUNK))
    for i in range(2):
        gh.append(pltpu.async_copy(
            oute_hbm.at[idx_v.at[pl.ds(i * _CHUNK, _CHUNK)]], rows[i % 2],
            gsems[i % 2]))
    for i in range(2 * n1):
        dst, off = outs[i]
        gh[i].wait()
        sh.append(pltpu.async_copy(rows[i % 2], dst.at[pl.ds(off, _CHUNK)],
                                   ssems[i % 2]))
        if i + 2 < 2 * n1:
            sh[i].wait()
            gh.append(pltpu.async_copy(
                oute_hbm.at[idx_v.at[pl.ds((i + 2) * _CHUNK, _CHUNK)]],
                rows[i % 2], gsems[i % 2]))
    for i in range(max(0, 2 * n1 - 2), 2 * n1):
        sh[i].wait()



def kernel(x, padding_mask, Wq, bq, Wk, bk, Wv, bv, Wo, bo,
           ln1_g, ln1_b, ln2_g, ln2_b, wg, fc1_w, fc1_b, fc2_w, fc2_b):
    del padding_mask
    xs = x.reshape(S, D)
    r1 = lambda a: a.reshape(1, D)
    q, k, v = _ln_qkv(xs, Wq, Wk, Wv, r1(bq), r1(bk), r1(bv),
                      r1(ln1_g), r1(ln1_b))
    ctx = _attention(q, k, v)
    x2, h2, lg = _post_attn(ctx, xs, Wo, r1(bo), r1(ln2_g), r1(ln2_b), wg)
    scat, gath, gw = _routing(lg)
    tos = _sc_build_tos_kernel()(scat[:, 0], scat[:, 1])
    disp = _sc_dispatch_kernel()(tos, h2)
    out_e = _ffn(disp, fc1_w, fc1_b.reshape(E, 1, FF), fc2_w,
                 fc2_b.reshape(E, 1, D))
    buf1, buf2 = _sc_combine_gather_kernel()(out_e, gath[:, 0], gath[:, 1])
    out = _combine(x2, gw, buf1, buf2)
    return out.reshape(T, B, D)

# --- scband reference (transcript-rebuilt; emitter-appended) ---
"""Pipeline reference for scband-transformer-encoder-layer-53498112638981 (READ-ONLY COPY).

The authoritative reference and input builder live on the scoring server;
editing this copy changes nothing except your own understanding.
"""

import jax, jax.numpy as jnp
import numpy as np

T, B, D = 2048, 1, 1024
H = 16
DH = D // H
FF = 4096
E = 8
S = T * B
CAP = 2 * S // E


def _ln(x, g, b):
    m = jnp.mean(x, axis=-1, keepdims=True)
    v = jnp.mean((x - m) ** 2, axis=-1, keepdims=True)
    return (x - m) / jnp.sqrt(v + 1e-5) * g + b


def _forward(x, Wq, bq, Wk, bk, Wv, bv, Wo, bo, ln1_g, ln1_b, ln2_g, ln2_b, wg, fc1_w, fc1_b, fc2_w, fc2_b, padding_mask):
    # pre-LN self-attention
    residual = x
    h = _ln(x, ln1_g, ln1_b)
    q = (h @ Wq + bq) * (DH ** -0.5)
    k = h @ Wk + bk
    v = h @ Wv + bv

    def split(t):
        return t.reshape(T, B, H, DH).transpose(1, 2, 0, 3)

    qh, kh, vh = split(q), split(k), split(v)
    scores = jnp.einsum('bhqd,bhkd->bhqk', qh, kh)
    scores = jnp.where(padding_mask[:, None, None, :], -1e9, scores)
    attn = jax.nn.softmax(scores, axis=-1)
    ctx = jnp.einsum('bhqk,bhkd->bhqd', attn, vh)
    ctx = ctx.transpose(2, 0, 1, 3).reshape(T, B, D)
    x = residual + (ctx @ Wo + bo)

    # pre-LN MoE FFN with Top2 gating (fairseq Top2Gate, eval mode, capacity = 2*S/E)
    residual = x
    h = _ln(x, ln2_g, ln2_b)
    tokens = h.transpose(1, 0, 2).reshape(S, D)
    logits = tokens @ wg
    gates = jax.nn.softmax(logits, axis=-1)
    idx1 = jnp.argmax(gates, axis=-1)
    mask1 = jax.nn.one_hot(idx1, E, dtype=jnp.float32)
    logits_no1 = jnp.where(mask1 > 0, -jnp.inf, logits)
    idx2 = jnp.argmax(logits_no1, axis=-1)
    mask2 = jax.nn.one_hot(idx2, E, dtype=jnp.float32)
    gates1 = jnp.sum(gates * mask1, axis=-1)
    gates2 = jnp.sum(gates * mask2, axis=-1)
    denom = jnp.clip(gates1 + gates2, 1e-9, None)
    gates1 = gates1 / denom
    gates2 = gates2 / denom
    loc1 = jnp.cumsum(mask1, axis=0) - 1.0
    loc2 = jnp.cumsum(mask2, axis=0) - 1.0 + jnp.sum(mask1, axis=0, keepdims=True)
    mask1 = mask1 * (loc1 < CAP)
    mask2 = mask2 * (loc2 < CAP)
    loc1_s = jnp.sum(loc1 * mask1, axis=-1).astype(jnp.int32)
    loc2_s = jnp.sum(loc2 * mask2, axis=-1).astype(jnp.int32)
    oh1 = jax.nn.one_hot(loc1_s, CAP, dtype=jnp.float32)
    oh2 = jax.nn.one_hot(loc2_s, CAP, dtype=jnp.float32)
    combine = (gates1[:, None] * mask1)[:, :, None] * oh1[:, None, :] + (gates2[:, None] * mask2)[:, :, None] * oh2[:, None, :]
    dispatch = (combine > 0).astype(jnp.float32)
    disp_tok = jnp.einsum('sec,sd->ecd', dispatch, tokens)
    hfc = jax.nn.relu(jnp.einsum('ecd,edf->ecf', disp_tok, fc1_w) + fc1_b[:, None, :])
    out_e = jnp.einsum('ecf,efd->ecd', hfc, fc2_w) + fc2_b[:, None, :]
    moe = jnp.einsum('sec,ecd->sd', combine, out_e)
    x = residual + moe.reshape(B, T, D).transpose(1, 0, 2)
    return x


def setup_inputs(seed: int = 0):
    key = jax.random.key(seed)
    ks = jax.random.split(key, 16)

    def w(i, shape, scale=0.02):
        return jax.random.normal(ks[i], shape, dtype=jnp.float32) * scale

    inp = {}
    inp['x'] = jax.random.normal(ks[0], (T, B, D), dtype=jnp.float32)
    inp['padding_mask'] = jnp.zeros((B, T), dtype=bool)
    inp['Wq'] = w(1, (D, D)); inp['bq'] = jnp.zeros((D,), jnp.float32)
    inp['Wk'] = w(2, (D, D)); inp['bk'] = jnp.zeros((D,), jnp.float32)
    inp['Wv'] = w(3, (D, D)); inp['bv'] = jnp.zeros((D,), jnp.float32)
    inp['Wo'] = w(4, (D, D)); inp['bo'] = jnp.zeros((D,), jnp.float32)
    inp['ln1_g'] = jnp.ones((D,), jnp.float32); inp['ln1_b'] = jnp.zeros((D,), jnp.float32)
    inp['ln2_g'] = jnp.ones((D,), jnp.float32); inp['ln2_b'] = jnp.zeros((D,), jnp.float32)
    inp['wg'] = w(5, (D, E))
    inp['fc1_w'] = w(6, (E, D, FF)); inp['fc1_b'] = jnp.zeros((E, FF), jnp.float32)
    inp['fc2_w'] = w(7, (E, FF, D)); inp['fc2_b'] = jnp.zeros((E, D), jnp.float32)
    return inp


def reference(x, padding_mask, Wq, bq, Wk, bk, Wv, bv, Wo, bo, ln1_g, ln1_b, ln2_g, ln2_b, wg, fc1_w, fc1_b, fc2_w, fc2_b):
    return _forward(x, Wq, bq, Wk, bk, Wv, bv, Wo, bo, ln1_g, ln1_b, ln2_g, ln2_b, wg, fc1_w, fc1_b, fc2_w, fc2_b, padding_mask)

if __name__ == "__main__":
    import jax
    _d = setup_inputs()
    print(jax.jit(kernel)(*tuple(_d.values())))

</pallas_src>

<mosaic_0001>
#map = affine_map<(d0, d1) -> (0)>
module attributes {stable_mosaic.version = 14 : i64} {
  func.func @_sc_build_tos_body(%arg0: i32, %arg1: i32, %arg2: memref<2048xi32, #tpu.memory_space<hbm>>, %arg3: memref<2048xi32, #tpu.memory_space<hbm>>, %arg4: memref<4112xi32, #tpu.memory_space<hbm>>, %arg5: memref<4112xi32, #tpu.memory_space<vmem>>, %arg6: memref<2048xi32, #tpu.memory_space<vmem>>, %arg7: memref<2048xi32, #tpu.memory_space<vmem>>) attributes {dimension_semantics = [#tpu.dimension_semantics<core_parallel>, #tpu.dimension_semantics<subcore_parallel>], iteration_bounds = array<i64: 2, 16>, scalar_prefetch = 0 : i64, scratch_operands = 3 : i64, tpu.core_type = #tpu.core_type<sc_vector_subcore>, window_params = [{transform_indices = #map}, {transform_indices = #map}, {transform_indices = #map}]} {
    %eq3A = arith.constant 0 : i32
    %eq3A_0 = arith.cmpi eq, %arg0, %eq3A : i32
    %eq3A_1 = arith.constant 0 : i32
    %eq3A_2 = arith.cmpi eq, %arg1, %eq3A_1 : i32
    %and3A = arith.andi %eq3A_0, %eq3A_2 : i1
    %convert_element_type3A = arith.extui %and3A : i1 to i32
    %cond3A = arith.constant 0 : i32
    %cond3A_3 = arith.cmpi ne, %convert_element_type3A, %cond3A : i32
    scf.if %cond3A_3 {
      "tpu.region"() ({
        %run_scoped3A = tpu.sem_alloc : memref<!tpu.dma_semaphore, #tpu.memory_space<semaphore_mem>>
        tpu.enqueue_dma source(%arg2 : memref<2048xi32, #tpu.memory_space<hbm>>) target(%arg6 : memref<2048xi32, #tpu.memory_space<vmem>>) target_semaphore(%run_scoped3A : memref<!tpu.dma_semaphore, #tpu.memory_space<semaphore_mem>>)
        tpu.wait_dma2 semaphore(%run_scoped3A : memref<!tpu.dma_semaphore, #tpu.memory_space<semaphore_mem>>) src(%arg2 : memref<2048xi32, #tpu.memory_space<hbm>>) dst(%arg6 : memref<2048xi32, #tpu.memory_space<vmem>>)
        tpu.yield
      }) : () -> ()
      "tpu.region"() ({
        %run_scoped3A = tpu.sem_alloc : memref<!tpu.dma_semaphore, #tpu.memory_space<semaphore_mem>>
        tpu.enqueue_dma source(%arg3 : memref<2048xi32, #tpu.memory_space<hbm>>) target(%arg7 : memref<2048xi32, #tpu.memory_space<vmem>>) target_semaphore(%run_scoped3A : memref<!tpu.dma_semaphore, #tpu.memory_space<semaphore_mem>>)
        tpu.wait_dma2 semaphore(%run_scoped3A : memref<!tpu.dma_semaphore, #tpu.memory_space<semaphore_mem>>) src(%arg3 : memref<2048xi32, #tpu.memory_space<hbm>>) dst(%arg7 : memref<2048xi32, #tpu.memory_space<vmem>>)
        tpu.yield
      }) : () -> ()
      %scan3A = arith.constant 0 : i32
      %scan3A_4 = arith.constant 257 : i32
      %scan3A_5 = arith.addi %scan3A, %scan3A_4 : i32
      %scan3A_6 = arith.constant 1 : i32
      scf.for %scan3A_13 = %scan3A to %scan3A_5 step %scan3A_6  : i32 {
        %mul3A = arith.constant 16 : i32
        %mul3A_14 = arith.muli %scan3A_13, %mul3A : i32
        %add3A = arith.constant 0 : i32
        %add3A_15 = arith.addi %add3A, %mul3A_14 : i32
        %broadcast_in_dim3A = arith.constant 0 : i32
        %broadcast_in_dim3A_16 = vector.broadcast %broadcast_in_dim3A : i32 to vector<16xi32>
        %swap3A = arith.index_cast %add3A_15 : i32 to index
        %swap3A_17 = tpu.vector_load %arg5[%swap3A] {strides = array<i32>} : memref<4112xi32, #tpu.memory_space<vmem>>, vector<16xi32>,
        tpu.vector_store %arg5[%swap3A], %broadcast_in_dim3A_16 {strides = array<i32>} : memref<4112xi32, #tpu.memory_space<vmem>>, vector<16xi32>,
      }
      %scan3A_7 = arith.constant 257 : i32
      %scan3A_8 = arith.constant 0 : i32
      %scan3A_9 = arith.constant 128 : i32
      %scan3A_10 = arith.addi %scan3A_8, %scan3A_9 : i32
      %scan3A_11 = arith.constant 1 : i32
      scf.for %scan3A_13 = %scan3A_8 to %scan3A_10 step %scan3A_11  : i32 {
        %mul3A = arith.constant 16 : i32
        %mul3A_14 = arith.muli %scan3A_13, %mul3A : i32
        %add3A = arith.constant 0 : i32
        %add3A_15 = arith.addi %add3A, %mul3A_14 : i32
        %iota3A = tpu.iota {dimensions = array<i32: 0>} : vector<16xi32>
        %add3A_16 = vector.broadcast %add3A_15 : i32 to vector<16xi32>
        %add3A_17 = arith.addi %iota3A, %add3A_16 : vector<16xi32>
        %get3A = arith.index_cast %add3A_15 : i32 to index
        %get3A_18 = tpu.vector_load %arg6[%get3A] {strides = array<i32>} : memref<2048xi32, #tpu.memory_space<vmem>>, vector<16xi32>,
        tpu.vector_store_idx %arg5[%get3A_18], %add3A_17 : memref<4112xi32, #tpu.memory_space<vmem>>[vector<16xi32>], vector<16xi32>,
        %get3A_19 = arith.index_cast %add3A_15 : i32 to index
        %get3A_20 = tpu.vector_load %arg7[%get3A_19] {strides = array<i32>} : memref<2048xi32, #tpu.memory_space<vmem>>, vector<16xi32>,
        tpu.vector_store_idx %arg5[%get3A_20], %add3A_17 : memref<4112xi32, #tpu.memory_space<vmem>>[vector<16xi32>], vector<16xi32>,
      }
      %scan3A_12 = arith.constant 128 : i32
      "tpu.region"() ({
        %run_scoped3A = tpu.sem_alloc : memref<!tpu.dma_semaphore, #tpu.memory_space<semaphore_mem>>
        tpu.enqueue_dma source(%arg5 : memref<4112xi32, #tpu.memory_space<vmem>>) target(%arg4 : memref<4112xi32, #tpu.memory_space<hbm>>) target_semaphore(%run_scoped3A : memref<!tpu.dma_semaphore, #tpu.memory_space<semaphore_mem>>)
        tpu.wait_dma2 semaphore(%run_scoped3A : memref<!tpu.dma_semaphore, #tpu.memory_space<semaphore_mem>>) src(%arg5 : memref<4112xi32, #tpu.memory_space<vmem>>) dst(%arg4 : memref<4112xi32, #tpu.memory_space<hbm>>)
        tpu.yield
      }) : () -> ()
    } else {
    }
    return
  }
}

#map = affine_map<(d0, d1) -> (0)>
#map1 = affine_map<(d0, d1) -> (0, 0)>
module attributes {stable_mosaic.version = 14 : i64} {
  func.func @_sc_dispatch_body(%arg0: i32, %arg1: i32, %arg2: memref<4112xi32, #tpu.memory_space<hbm>>, %arg3: memref<2048x1024xf32, #tpu.memory_space<hbm>>, %arg4: memref<4096x1024xf32, #tpu.memory_space<hbm>>, %arg5: memref<128xi32, #tpu.memory_space<vmem>>, %arg6: memref<32x1024xf32, #tpu.memory_space<vmem>>, %arg7: memref<32x1024xf32, #tpu.memory_space<vmem>>, %arg8: memref<!tpu.dma_semaphore, #tpu.memory_space<semaphore_mem>>, %arg9: memref<!tpu.dma_semaphore, #tpu.memory_space<semaphore_mem>>, %arg10: memref<!tpu.dma_semaphore, #tpu.memory_space<semaphore_mem>>, %arg11: memref<!tpu.dma_semaphore, #tpu.memory_space<semaphore_mem>>) attributes {dimension_semantics = [#tpu.dimension_semantics<core_parallel>, #tpu.dimension_semantics<subcore_parallel>], iteration_bounds = array<i64: 2, 16>, scalar_prefetch = 0 : i64, scratch_operands = 7 : i64, tpu.core_type = #tpu.core_type<sc_vector_subcore>, window_params = [{transform_indices = #map}, {transform_indices = #map1}, {transform_indices = #map1}]} {
    %mul3A = arith.constant 2 : i32
    %mul3A_0 = arith.muli %arg1, %mul3A : i32
    %add3A = arith.addi %mul3A_0, %arg0 : i32
    %mul3A_1 = arith.constant 128 : i32
    %mul3A_2 = arith.muli %add3A, %mul3A_1 : i32
    "tpu.region"() ({
      %run_scoped3A = tpu.sem_alloc : memref<!tpu.dma_semaphore, #tpu.memory_space<semaphore_mem>>
      %dma_start3A_81 = tpu.memref_slice %arg2[%mul3A_2] : memref<4112xi32, #tpu.memory_space<hbm>> -> memref<128xi32, #tpu.memory_space<hbm>>
      %dma_start3A_82 = tpu.memref_slice %arg2[%mul3A_2] : memref<4112xi32, #tpu.memory_space<hbm>> -> memref<128xi32, #tpu.memory_space<hbm>>
      tpu.enqueue_dma source(%dma_start3A_82 : memref<128xi32, #tpu.memory_space<hbm>>) target(%arg5 : memref<128xi32, #tpu.memory_space<vmem>>) target_semaphore(%run_scoped3A : memref<!tpu.dma_semaphore, #tpu.memory_space<semaphore_mem>>)
      %dma_wait3A_83 = tpu.memref_slice %arg2[%mul3A_2] : memref<4112xi32, #tpu.memory_space<hbm>> -> memref<128xi32, #tpu.memory_space<hbm>>
      %dma_wait3A_84 = tpu.memref_slice %arg2[%mul3A_2] : memref<4112xi32, #tpu.memory_space<hbm>> -> memref<128xi32, #tpu.memory_space<hbm>>
      tpu.wait_dma2 semaphore(%run_scoped3A : memref<!tpu.dma_semaphore, #tpu.memory_space<semaphore_mem>>) src(%dma_wait3A_84 : memref<128xi32, #tpu.memory_space<hbm>>) dst(%arg5 : memref<128xi32, #tpu.memory_space<vmem>>)
      tpu.yield
    }) : () -> ()
    %add3A_3 = arith.constant 0 : i32
    %add3A_4 = arith.addi %mul3A_2, %add3A_3 : i32
    %add3A_5 = arith.constant 32 : i32
    %add3A_6 = arith.addi %mul3A_2, %add3A_5 : i32
    %add3A_7 = arith.constant 64 : i32
    %add3A_8 = arith.addi %mul3A_2, %add3A_7 : i32
    %add3A_9 = arith.constant 96 : i32
    %add3A_10 = arith.addi %mul3A_2, %add3A_9 : i32
    %dma_start3A = arith.constant 0 : i32
    %dma_start3A_11 = tpu.memref_slice %arg5[%dma_start3A] : memref<128xi32, #tpu.memory_space<vmem>> -> memref<32xi32, #tpu.memory_space<vmem>>
    %dma_start3A_12 = arith.constant 0 : i32
    %dma_start3A_13 = arith.constant 0 : i32
    %dma_start3A_14 = tpu.memref_slice %arg3[%dma_start3A_12, %dma_start3A_13] : memref<2048x1024xf32, #tpu.memory_space<hbm>> -> memref<2048x1024xf32, #tpu.memory_space<hbm>>
    tpu.enqueue_indirect_dma source(%dma_start3A_14 : memref<2048x1024xf32, #tpu.memory_space<hbm>>) target(%arg6 : memref<32x1024xf32, #tpu.memory_space<vmem>>) offsets(%dma_start3A_11 : memref<32xi32, #tpu.memory_space<vmem>>) semaphore(%arg8 : memref<!tpu.dma_semaphore, #tpu.memory_space<semaphore_mem>>)
    %dma_start3A_15 = arith.constant 32 : i32
    %dma_start3A_16 = tpu.memref_slice %arg5[%dma_start3A_15] : memref<128xi32, #tpu.memory_space<vmem>> -> memref<32xi32, #tpu.memory_space<vmem>>
    %dma_start3A_17 = arith.constant 0 : i32
    %dma_start3A_18 = arith.constant 0 : i32
    %dma_start3A_19 = tpu.memref_slice %arg3[%dma_start3A_17, %dma_start3A_18] : memref<2048x1024xf32, #tpu.memory_space<hbm>> -> memref<2048x1024xf32, #tpu.memory_space<hbm>>
    tpu.enqueue_indirect_dma source(%dma_start3A_19 : memref<2048x1024xf32, #tpu.memory_space<hbm>>) target(%arg7 : memref<32x1024xf32, #tpu.memory_space<vmem>>) offsets(%dma_start3A_16 : memref<32xi32, #tpu.memory_space<vmem>>) semaphore(%arg9 : memref<!tpu.dma_semaphore, #tpu.memory_space<semaphore_mem>>)
    %dma_wait3A = arith.constant 0 : i32
    %dma_wait3A_20 = tpu.memref_slice %arg5[%dma_wait3A] : memref<128xi32, #tpu.memory_space<vmem>> -> memref<32xi32, #tpu.memory_space<vmem>>
    %dma_wait3A_21 = arith.constant 0 : i32
    %dma_wait3A_22 = arith.constant 0 : i32
    %dma_wait3A_23 = tpu.memref_slice %arg3[%dma_wait3A_21, %dma_wait3A_22] : memref<2048x1024xf32, #tpu.memory_space<hbm>> -> memref<2048x1024xf32, #tpu.memory_space<hbm>>
    tpu.wait_indirect_dma semaphore(%arg8 : memref<!tpu.dma_semaphore, #tpu.memory_space<semaphore_mem>>) src(%dma_wait3A_23 : memref<2048x1024xf32, #tpu.memory_space<hbm>>) dst(%arg6 : memref<32x1024xf32, #tpu.memory_space<vmem>>)
    %dma_start3A_24 = arith.constant 0 : i32
    %dma_start3A_25 = tpu.memref_slice %arg4[%add3A_4, %dma_start3A_24] : memref<4096x1024xf32, #tpu.memory_space<hbm>> -> memref<32x1024xf32, #tpu.memory_space<hbm>>
    %dma_start3A_26 = arith.constant 0 : i32
    %dma_start3A_27 = tpu.memref_slice %arg4[%add3A_4, %dma_start3A_26] : memref<4096x1024xf32, #tpu.memory_space<hbm>> -> memref<32x1024xf32, #tpu.memory_space<hbm>>
    tpu.enqueue_dma source(%arg6 : memref<32x1024xf32, #tpu.memory_space<vmem>>) target(%dma_start3A_27 : memref<32x1024xf32, #tpu.memory_space<hbm>>) target_semaphore(%arg10 : memref<!tpu.dma_semaphore, #tpu.memory_space<semaphore_mem>>)
    %dma_wait3A_28 = arith.constant 0 : i32
    %dma_wait3A_29 = tpu.memref_slice %arg4[%add3A_4, %dma_wait3A_28] : memref<4096x1024xf32, #tpu.memory_space<hbm>> -> memref<32x1024xf32, #tpu.memory_space<hbm>>
    %dma_wait3A_30 = arith.constant 0 : i32
    %dma_wait3A_31 = tpu.memref_slice %arg4[%add3A_4, %dma_wait3A_30] : memref<4096x1024xf32, #tpu.memory_space<hbm>> -> memref<32x1024xf32, #tpu.memory_space<hbm>>
    tpu.wait_dma2 semaphore(%arg10 : memref<!tpu.dma_semaphore, #tpu.memory_space<semaphore_mem>>) src(%arg6 : memref<32x1024xf32, #tpu.memory_space<vmem>>) dst(%dma_wait3A_31 : memref<32x1024xf32, #tpu.memory_space<hbm>>)
    %dma_start3A_32 = arith.constant 64 : i32
    %dma_start3A_33 = tpu.memref_slice %arg5[%dma_start3A_32] : memref<128xi32, #tpu.memory_space<vmem>> -> memref<32xi32, #tpu.memory_space<vmem>>
    %dma_start3A_34 = arith.constant 0 : i32
    %dma_start3A_35 = arith.constant 0 : i32
    %dma_start3A_36 = tpu.memref_slice %arg3[%dma_start3A_34, %dma_start3A_35] : memref<2048x1024xf32, #tpu.memory_space<hbm>> -> memref<2048x1024xf32, #tpu.memory_space<hbm>>
    tpu.enqueue_indirect_dma source(%dma_start3A_36 : memref<2048x1024xf32, #tpu.memory_space<hbm>>) target(%arg6 : memref<32x1024xf32, #tpu.memory_space<vmem>>) offsets(%dma_start3A_33 : memref<32xi32, #tpu.memory_space<vmem>>) semaphore(%arg8 : memref<!tpu.dma_semaphore, #tpu.memory_space<semaphore_mem>>)
    %dma_wait3A_37 = arith.constant 32 : i32
    %dma_wait3A_38 = tpu.memref_slice %arg5[%dma_wait3A_37] : memref<128xi32, #tpu.memory_space<vmem>> -> memref<32xi32, #tpu.memory_space<vmem>>
    %dma_wait3A_39 = arith.constant 0 : i32
    %dma_wait3A_40 = arith.constant 0 : i32
    %dma_wait3A_41 = tpu.memref_slice %arg3[%dma_wait3A_39, %dma_wait3A_40] : memref<2048x1024xf32, #tpu.memory_space<hbm>> -> memref<2048x1024xf32, #tpu.memory_space<hbm>>
    tpu.wait_indirect_dma semaphore(%arg9 : memref<!tpu.dma_semaphore, #tpu.memory_space<semaphore_mem>>) src(%dma_wait3A_41 : memref<2048x1024xf32, #tpu.memory_space<hbm>>) dst(%arg7 : memref<32x1024xf32, #tpu.memory_space<vmem>>)
    %dma_start3A_42 = arith.constant 0 : i32
    %dma_start3A_43 = tpu.memref_slice %arg4[%add3A_6, %dma_start3A_42] : memref<4096x1024xf32, #tpu.memory_space<hbm>> -> memref<32x1024xf32, #tpu.memory_space<hbm>>
    %dma_start3A_44 = arith.constant 0 : i32
    %dma_start3A_45 = tpu.memref_slice %arg4[%add3A_6, %dma_start3A_44] : memref<4096x1024xf32, #tpu.memory_space<hbm>> -> memref<32x1024xf32, #tpu.memory_space<hbm>>
    tpu.enqueue_dma source(%arg7 : memref<32x1024xf32, #tpu.memory_space<vmem>>) target(%dma_start3A_45 : memref<32x1024xf32, #tpu.memory_space<hbm>>) target_semaphore(%arg11 : memref<!tpu.dma_semaphore, #tpu.memory_space<semaphore_mem>>)
    %dma_wait3A_46 = arith.constant 0 : i32
    %dma_wait3A_47 = tpu.memref_slice %arg4[%add3A_6, %dma_wait3A_46] : memref<4096x1024xf32, #tpu.memory_space<hbm>> -> memref<32x1024xf32, #tpu.memory_space<hbm>>
    %dma_wait3A_48 = arith.constant 0 : i32
    %dma_wait3A_49 = tpu.memref_slice %arg4[%add3A_6, %dma_wait3A_48] : memref<4096x1024xf32, #tpu.memory_space<hbm>> -> memref<32x1024xf32, #tpu.memory_space<hbm>>
    tpu.wait_dma2 semaphore(%arg11 : memref<!tpu.dma_semaphore, #tpu.memory_space<semaphore_mem>>) src(%arg7 : memref<32x1024xf32, #tpu.memory_space<vmem>>) dst(%dma_wait3A_49 : memref<32x1024xf32, #tpu.memory_space<hbm>>)
    %dma_start3A_50 = arith.constant 96 : i32
    %dma_start3A_51 = tpu.memref_slice %arg5[%dma_start3A_50] : memref<128xi32, #tpu.memory_space<vmem>> -> memref<32xi32, #tpu.memory_space<vmem>>
    %dma_start3A_52 = arith.constant 0 : i32
    %dma_start3A_53 = arith.constant 0 : i32
    %dma_start3A_54 = tpu.memref_slice %arg3[%dma_start3A_52, %dma_start3A_53] : memref<2048x1024xf32, #tpu.memory_space<hbm>> -> memref<2048x1024xf32, #tpu.memory_space<hbm>>
    tpu.enqueue_indirect_dma source(%dma_start3A_54 : memref<2048x1024xf32, #tpu.memory_space<hbm>>) target(%arg7 : memref<32x1024xf32, #tpu.memory_space<vmem>>) offsets(%dma_start3A_51 : memref<32xi32, #tpu.memory_space<vmem>>) semaphore(%arg9 : memref<!tpu.dma_semaphore, #tpu.memory_space<semaphore_mem>>)
    %dma_wait3A_55 = arith.constant 64 : i32
    %dma_wait3A_56 = tpu.memref_slice %arg5[%dma_wait3A_55] : memref<128xi32, #tpu.memory_space<vmem>> -> memref<32xi32, #tpu.memory_space<vmem>>
    %dma_wait3A_57 = arith.constant 0 : i32
    %dma_wait3A_58 = arith.constant 0 : i32
    %dma_wait3A_59 = tpu.memref_slice %arg3[%dma_wait3A_57, %dma_wait3A_58] : memref<2048x1024xf32, #tpu.memory_space<hbm>> -> memref<2048x1024xf32, #tpu.memory_space<hbm>>
    tpu.wait_indirect_dma semaphore(%arg8 : memref<!tpu.dma_semaphore, #tpu.memory_space<semaphore_mem>>) src(%dma_wait3A_59 : memref<2048x1024xf32, #tpu.memory_space<hbm>>) dst(%arg6 : memref<32x1024xf32, #tpu.memory_space<vmem>>)
    %dma_start3A_60 = arith.constant 0 : i32
    %dma_start3A_61 = tpu.memref_slice %arg4[%add3A_8, %dma_start3A_60] : memref<4096x1024xf32, #tpu.memory_space<hbm>> -> memref<32x1024xf32, #tpu.memory_space<hbm>>
    %dma_start3A_62 = arith.constant 0 : i32
    %dma_start3A_63 = tpu.memref_slice %arg4[%add3A_8, %dma_start3A_62] : memref<4096x1024xf32, #tpu.memory_space<hbm>> -> memref<32x1024xf32, #tpu.memory_space<hbm>>
    tpu.enqueue_dma source(%arg6 : memref<32x1024xf32, #tpu.memory_space<vmem>>) target(%dma_start3A_63 : memref<32x1024xf32, #tpu.memory_space<hbm>>) target_semaphore(%arg10 : memref<!tpu.dma_semaphore, #tpu.memory_space<semaphore_mem>>)
    %dma_wait3A_64 = arith.constant 96 : i32
    %dma_wait3A_65 = tpu.memref_slice %arg5[%dma_wait3A_64] : memref<128xi32, #tpu.memory_space<vmem>> -> memref<32xi32, #tpu.memory_space<vmem>>
    %dma_wait3A_66 = arith.constant 0 : i32
    %dma_wait3A_67 = arith.constant 0 : i32
    %dma_wait3A_68 = tpu.memref_slice %arg3[%dma_wait3A_66, %dma_wait3A_67] : memref<2048x1024xf32, #tpu.memory_space<hbm>> -> memref<2048x1024xf32, #tpu.memory_space<hbm>>
    tpu.wait_indirect_dma semaphore(%arg9 : memref<!tpu.dma_semaphore, #tpu.memory_space<semaphore_mem>>) src(%dma_wait3A_68 : memref<2048x1024xf32, #tpu.memory_space<hbm>>) dst(%arg7 : memref<32x1024xf32, #tpu.memory_space<vmem>>)
    %dma_start3A_69 = arith.constant 0 : i32
    %dma_start3A_70 = tpu.memref_slice %arg4[%add3A_10, %dma_start3A_69] : memref<4096x1024xf32, #tpu.memory_space<hbm>> -> memref<32x1024xf32, #tpu.memory_space<hbm>>
    %dma_start3A_71 = arith.constant 0 : i32
    %dma_start3A_72 = tpu.memref_slice %arg4[%add3A_10, %dma_start3A_71] : memref<4096x1024xf32, #tpu.memory_space<hbm>> -> memref<32x1024xf32, #tpu.memory_space<hbm>>
    tpu.enqueue_dma source(%arg7 : memref<32x1024xf32, #tpu.memory_space<vmem>>) target(%dma_start3A_72 : memref<32x1024xf32, #tpu.memory_space<hbm>>) target_semaphore(%arg11 : memref<!tpu.dma_semaphore, #tpu.memory_space<semaphore_mem>>)
    %dma_wait3A_73 = arith.constant 0 : i32
    %dma_wait3A_74 = tpu.memref_slice %arg4[%add3A_8, %dma_wait3A_73] : memref<4096x1024xf32, #tpu.memory_space<hbm>> -> memref<32x1024xf32, #tpu.memory_space<hbm>>
    %dma_wait3A_75 = arith.constant 0 : i32
    %dma_wait3A_76 = tpu.memref_slice %arg4[%add3A_8, %dma_wait3A_75] : memref<4096x1024xf32, #tpu.memory_space<hbm>> -> memref<32x1024xf32, #tpu.memory_space<hbm>>
    tpu.wait_dma2 semaphore(%arg10 : memref<!tpu.dma_semaphore, #tpu.memory_space<semaphore_mem>>) src(%arg6 : memref<32x1024xf32, #tpu.memory_space<vmem>>) dst(%dma_wait3A_76 : memref<32x1024xf32, #tpu.memory_space<hbm>>)
    %dma_wait3A_77 = arith.constant 0 : i32
    %dma_wait3A_78 = tpu.memref_slice %arg4[%add3A_10, %dma_wait3A_77] : memref<4096x1024xf32, #tpu.memory_space<hbm>> -> memref<32x1024xf32, #tpu.memory_space<hbm>>
    %dma_wait3A_79 = arith.constant 0 : i32
    %dma_wait3A_80 = tpu.memref_slice %arg4[%add3A_10, %dma_wait3A_79] : memref<4096x1024xf32, #tpu.memory_space<hbm>> -> memref<32x1024xf32, #tpu.memory_space<hbm>>
    tpu.wait_dma2 semaphore(%arg11 : memref<!tpu.dma_semaphore, #tpu.memory_space<semaphore_mem>>) src(%arg7 : memref<32x1024xf32, #tpu.memory_space<vmem>>) dst(%dma_wait3A_80 : memref<32x1024xf32, #tpu.memory_space<hbm>>)
    return
  }
}

#map = affine_map<(d0, d1) -> (0, 0)>
#map1 = affine_map<(d0, d1) -> (0)>
module attributes {stable_mosaic.version = 14 : i64} {
  func.func @_sc_combine_gather_body(%arg0: i32, %arg1: i32, %arg2: memref<4096x1024xf32, #tpu.memory_space<hbm>>, %arg3: memref<2048xi32, #tpu.memory_space<hbm>>, %arg4: memref<2048xi32, #tpu.memory_space<hbm>>, %arg5: memref<2048x1024xf32, #tpu.memory_space<hbm>>, %arg6: memref<2048x1024xf32, #tpu.memory_space<hbm>>, %arg7: memref<128xi32, #tpu.memory_space<vmem>>, %arg8: memref<32x1024xf32, #tpu.memory_space<vmem>>, %arg9: memref<32x1024xf32, #tpu.memory_space<vmem>>, %arg10: memref<!tpu.dma_semaphore, #tpu.memory_space<semaphore_mem>>, %arg11: memref<!tpu.dma_semaphore, #tpu.memory_space<semaphore_mem>>, %arg12: memref<!tpu.dma_semaphore, #tpu.memory_space<semaphore_mem>>, %arg13: memref<!tpu.dma_semaphore, #tpu.memory_space<semaphore_mem>>) attributes {dimension_semantics = [#tpu.dimension_semantics<core_parallel>, #tpu.dimension_semantics<subcore_parallel>], iteration_bounds = array<i64: 2, 16>, scalar_prefetch = 0 : i64, scratch_operands = 7 : i64, tpu.core_type = #tpu.core_type<sc_vector_subcore>, window_params = [{transform_indices = #map}, {transform_indices = #map1}, {transform_indices = #map1}, {transform_indices = #map}, {transform_indices = #map}]} {
    %mul3A = arith.constant 2 : i32
    %mul3A_0 = arith.muli %arg1, %mul3A : i32
    %add3A = arith.addi %mul3A_0, %arg0 : i32
    %mul3A_1 = arith.constant 64 : i32
    %mul3A_2 = arith.muli %add3A, %mul3A_1 : i32
    "tpu.region"() ({
      %run_scoped3A = tpu.sem_alloc : memref<!tpu.dma_semaphore, #tpu.memory_space<semaphore_mem>>
      %dma_start3A_81 = arith.constant 0 : i32
      %dma_start3A_82 = tpu.memref_slice %arg7[%dma_start3A_81] : memref<128xi32, #tpu.memory_space<vmem>> -> memref<64xi32, #tpu.memory_space<vmem>>
      %dma_start3A_83 = tpu.memref_slice %arg3[%mul3A_2] : memref<2048xi32, #tpu.memory_space<hbm>> -> memref<64xi32, #tpu.memory_space<hbm>>
      %dma_start3A_84 = arith.constant 0 : i32
      %dma_start3A_85 = tpu.memref_slice %arg7[%dma_start3A_84] : memref<128xi32, #tpu.memory_space<vmem>> -> memref<64xi32, #tpu.memory_space<vmem>>
      %dma_start3A_86 = tpu.memref_slice %arg3[%mul3A_2] : memref<2048xi32, #tpu.memory_space<hbm>> -> memref<64xi32, #tpu.memory_space<hbm>>
      tpu.enqueue_dma source(%dma_start3A_86 : memref<64xi32, #tpu.memory_space<hbm>>) target(%dma_start3A_85 : memref<64xi32, #tpu.memory_space<vmem>>) target_semaphore(%run_scoped3A : memref<!tpu.dma_semaphore, #tpu.memory_space<semaphore_mem>>)
      %dma_wait3A_87 = arith.constant 0 : i32
      %dma_wait3A_88 = tpu.memref_slice %arg7[%dma_wait3A_87] : memref<128xi32, #tpu.memory_space<vmem>> -> memref<64xi32, #tpu.memory_space<vmem>>
      %dma_wait3A_89 = tpu.memref_slice %arg3[%mul3A_2] : memref<2048xi32, #tpu.memory_space<hbm>> -> memref<64xi32, #tpu.memory_space<hbm>>
      %dma_wait3A_90 = arith.constant 0 : i32
      %dma_wait3A_91 = tpu.memref_slice %arg7[%dma_wait3A_90] : memref<128xi32, #tpu.memory_space<vmem>> -> memref<64xi32, #tpu.memory_space<vmem>>
      %dma_wait3A_92 = tpu.memref_slice %arg3[%mul3A_2] : memref<2048xi32, #tpu.memory_space<hbm>> -> memref<64xi32, #tpu.memory_space<hbm>>
      tpu.wait_dma2 semaphore(%run_scoped3A : memref<!tpu.dma_semaphore, #tpu.memory_space<semaphore_mem>>) src(%dma_wait3A_92 : memref<64xi32, #tpu.memory_space<hbm>>) dst(%dma_wait3A_91 : memref<64xi32, #tpu.memory_space<vmem>>)
      tpu.yield
    }) : () -> ()
    "tpu.region"() ({
      %run_scoped3A = tpu.sem_alloc : memref<!tpu.dma_semaphore, #tpu.memory_space<semaphore_mem>>
      %dma_start3A_81 = arith.constant 64 : i32
      %dma_start3A_82 = tpu.memref_slice %arg7[%dma_start3A_81] : memref<128xi32, #tpu.memory_space<vmem>> -> memref<64xi32, #tpu.memory_space<vmem>>
      %dma_start3A_83 = tpu.memref_slice %arg4[%mul3A_2] : memref<2048xi32, #tpu.memory_space<hbm>> -> memref<64xi32, #tpu.memory_space<hbm>>
      %dma_start3A_84 = arith.constant 64 : i32
      %dma_start3A_85 = tpu.memref_slice %arg7[%dma_start3A_84] : memref<128xi32, #tpu.memory_space<vmem>> -> memref<64xi32, #tpu.memory_space<vmem>>
      %dma_start3A_86 = tpu.memref_slice %arg4[%mul3A_2] : memref<2048xi32, #tpu.memory_space<hbm>> -> memref<64xi32, #tpu.memory_space<hbm>>
      tpu.enqueue_dma source(%dma_start3A_86 : memref<64xi32, #tpu.memory_space<hbm>>) target(%dma_start3A_85 : memref<64xi32, #tpu.memory_space<vmem>>) target_semaphore(%run_scoped3A : memref<!tpu.dma_semaphore, #tpu.memory_space<semaphore_mem>>)
      %dma_wait3A_87 = arith.constant 64 : i32
      %dma_wait3A_88 = tpu.memref_slice %arg7[%dma_wait3A_87] : memref<128xi32, #tpu.memory_space<vmem>> -> memref<64xi32, #tpu.memory_space<vmem>>
      %dma_wait3A_89 = tpu.memref_slice %arg4[%mul3A_2] : memref<2048xi32, #tpu.memory_space<hbm>> -> memref<64xi32, #tpu.memory_space<hbm>>
      %dma_wait3A_90 = arith.constant 64 : i32
      %dma_wait3A_91 = tpu.memref_slice %arg7[%dma_wait3A_90] : memref<128xi32, #tpu.memory_space<vmem>> -> memref<64xi32, #tpu.memory_space<vmem>>
      %dma_wait3A_92 = tpu.memref_slice %arg4[%mul3A_2] : memref<2048xi32, #tpu.memory_space<hbm>> -> memref<64xi32, #tpu.memory_space<hbm>>
      tpu.wait_dma2 semaphore(%run_scoped3A : memref<!tpu.dma_semaphore, #tpu.memory_space<semaphore_mem>>) src(%dma_wait3A_92 : memref<64xi32, #tpu.memory_space<hbm>>) dst(%dma_wait3A_91 : memref<64xi32, #tpu.memory_space<vmem>>)
      tpu.yield
    }) : () -> ()
    %add3A_3 = arith.constant 0 : i32
    %add3A_4 = arith.addi %mul3A_2, %add3A_3 : i32
    %add3A_5 = arith.constant 32 : i32
    %add3A_6 = arith.addi %mul3A_2, %add3A_5 : i32
    %add3A_7 = arith.constant 0 : i32
    %add3A_8 = arith.addi %mul3A_2, %add3A_7 : i32
    %add3A_9 = arith.constant 32 : i32
    %add3A_10 = arith.addi %mul3A_2, %add3A_9 : i32
    %dma_start3A = arith.constant 0 : i32
    %dma_start3A_11 = tpu.memref_slice %arg7[%dma_start3A] : memref<128xi32, #tpu.memory_space<vmem>> -> memref<32xi32, #tpu.memory_space<vmem>>
    %dma_start3A_12 = arith.constant 0 : i32
    %dma_start3A_13 = arith.constant 0 : i32
    %dma_start3A_14 = tpu.memref_slice %arg2[%dma_start3A_12, %dma_start3A_13] : memref<4096x1024xf32, #tpu.memory_space<hbm>> -> memref<4096x1024xf32, #tpu.memory_space<hbm>>
    tpu.enqueue_indirect_dma source(%dma_start3A_14 : memref<4096x1024xf32, #tpu.memory_space<hbm>>) target(%arg8 : memref<32x1024xf32, #tpu.memory_space<vmem>>) offsets(%dma_start3A_11 : memref<32xi32, #tpu.memory_space<vmem>>) semaphore(%arg10 : memref<!tpu.dma_semaphore, #tpu.memory_space<semaphore_mem>>)
    %dma_start3A_15 = arith.constant 32 : i32
    %dma_start3A_16 = tpu.memref_slice %arg7[%dma_start3A_15] : memref<128xi32, #tpu.memory_space<vmem>> -> memref<32xi32, #tpu.memory_space<vmem>>
    %dma_start3A_17 = arith.constant 0 : i32
    %dma_start3A_18 = arith.constant 0 : i32
    %dma_start3A_19 = tpu.memref_slice %arg2[%dma_start3A_17, %dma_start3A_18] : memref<4096x1024xf32, #tpu.memory_space<hbm>> -> memref<4096x1024xf32, #tpu.memory_space<hbm>>
    tpu.enqueue_indirect_dma source(%dma_start3A_19 : memref<4096x1024xf32, #tpu.memory_space<hbm>>) target(%arg9 : memref<32x1024xf32, #tpu.memory_space<vmem>>) offsets(%dma_start3A_16 : memref<32xi32, #tpu.memory_space<vmem>>) semaphore(%arg11 : memref<!tpu.dma_semaphore, #tpu.memory_space<semaphore_mem>>)
    %dma_wait3A = arith.constant 0 : i32
    %dma_wait3A_20 = tpu.memref_slice %arg7[%dma_wait3A] : memref<128xi32, #tpu.memory_space<vmem>> -> memref<32xi32, #tpu.memory_space<vmem>>
    %dma_wait3A_21 = arith.constant 0 : i32
    %dma_wait3A_22 = arith.constant 0 : i32
    %dma_wait3A_23 = tpu.memref_slice %arg2[%dma_wait3A_21, %dma_wait3A_22] : memref<4096x1024xf32, #tpu.memory_space<hbm>> -> memref<4096x1024xf32, #tpu.memory_space<hbm>>
    tpu.wait_indirect_dma semaphore(%arg10 : memref<!tpu.dma_semaphore, #tpu.memory_space<semaphore_mem>>) src(%dma_wait3A_23 : memref<4096x1024xf32, #tpu.memory_space<hbm>>) dst(%arg8 : memref<32x1024xf32, #tpu.memory_space<vmem>>)
    %dma_start3A_24 = arith.constant 0 : i32
    %dma_start3A_25 = tpu.memref_slice %arg5[%add3A_4, %dma_start3A_24] : memref<2048x1024xf32, #tpu.memory_space<hbm>> -> memref<32x1024xf32, #tpu.memory_space<hbm>>
    %dma_start3A_26 = arith.constant 0 : i32
    %dma_start3A_27 = tpu.memref_slice %arg5[%add3A_4, %dma_start3A_26] : memref<2048x1024xf32, #tpu.memory_space<hbm>> -> memref<32x1024xf32, #tpu.memory_space<hbm>>
    tpu.enqueue_dma source(%arg8 : memref<32x1024xf32, #tpu.memory_space<vmem>>) target(%dma_start3A_27 : memref<32x1024xf32, #tpu.memory_space<hbm>>) target_semaphore(%arg12 : memref<!tpu.dma_semaphore, #tpu.memory_space<semaphore_mem>>)
    %dma_wait3A_28 = arith.constant 0 : i32
    %dma_wait3A_29 = tpu.memref_slice %arg5[%add3A_4, %dma_wait3A_28] : memref<2048x1024xf32, #tpu.memory_space<hbm>> -> memref<32x1024xf32, #tpu.memory_space<hbm>>
    %dma_wait3A_30 = arith.constant 0 : i32
    %dma_wait3A_31 = tpu.memref_slice %arg5[%add3A_4, %dma_wait3A_30] : memref<2048x1024xf32, #tpu.memory_space<hbm>> -> memref<32x1024xf32, #tpu.memory_space<hbm>>
    tpu.wait_dma2 semaphore(%arg12 : memref<!tpu.dma_semaphore, #tpu.memory_space<semaphore_mem>>) src(%arg8 : memref<32x1024xf32, #tpu.memory_space<vmem>>) dst(%dma_wait3A_31 : memref<32x1024xf32, #tpu.memory_space<hbm>>)
    %dma_start3A_32 = arith.constant 64 : i32
    %dma_start3A_33 = tpu.memref_slice %arg7[%dma_start3A_32] : memref<128xi32, #tpu.memory_space<vmem>> -> memref<32xi32, #tpu.memory_space<vmem>>
    %dma_start3A_34 = arith.constant 0 : i32
    %dma_start3A_35 = arith.constant 0 : i32
    %dma_start3A_36 = tpu.memref_slice %arg2[%dma_start3A_34, %dma_start3A_35] : memref<4096x1024xf32, #tpu.memory_space<hbm>> -> memref<4096x1024xf32, #tpu.memory_space<hbm>>
    tpu.enqueue_indirect_dma source(%dma_start3A_36 : memref<4096x1024xf32, #tpu.memory_space<hbm>>) target(%arg8 : memref<32x1024xf32, #tpu.memory_space<vmem>>) offsets(%dma_start3A_33 : memref<32xi32, #tpu.memory_space<vmem>>) semaphore(%arg10 : memref<!tpu.dma_semaphore, #tpu.memory_space<semaphore_mem>>)
    %dma_wait3A_37 = arith.constant 32 : i32
    %dma_wait3A_38 = tpu.memref_slice %arg7[%dma_wait3A_37] : memref<128xi32, #tpu.memory_space<vmem>> -> memref<32xi32, #tpu.memory_space<vmem>>
    %dma_wait3A_39 = arith.constant 0 : i32
    %dma_wait3A_40 = arith.constant 0 : i32
    %dma_wait3A_41 = tpu.memref_slice %arg2[%dma_wait3A_39, %dma_wait3A_40] : memref<4096x1024xf32, #tpu.memory_space<hbm>> -> memref<4096x1024xf32, #tpu.memory_space<hbm>>
    tpu.wait_indirect_dma semaphore(%arg11 : memref<!tpu.dma_semaphore, #tpu.memory_space<semaphore_mem>>) src(%dma_wait3A_41 : memref<4096x1024xf32, #tpu.memory_space<hbm>>) dst(%arg9 : memref<32x1024xf32, #tpu.memory_space<vmem>>)
    %dma_start3A_42 = arith.constant 0 : i32
    %dma_start3A_43 = tpu.memref_slice %arg5[%add3A_6, %dma_start3A_42] : memref<2048x1024xf32, #tpu.memory_space<hbm>> -> memref<32x1024xf32, #tpu.memory_space<hbm>>
    %dma_start3A_44 = arith.constant 0 : i32
    %dma_start3A_45 = tpu.memref_slice %arg5[%add3A_6, %dma_start3A_44] : memref<2048x1024xf32, #tpu.memory_space<hbm>> -> memref<32x1024xf32, #tpu.memory_space<hbm>>
    tpu.enqueue_dma source(%arg9 : memref<32x1024xf32, #tpu.memory_space<vmem>>) target(%dma_start3A_45 : memref<32x1024xf32, #tpu.memory_space<hbm>>) target_semaphore(%arg13 : memref<!tpu.dma_semaphore, #tpu.memory_space<semaphore_mem>>)
    %dma_wait3A_46 = arith.constant 0 : i32
    %dma_wait3A_47 = tpu.memref_slice %arg5[%add3A_6, %dma_wait3A_46] : memref<2048x1024xf32, #tpu.memory_space<hbm>> -> memref<32x1024xf32, #tpu.memory_space<hbm>>
    %dma_wait3A_48 = arith.constant 0 : i32
    %dma_wait3A_49 = tpu.memref_slice %arg5[%add3A_6, %dma_wait3A_48] : memref<2048x1024xf32, #tpu.memory_space<hbm>> -> memref<32x1024xf32, #tpu.memory_space<hbm>>
    tpu.wait_dma2 semaphore(%arg13 : memref<!tpu.dma_semaphore, #tpu.memory_space<semaphore_mem>>) src(%arg9 : memref<32x1024xf32, #tpu.memory_space<vmem>>) dst(%dma_wait3A_49 : memref<32x1024xf32, #tpu.memory_space<hbm>>)
    %dma_start3A_50 = arith.constant 96 : i32
    %dma_start3A_51 = tpu.memref_slice %arg7[%dma_start3A_50] : memref<128xi32, #tpu.memory_space<vmem>> -> memref<32xi32, #tpu.memory_space<vmem>>
    %dma_start3A_52 = arith.constant 0 : i32
    %dma_start3A_53 = arith.constant 0 : i32
    %dma_start3A_54 = tpu.memref_slice %arg2[%dma_start3A_52, %dma_start3A_53] : memref<4096x1024xf32, #tpu.memory_space<hbm>> -> memref<4096x1024xf32, #tpu.memory_space<hbm>>
    tpu.enqueue_indirect_dma source(%dma_start3A_54 : memref<4096x1024xf32, #tpu.memory_space<hbm>>) target(%arg9 : memref<32x1024xf32, #tpu.memory_space<vmem>>) offsets(%dma_start3A_51 : memref<32xi32, #tpu.memory_space<vmem>>) semaphore(%arg11 : memref<!tpu.dma_semaphore, #tpu.memory_space<semaphore_mem>>)
    %dma_wait3A_55 = arith.constant 64 : i32
    %dma_wait3A_56 = tpu.memref_slice %arg7[%dma_wait3A_55] : memref<128xi32, #tpu.memory_space<vmem>> -> memref<32xi32, #tpu.memory_space<vmem>>
    %dma_wait3A_57 = arith.constant 0 : i32
    %dma_wait3A_58 = arith.constant 0 : i32
    %dma_wait3A_59 = tpu.memref_slice %arg2[%dma_wait3A_57, %dma_wait3A_58] : memref<4096x1024xf32, #tpu.memory_space<hbm>> -> memref<4096x1024xf32, #tpu.memory_space<hbm>>
    tpu.wait_indirect_dma semaphore(%arg10 : memref<!tpu.dma_semaphore, #tpu.memory_space<semaphore_mem>>) src(%dma_wait3A_59 : memref<4096x1024xf32, #tpu.memory_space<hbm>>) dst(%arg8 : memref<32x1024xf32, #tpu.memory_space<vmem>>)
    %dma_start3A_60 = arith.constant 0 : i32
    %dma_start3A_61 = tpu.memref_slice %arg6[%add3A_8, %dma_start3A_60] : memref<2048x1024xf32, #tpu.memory_space<hbm>> -> memref<32x1024xf32, #tpu.memory_space<hbm>>
    %dma_start3A_62 = arith.constant 0 : i32
    %dma_start3A_63 = tpu.memref_slice %arg6[%add3A_8, %dma_start3A_62] : memref<2048x1024xf32, #tpu.memory_space<hbm>> -> memref<32x1024xf32, #tpu.memory_space<hbm>>
    tpu.enqueue_dma source(%arg8 : memref<32x1024xf32, #tpu.memory_space<vmem>>) target(%dma_start3A_63 : memref<32x1024xf32, #tpu.memory_space<hbm>>) target_semaphore(%arg12 : memref<!tpu.dma_semaphore, #tpu.memory_space<semaphore_mem>>)
    %dma_wait3A_64 = arith.constant 96 : i32
    %dma_wait3A_65 = tpu.memref_slice %arg7[%dma_wait3A_64] : memref<128xi32, #tpu.memory_space<vmem>> -> memref<32xi32, #tpu.memory_space<vmem>>
    %dma_wait3A_66 = arith.constant 0 : i32
    %dma_wait3A_67 = arith.constant 0 : i32
    %dma_wait3A_68 = tpu.memref_slice %arg2[%dma_wait3A_66, %dma_wait3A_67] : memref<4096x1024xf32, #tpu.memory_space<hbm>> -> memref<4096x1024xf32, #tpu.memory_space<hbm>>
    tpu.wait_indirect_dma semaphore(%arg11 : memref<!tpu.dma_semaphore, #tpu.memory_space<semaphore_mem>>) src(%dma_wait3A_68 : memref<4096x1024xf32, #tpu.memory_space<hbm>>) dst(%arg9 : memref<32x1024xf32, #tpu.memory_space<vmem>>)
    %dma_start3A_69 = arith.constant 0 : i32
    %dma_start3A_70 = tpu.memref_slice %arg6[%add3A_10, %dma_start3A_69] : memref<2048x1024xf32, #tpu.memory_space<hbm>> -> memref<32x1024xf32, #tpu.memory_space<hbm>>
    %dma_start3A_71 = arith.constant 0 : i32
    %dma_start3A_72 = tpu.memref_slice %arg6[%add3A_10, %dma_start3A_71] : memref<2048x1024xf32, #tpu.memory_space<hbm>> -> memref<32x1024xf32, #tpu.memory_space<hbm>>
    tpu.enqueue_dma source(%arg9 : memref<32x1024xf32, #tpu.memory_space<vmem>>) target(%dma_start3A_72 : memref<32x1024xf32, #tpu.memory_space<hbm>>) target_semaphore(%arg13 : memref<!tpu.dma_semaphore, #tpu.memory_space<semaphore_mem>>)
    %dma_wait3A_73 = arith.constant 0 : i32
    %dma_wait3A_74 = tpu.memref_slice %arg6[%add3A_8, %dma_wait3A_73] : memref<2048x1024xf32, #tpu.memory_space<hbm>> -> memref<32x1024xf32, #tpu.memory_space<hbm>>
    %dma_wait3A_75 = arith.constant 0 : i32
    %dma_wait3A_76 = tpu.memref_slice %arg6[%add3A_8, %dma_wait3A_75] : memref<2048x1024xf32, #tpu.memory_space<hbm>> -> memref<32x1024xf32, #tpu.memory_space<hbm>>
    tpu.wait_dma2 semaphore(%arg12 : memref<!tpu.dma_semaphore, #tpu.memory_space<semaphore_mem>>) src(%arg8 : memref<32x1024xf32, #tpu.memory_space<vmem>>) dst(%dma_wait3A_76 : memref<32x1024xf32, #tpu.memory_space<hbm>>)
    %dma_wait3A_77 = arith.constant 0 : i32
    %dma_wait3A_78 = tpu.memref_slice %arg6[%add3A_10, %dma_wait3A_77] : memref<2048x1024xf32, #tpu.memory_space<hbm>> -> memref<32x1024xf32, #tpu.memory_space<hbm>>
    %dma_wait3A_79 = arith.constant 0 : i32
    %dma_wait3A_80 = tpu.memref_slice %arg6[%add3A_10, %dma_wait3A_79] : memref<2048x1024xf32, #tpu.memory_space<hbm>> -> memref<32x1024xf32, #tpu.memory_space<hbm>>
    tpu.wait_dma2 semaphore(%arg13 : memref<!tpu.dma_semaphore, #tpu.memory_space<semaphore_mem>>) src(%arg9 : memref<32x1024xf32, #tpu.memory_space<vmem>>) dst(%dma_wait3A_80 : memref<32x1024xf32, #tpu.memory_space<hbm>>)
    return
  }
}

module attributes {stable_mosaic.version = 14 : i64} {
  func.func @_attn_body(%arg0: i32, %arg1: i32, %arg2: memref<1x256x64xbf16, #tpu.memory_space<vmem>>, %arg3: memref<1x2048x64xbf16, #tpu.memory_space<vmem>>, %arg4: memref<1x2048x64xbf16, #tpu.memory_space<vmem>>, %arg5: memref<1x256x64xf32, #tpu.memory_space<vmem>>) attributes {dimension_semantics = [#tpu.dimension_semantics<arbitrary>, #tpu.dimension_semantics<arbitrary>], iteration_bounds = array<i64: 16, 8>, scalar_prefetch = 0 : i64, scratch_operands = 0 : i64, tpu.core_type = #tpu.core_type<tc>, window_params = [{transform_indices = @transform_0, window_bounds = array<i64: 1, 256, 64>}, {transform_indices = @transform_1, window_bounds = array<i64: 1, 2048, 64>}, {transform_indices = @transform_2, window_bounds = array<i64: 1, 2048, 64>}, {transform_indices = @transform_3, window_bounds = array<i64: 1, 256, 64>}]} {
    %get3A = arith.constant 0 : index
    %get3A_0 = arith.constant 0 : index
    %get3A_1 = arith.constant 0 : index
    %get3A_2 = vector.load %arg2[%get3A, %get3A_0, %get3A_1] : memref<1x256x64xbf16, #tpu.memory_space<vmem>>, vector<1x256x64xbf16>
    %get3A_3 = vector.shape_cast %get3A_2 : vector<1x256x64xbf16> to vector<256x64xbf16>
    %get3A_4 = arith.constant 0 : index
    %get3A_5 = arith.constant 0 : index
    %get3A_6 = arith.constant 0 : index
    %get3A_7 = vector.load %arg3[%get3A_4, %get3A_5, %get3A_6] : memref<1x2048x64xbf16, #tpu.memory_space<vmem>>, vector<1x2048x64xbf16>
    %get3A_8 = vector.shape_cast %get3A_7 : vector<1x2048x64xbf16> to vector<2048x64xbf16>
    %dot_general3A = arith.constant dense<0.000000e+00> : vector<256x2048xf32>
    %dot_general3A_9 = tpu.matmul %get3A_3, %get3A_8, %dot_general3A {dimension_numbers = #tpu.dot_dimension_numbers<[1], [1], [0], [0], [0, 0, 1, 0], [], []>, transpose_lhs_hint = false} : vector<256x64xbf16>, vector<2048x64xbf16>, vector<256x2048xf32> -> vector<256x2048xf32>
    %exp3A = math.exp %dot_general3A_9 : vector<256x2048xf32>
    %reduce_sum3A = arith.constant dense<0.000000e+00> : vector<256xf32>
    %reduce_sum3A_10 = vector.multi_reduction <add>, %exp3A, %reduce_sum3A [1] : vector<256x2048xf32> to vector<256xf32>
    %broadcast_in_dim3A = vector.shape_cast %reduce_sum3A_10 : vector<256xf32> to vector<256x1xf32>
    %div3A = arith.constant 1.000000e+00 : f32
    %div3A_11 = vector.broadcast %div3A : f32 to vector<256x1xf32>
    %div3A_12 = arith.divf %div3A_11, %broadcast_in_dim3A : vector<256x1xf32>
    %convert_element_type3A = arith.truncf %exp3A : vector<256x2048xf32> to vector<256x2048xbf16>
    %get3A_13 = arith.constant 0 : index
    %get3A_14 = arith.constant 0 : index
    %get3A_15 = arith.constant 0 : index
    %get3A_16 = vector.load %arg4[%get3A_13, %get3A_14, %get3A_15] : memref<1x2048x64xbf16, #tpu.memory_space<vmem>>, vector<1x2048x64xbf16>
    %get3A_17 = vector.shape_cast %get3A_16 : vector<1x2048x64xbf16> to vector<2048x64xbf16>
    %dot_general3A_18 = arith.constant dense<0.000000e+00> : vector<256x64xf32>
    %dot_general3A_19 = tpu.matmul %convert_element_type3A, %get3A_17, %dot_general3A_18 {dimension_numbers = #tpu.dot_dimension_numbers<[1], [0], [0], [1], [0, 0, 1, 1], [], []>, transpose_lhs_hint = false} : vector<256x2048xbf16>, vector<2048x64xbf16>, vector<256x64xf32> -> vector<256x64xf32>
    %mul3A = vector.broadcast %div3A_12 : vector<256x1xf32> to vector<256x64xf32>
    %mul3A_20 = arith.mulf %dot_general3A_19, %mul3A : vector<256x64xf32>
    %swap3A = arith.constant 0 : index
    %swap3A_21 = arith.constant 0 : index
    %swap3A_22 = arith.constant 0 : index
    %swap3A_23 = vector.load %arg5[%swap3A, %swap3A_21, %swap3A_22] : memref<1x256x64xf32, #tpu.memory_space<vmem>>, vector<1x256x64xf32>
    %swap3A_24 = vector.shape_cast %swap3A_23 : vector<1x256x64xf32> to vector<256x64xf32>
    %swap3A_25 = vector.shape_cast %mul3A_20 : vector<256x64xf32> to vector<1x256x64xf32>
    tpu.vector_store %arg5[%swap3A, %swap3A_21, %swap3A_22], %swap3A_25 {strides = array<i32>} : memref<1x256x64xf32, #tpu.memory_space<vmem>>, vector<1x256x64xf32>,
    return
  }
  func.func @transform_0(%arg0: i32, %arg1: i32) -> (i32, i32, i32) {
    %c0_i32 = arith.constant 0 : i32
    %c0_i32_0 = arith.constant 0 : i32
    return %arg0, %arg1, %c0_i32 : i32, i32, i32
  }
  func.func @transform_1(%arg0: i32, %arg1: i32) -> (i32, i32, i32) {
    %c0_i32 = arith.constant 0 : i32
    %c0_i32_0 = arith.constant 0 : i32
    %c0_i32_1 = arith.constant 0 : i32
    return %arg0, %c0_i32, %c0_i32_0 : i32, i32, i32
  }
  func.func @transform_2(%arg0: i32, %arg1: i32) -> (i32, i32, i32) {
    %c0_i32 = arith.constant 0 : i32
    %c0_i32_0 = arith.constant 0 : i32
    %c0_i32_1 = arith.constant 0 : i32
    return %arg0, %c0_i32, %c0_i32_0 : i32, i32, i32
  }
  func.func @transform_3(%arg0: i32, %arg1: i32) -> (i32, i32, i32) {
    %c0_i32 = arith.constant 0 : i32
    %c0_i32_0 = arith.constant 0 : i32
    return %arg0, %arg1, %c0_i32 : i32, i32, i32
  }
}

module attributes {stable_mosaic.version = 14 : i64} {
  func.func @_ln_qkv_body(%arg0: i32, %arg1: memref<256x1024xf32, #tpu.memory_space<vmem>>, %arg2: memref<1024x1024xf32, #tpu.memory_space<vmem>>, %arg3: memref<1024x1024xf32, #tpu.memory_space<vmem>>, %arg4: memref<1024x1024xf32, #tpu.memory_space<vmem>>, %arg5: memref<1x1024xf32, #tpu.memory_space<vmem>>, %arg6: memref<1x1024xf32, #tpu.memory_space<vmem>>, %arg7: memref<1x1024xf32, #tpu.memory_space<vmem>>, %arg8: memref<1x1024xf32, #tpu.memory_space<vmem>>, %arg9: memref<1x1024xf32, #tpu.memory_space<vmem>>, %arg10: memref<16x256x64xbf16, #tpu.memory_space<vmem>>, %arg11: memref<16x256x64xbf16, #tpu.memory_space<vmem>>, %arg12: memref<16x256x64xbf16, #tpu.memory_space<vmem>>) attributes {dimension_semantics = [#tpu.dimension_semantics<arbitrary>], iteration_bounds = array<i64: 8>, scalar_prefetch = 0 : i64, scratch_operands = 0 : i64, tpu.core_type = #tpu.core_type<tc>, window_params = [{transform_indices = @transform_0, window_bounds = array<i64: 256, 1024>}, {pipeline_mode = #tpu.pipeline_mode<synchronous>, transform_indices = @transform_1, window_bounds = array<i64: 1024, 1024>}, {pipeline_mode = #tpu.pipeline_mode<synchronous>, transform_indices = @transform_2, window_bounds = array<i64: 1024, 1024>}, {pipeline_mode = #tpu.pipeline_mode<synchronous>, transform_indices = @transform_3, window_bounds = array<i64: 1024, 1024>}, {pipeline_mode = #tpu.pipeline_mode<synchronous>, transform_indices = @transform_4, window_bounds = array<i64: 1, 1024>}, {pipeline_mode = #tpu.pipeline_mode<synchronous>, transform_indices = @transform_5, window_bounds = array<i64: 1, 1024>}, {pipeline_mode = #tpu.pipeline_mode<synchronous>, transform_indices = @transform_6, window_bounds = array<i64: 1, 1024>}, {pipeline_mode = #tpu.pipeline_mode<synchronous>, transform_indices = @transform_7, window_bounds = array<i64: 1, 1024>}, {pipeline_mode = #tpu.pipeline_mode<synchronous>, transform_indices = @transform_8, window_bounds = array<i64: 1, 1024>}, {transform_indices = @transform_9, window_bounds = array<i64: 16, 256, 64>}, {transform_indices = @transform_10, window_bounds = array<i64: 16, 256, 64>}, {transform_indices = @transform_11, window_bounds = array<i64: 16, 256, 64>}]} {
    %get3A = arith.constant 0 : index
    %get3A_0 = arith.constant 0 : index
    %get3A_1 = vector.load %arg1[%get3A, %get3A_0] : memref<256x1024xf32, #tpu.memory_space<vmem>>, vector<256x1024xf32>
    %get3A_2 = arith.constant 0 : index
    %get3A_3 = arith.constant 0 : index
    %get3A_4 = vector.load %arg8[%get3A_2, %get3A_3] : memref<1x1024xf32, #tpu.memory_space<vmem>>, vector<1x1024xf32>
    %get3A_5 = arith.constant 0 : index
    %get3A_6 = arith.constant 0 : index
    %get3A_7 = vector.load %arg9[%get3A_5, %get3A_6] : memref<1x1024xf32, #tpu.memory_space<vmem>>, vector<1x1024xf32>
    %reduce_sum3A = arith.constant dense<0.000000e+00> : vector<256xf32>
    %reduce_sum3A_8 = vector.multi_reduction <add>, %get3A_1, %reduce_sum3A [1] : vector<256x1024xf32> to vector<256xf32>
    %broadcast_in_dim3A = vector.shape_cast %reduce_sum3A_8 : vector<256xf32> to vector<256x1xf32>
    %div3A = arith.constant 1.024000e+03 : f32
    %div3A_9 = vector.broadcast %div3A : f32 to vector<256x1xf32>
    %div3A_10 = arith.divf %broadcast_in_dim3A, %div3A_9 : vector<256x1xf32>
    %sub3A = vector.broadcast %div3A_10 : vector<256x1xf32> to vector<256x1024xf32>
    %sub3A_11 = arith.subf %get3A_1, %sub3A : vector<256x1024xf32>
    %integer_pow3A = arith.mulf %sub3A_11, %sub3A_11 : vector<256x1024xf32>
    %reduce_sum3A_12 = arith.constant dense<0.000000e+00> : vector<256xf32>
    %reduce_sum3A_13 = vector.multi_reduction <add>, %integer_pow3A, %reduce_sum3A_12 [1] : vector<256x1024xf32> to vector<256xf32>
    %broadcast_in_dim3A_14 = vector.shape_cast %reduce_sum3A_13 : vector<256xf32> to vector<256x1xf32>
    %div3A_15 = arith.constant 1.024000e+03 : f32
    %div3A_16 = vector.broadcast %div3A_15 : f32 to vector<256x1xf32>
    %div3A_17 = arith.divf %broadcast_in_dim3A_14, %div3A_16 : vector<256x1xf32>
    %sub3A_18 = vector.broadcast %div3A_10 : vector<256x1xf32> to vector<256x1024xf32>
    %sub3A_19 = arith.subf %get3A_1, %sub3A_18 : vector<256x1024xf32>
    %add3A = arith.constant 9.99999974E-6 : f32
    %add3A_20 = vector.broadcast %add3A : f32 to vector<256x1xf32>
    %add3A_21 = arith.addf %div3A_17, %add3A_20 : vector<256x1xf32>
    %sqrt3A = math.sqrt %add3A_21 : vector<256x1xf32>
    %div3A_22 = vector.broadcast %sqrt3A : vector<256x1xf32> to vector<256x1024xf32>
    %div3A_23 = arith.divf %sub3A_19, %div3A_22 : vector<256x1024xf32>
    %mul3A = vector.broadcast %get3A_4 : vector<1x1024xf32> to vector<256x1024xf32>
    %mul3A_24 = arith.mulf %div3A_23, %mul3A : vector<256x1024xf32>
    %add3A_25 = vector.broadcast %get3A_7 : vector<1x1024xf32> to vector<256x1024xf32>
    %add3A_26 = arith.addf %mul3A_24, %add3A_25 : vector<256x1024xf32>
    %get3A_27 = arith.constant 0 : index
    %get3A_28 = arith.constant 0 : index
    %get3A_29 = vector.load %arg2[%get3A_27, %get3A_28] : memref<1024x1024xf32, #tpu.memory_space<vmem>>, vector<1024x1024xf32>
    %dot_general3A = arith.constant dense<0.000000e+00> : vector<256x1024xf32>
    %dot_general3A_30 = tpu.matmul %add3A_26, %get3A_29, %dot_general3A {dimension_numbers = #tpu.dot_dimension_numbers<[1], [0], [0], [1], [0, 0, 1, 1], [], []>, transpose_lhs_hint = false} : vector<256x1024xf32>, vector<1024x1024xf32>, vector<256x1024xf32> -> vector<256x1024xf32>
    %get3A_31 = arith.constant 0 : index
    %get3A_32 = arith.constant 0 : index
    %get3A_33 = vector.load %arg5[%get3A_31, %get3A_32] : memref<1x1024xf32, #tpu.memory_space<vmem>>, vector<1x1024xf32>
    %add3A_34 = vector.broadcast %get3A_33 : vector<1x1024xf32> to vector<256x1024xf32>
    %add3A_35 = arith.addf %dot_general3A_30, %add3A_34 : vector<256x1024xf32>
    %mul3A_36 = arith.constant 1.250000e-01 : f32
    %mul3A_37 = vector.broadcast %mul3A_36 : f32 to vector<256x1024xf32>
    %mul3A_38 = arith.mulf %add3A_35, %mul3A_37 : vector<256x1024xf32>
    %get3A_39 = arith.constant 0 : index
    %get3A_40 = arith.constant 0 : index
    %get3A_41 = vector.load %arg3[%get3A_39, %get3A_40] : memref<1024x1024xf32, #tpu.memory_space<vmem>>, vector<1024x1024xf32>
    %dot_general3A_42 = arith.constant dense<0.000000e+00> : vector<256x1024xf32>
    %dot_general3A_43 = tpu.matmul %add3A_26, %get3A_41, %dot_general3A_42 {dimension_numbers = #tpu.dot_dimension_numbers<[1], [0], [0], [1], [0, 0, 1, 1], [], []>, transpose_lhs_hint = false} : vector<256x1024xf32>, vector<1024x1024xf32>, vector<256x1024xf32> -> vector<256x1024xf32>
    %get3A_44 = arith.constant 0 : index
    %get3A_45 = arith.constant 0 : index
    %get3A_46 = vector.load %arg6[%get3A_44, %get3A_45] : memref<1x1024xf32, #tpu.memory_space<vmem>>, vector<1x1024xf32>
    %add3A_47 = vector.broadcast %get3A_46 : vector<1x1024xf32> to vector<256x1024xf32>
    %add3A_48 = arith.addf %dot_general3A_43, %add3A_47 : vector<256x1024xf32>
    %get3A_49 = arith.constant 0 : index
    %get3A_50 = arith.constant 0 : index
    %get3A_51 = vector.load %arg4[%get3A_49, %get3A_50] : memref<1024x1024xf32, #tpu.memory_space<vmem>>, vector<1024x1024xf32>
    %dot_general3A_52 = arith.constant dense<0.000000e+00> : vector<256x1024xf32>
    %dot_general3A_53 = tpu.matmul %add3A_26, %get3A_51, %dot_general3A_52 {dimension_numbers = #tpu.dot_dimension_numbers<[1], [0], [0], [1], [0, 0, 1, 1], [], []>, transpose_lhs_hint = false} : vector<256x1024xf32>, vector<1024x1024xf32>, vector<256x1024xf32> -> vector<256x1024xf32>
    %get3A_54 = arith.constant 0 : index
    %get3A_55 = arith.constant 0 : index
    %get3A_56 = vector.load %arg7[%get3A_54, %get3A_55] : memref<1x1024xf32, #tpu.memory_space<vmem>>, vector<1x1024xf32>
    %add3A_57 = vector.broadcast %get3A_56 : vector<1x1024xf32> to vector<256x1024xf32>
    %add3A_58 = arith.addf %dot_general3A_53, %add3A_57 : vector<256x1024xf32>
    %convert_element_type3A = arith.truncf %mul3A_38 : vector<256x1024xf32> to vector<256x1024xbf16>
    %convert_element_type3A_59 = arith.truncf %add3A_48 : vector<256x1024xf32> to vector<256x1024xbf16>
    %convert_element_type3A_60 = arith.truncf %add3A_58 : vector<256x1024xf32> to vector<256x1024xbf16>
    %slice3A = vector.extract_strided_slice %convert_element_type3A {offsets = [0, 0], sizes = [256, 64], strides = [1, 1]} : vector<256x1024xbf16> to vector<256x64xbf16>
    %swap3A = arith.constant 0 : index
    %swap3A_61 = arith.constant 0 : index
    %swap3A_62 = arith.constant 0 : index
    %swap3A_63 = vector.load %arg10[%swap3A, %swap3A_61, %swap3A_62] : memref<16x256x64xbf16, #tpu.memory_space<vmem>>, vector<1x256x64xbf16>
    %swap3A_64 = vector.shape_cast %swap3A_63 : vector<1x256x64xbf16> to vector<256x64xbf16>
    %swap3A_65 = vector.shape_cast %slice3A : vector<256x64xbf16> to vector<1x256x64xbf16>
    tpu.vector_store %arg10[%swap3A, %swap3A_61, %swap3A_62], %swap3A_65 {strides = array<i32>} : memref<16x256x64xbf16, #tpu.memory_space<vmem>>, vector<1x256x64xbf16>,
    %slice3A_66 = vector.extract_strided_slice %convert_element_type3A_59 {offsets = [0, 0], sizes = [256, 64], strides = [1, 1]} : vector<256x1024xbf16> to vector<256x64xbf16>
    %swap3A_67 = arith.constant 0 : index
    %swap3A_68 = arith.constant 0 : index
    %swap3A_69 = arith.constant 0 : index
    %swap3A_70 = vector.load %arg11[%swap3A_67, %swap3A_68, %swap3A_69] : memref<16x256x64xbf16, #tpu.memory_space<vmem>>, vector<1x256x64xbf16>
    %swap3A_71 = vector.shape_cast %swap3A_70 : vector<1x256x64xbf16> to vector<256x64xbf16>
    %swap3A_72 = vector.shape_cast %slice3A_66 : vector<256x64xbf16> to vector<1x256x64xbf16>
    tpu.vector_store %arg11[%swap3A_67, %swap3A_68, %swap3A_69], %swap3A_72 {strides = array<i32>} : memref<16x256x64xbf16, #tpu.memory_space<vmem>>, vector<1x256x64xbf16>,
    %slice3A_73 = vector.extract_strided_slice %convert_element_type3A_60 {offsets = [0, 0], sizes = [256, 64], strides = [1, 1]} : vector<256x1024xbf16> to vector<256x64xbf16>
    %swap3A_74 = arith.constant 0 : index
    %swap3A_75 = arith.constant 0 : index
    %swap3A_76 = arith.constant 0 : index
    %swap3A_77 = vector.load %arg12[%swap3A_74, %swap3A_75, %swap3A_76] : memref<16x256x64xbf16, #tpu.memory_space<vmem>>, vector<1x256x64xbf16>
    %swap3A_78 = vector.shape_cast %swap3A_77 : vector<1x256x64xbf16> to vector<256x64xbf16>
    %swap3A_79 = vector.shape_cast %slice3A_73 : vector<256x64xbf16> to vector<1x256x64xbf16>
    tpu.vector_store %arg12[%swap3A_74, %swap3A_75, %swap3A_76], %swap3A_79 {strides = array<i32>} : memref<16x256x64xbf16, #tpu.memory_space<vmem>>, vector<1x256x64xbf16>,
    %slice3A_80 = vector.extract_strided_slice %convert_element_type3A {offsets = [0, 64], sizes = [256, 64], strides = [1, 1]} : vector<256x1024xbf16> to vector<256x64xbf16>
    %swap3A_81 = arith.constant 1 : index
    %swap3A_82 = arith.constant 0 : index
    %swap3A_83 = arith.constant 0 : index
    %swap3A_84 = vector.load %arg10[%swap3A_81, %swap3A_82, %swap3A_83] : memref<16x256x64xbf16, #tpu.memory_space<vmem>>, vector<1x256x64xbf16>
    %swap3A_85 = vector.shape_cast %swap3A_84 : vector<1x256x64xbf16> to vector<256x64xbf16>
    %swap3A_86 = vector.shape_cast %slice3A_80 : vector<256x64xbf16> to vector<1x256x64xbf16>
    tpu.vector_store %arg10[%swap3A_81, %swap3A_82, %swap3A_83], %swap3A_86 {strides = array<i32>} : memref<16x256x64xbf16, #tpu.memory_space<vmem>>, vector<1x256x64xbf16>,
    %slice3A_87 = vector.extract_strided_slice %convert_element_type3A_59 {offsets = [0, 64], sizes = [256, 64], strides = [1, 1]} : vector<256x1024xbf16> to vector<256x64xbf16>
    %swap3A_88 = arith.constant 1 : index
    %swap3A_89 = arith.constant 0 : index
    %swap3A_90 = arith.constant 0 : index
    %swap3A_91 = vector.load %arg11[%swap3A_88, %swap3A_89, %swap3A_90] : memref<16x256x64xbf16, #tpu.memory_space<vmem>>, vector<1x256x64xbf16>
    %swap3A_92 = vector.shape_cast %swap3A_91 : vector<1x256x64xbf16> to vector<256x64xbf16>
    %swap3A_93 = vector.shape_cast %slice3A_87 : vector<256x64xbf16> to vector<1x256x64xbf16>
    tpu.vector_store %arg11[%swap3A_88, %swap3A_89, %swap3A_90], %swap3A_93 {strides = array<i32>} : memref<16x256x64xbf16, #tpu.memory_space<vmem>>, vector<1x256x64xbf16>,
    %slice3A_94 = vector.extract_strided_slice %convert_element_type3A_60 {offsets = [0, 64], sizes = [256, 64], strides = [1, 1]} : vector<256x1024xbf16> to vector<256x64xbf16>
    %swap3A_95 = arith.constant 1 : index
    %swap3A_96 = arith.constant 0 : index
    %swap3A_97 = arith.constant 0 : index
    %swap3A_98 = vector.load %arg12[%swap3A_95, %swap3A_96, %swap3A_97] : memref<16x256x64xbf16, #tpu.memory_space<vmem>>, vector<1x256x64xbf16>
    %swap3A_99 = vector.shape_cast %swap3A_98 : vector<1x256x64xbf16> to vector<256x64xbf16>
    %swap3A_100 = vector.shape_cast %slice3A_94 : vector<256x64xbf16> to vector<1x256x64xbf16>
    tpu.vector_store %arg12[%swap3A_95, %swap3A_96, %swap3A_97], %swap3A_100 {strides = array<i32>} : memref<16x256x64xbf16, #tpu.memory_space<vmem>>, vector<1x256x64xbf16>,
    %slice3A_101 = vector.extract_strided_slice %convert_element_type3A {offsets = [0, 128], sizes = [256, 64], strides = [1, 1]} : vector<256x1024xbf16> to vector<256x64xbf16>
    %swap3A_102 = arith.constant 2 : index
    %swap3A_103 = arith.constant 0 : index
    %swap3A_104 = arith.constant 0 : index
    %swap3A_105 = vector.load %arg10[%swap3A_102, %swap3A_103, %swap3A_104] : memref<16x256x64xbf16, #tpu.memory_space<vmem>>, vector<1x256x64xbf16>
    %swap3A_106 = vector.shape_cast %swap3A_105 : vector<1x256x64xbf16> to vector<256x64xbf16>
    %swap3A_107 = vector.shape_cast %slice3A_101 : vector<256x64xbf16> to vector<1x256x64xbf16>
    tpu.vector_store %arg10[%swap3A_102, %swap3A_103, %swap3A_104], %swap3A_107 {strides = array<i32>} : memref<16x256x64xbf16, #tpu.memory_space<vmem>>, vector<1x256x64xbf16>,
    %slice3A_108 = vector.extract_strided_slice %convert_element_type3A_59 {offsets = [0, 128], sizes = [256, 64], strides = [1, 1]} : vector<256x1024xbf16> to vector<256x64xbf16>
    %swap3A_109 = arith.constant 2 : index
    %swap3A_110 = arith.constant 0 : index
    %swap3A_111 = arith.constant 0 : index
    %swap3A_112 = vector.load %arg11[%swap3A_109, %swap3A_110, %swap3A_111] : memref<16x256x64xbf16, #tpu.memory_space<vmem>>, vector<1x256x64xbf16>
    %swap3A_113 = vector.shape_cast %swap3A_112 : vector<1x256x64xbf16> to vector<256x64xbf16>
    %swap3A_114 = vector.shape_cast %slice3A_108 : vector<256x64xbf16> to vector<1x256x64xbf16>
    tpu.vector_store %arg11[%swap3A_109, %swap3A_110, %swap3A_111], %swap3A_114 {strides = array<i32>} : memref<16x256x64xbf16, #tpu.memory_space<vmem>>, vector<1x256x64xbf16>,
    %slice3A_115 = vector.extract_strided_slice %convert_element_type3A_60 {offsets = [0, 128], sizes = [256, 64], strides = [1, 1]} : vector<256x1024xbf16> to vector<256x64xbf16>
    %swap3A_116 = arith.constant 2 : index
    %swap3A_117 = arith.constant 0 : index
    %swap3A_118 = arith.constant 0 : index
    %swap3A_119 = vector.load %arg12[%swap3A_116, %swap3A_117, %swap3A_118] : memref<16x256x64xbf16, #tpu.memory_space<vmem>>, vector<1x256x64xbf16>
    %swap3A_120 = vector.shape_cast %swap3A_119 : vector<1x256x64xbf16> to vector<256x64xbf16>
    %swap3A_121 = vector.shape_cast %slice3A_115 : vector<256x64xbf16> to vector<1x256x64xbf16>
    tpu.vector_store %arg12[%swap3A_116, %swap3A_117, %swap3A_118], %swap3A_121 {strides = array<i32>} : memref<16x256x64xbf16, #tpu.memory_space<vmem>>, vector<1x256x64xbf16>,
    %slice3A_122 = vector.extract_strided_slice %convert_element_type3A {offsets = [0, 192], sizes = [256, 64], strides = [1, 1]} : vector<256x1024xbf16> to vector<256x64xbf16>
    %swap3A_123 = arith.constant 3 : index
    %swap3A_124 = arith.constant 0 : index
    %swap3A_125 = arith.constant 0 : index
    %swap3A_126 = vector.load %arg10[%swap3A_123, %swap3A_124, %swap3A_125] : memref<16x256x64xbf16, #tpu.memory_space<vmem>>, vector<1x256x64xbf16>
    %swap3A_127 = vector.shape_cast %swap3A_126 : vector<1x256x64xbf16> to vector<256x64xbf16>
    %swap3A_128 = vector.shape_cast %slice3A_122 : vector<256x64xbf16> to vector<1x256x64xbf16>
    tpu.vector_store %arg10[%swap3A_123, %swap3A_124, %swap3A_125], %swap3A_128 {strides = array<i32>} : memref<16x256x64xbf16, #tpu.memory_space<vmem>>, vector<1x256x64xbf16>,
    %slice3A_129 = vector.extract_strided_slice %convert_element_type3A_59 {offsets = [0, 192], sizes = [256, 64], strides = [1, 1]} : vector<256x1024xbf16> to vector<256x64xbf16>
    %swap3A_130 = arith.constant 3 : index
    %swap3A_131 = arith.constant 0 : index
    %swap3A_132 = arith.constant 0 : index
    %swap3A_133 = vector.load %arg11[%swap3A_130, %swap3A_131, %swap3A_132] : memref<16x256x64xbf16, #tpu.memory_space<vmem>>, vector<1x256x64xbf16>
    %swap3A_134 = vector.shape_cast %swap3A_133 : vector<1x256x64xbf16> to vector<256x64xbf16>
    %swap3A_135 = vector.shape_cast %slice3A_129 : vector<256x64xbf16> to vector<1x256x64xbf16>
    tpu.vector_store %arg11[%swap3A_130, %swap3A_131, %swap3A_132], %swap3A_135 {strides = array<i32>} : memref<16x256x64xbf16, #tpu.memory_space<vmem>>, vector<1x256x64xbf16>,
    %slice3A_136 = vector.extract_strided_slice %convert_element_type3A_60 {offsets = [0, 192], sizes = [256, 64], strides = [1, 1]} : vector<256x1024xbf16> to vector<256x64xbf16>
    %swap3A_137 = arith.constant 3 : index
    %swap3A_138 = arith.constant 0 : index
    %swap3A_139 = arith.constant 0 : index
    %swap3A_140 = vector.load %arg12[%swap3A_137, %swap3A_138, %swap3A_139] : memref<16x256x64xbf16, #tpu.memory_space<vmem>>, vector<1x256x64xbf16>
    %swap3A_141 = vector.shape_cast %swap3A_140 : vector<1x256x64xbf16> to vector<256x64xbf16>
    %swap3A_142 = vector.shape_cast %slice3A_136 : vector<256x64xbf16> to vector<1x256x64xbf16>
    tpu.vector_store %arg12[%swap3A_137, %swap3A_138, %swap3A_139], %swap3A_142 {strides = array<i32>} : memref<16x256x64xbf16, #tpu.memory_space<vmem>>, vector<1x256x64xbf16>,
    %slice3A_143 = vector.extract_strided_slice %convert_element_type3A {offsets = [0, 256], sizes = [256, 64], strides = [1, 1]} : vector<256x1024xbf16> to vector<256x64xbf16>
    %swap3A_144 = arith.constant 4 : index
    %swap3A_145 = arith.constant 0 : index
    %swap3A_146 = arith.constant 0 : index
    %swap3A_147 = vector.load %arg10[%swap3A_144, %swap3A_145, %swap3A_146] : memref<16x256x64xbf16, #tpu.memory_space<vmem>>, vector<1x256x64xbf16>
    %swap3A_148 = vector.shape_cast %swap3A_147 : vector<1x256x64xbf16> to vector<256x64xbf16>
    %swap3A_149 = vector.shape_cast %slice3A_143 : vector<256x64xbf16> to vector<1x256x64xbf16>
    tpu.vector_store %arg10[%swap3A_144, %swap3A_145, %swap3A_146], %swap3A_149 {strides = array<i32>} : memref<16x256x64xbf16, #tpu.memory_space<vmem>>, vector<1x256x64xbf16>,
    %slice3A_150 = vector.extract_strided_slice %convert_element_type3A_59 {offsets = [0, 256], sizes = [256, 64], strides = [1, 1]} : vector<256x1024xbf16> to vector<256x64xbf16>
    %swap3A_151 = arith.constant 4 : index
    %swap3A_152 = arith.constant 0 : index
    %swap3A_153 = arith.constant 0 : index
    %swap3A_154 = vector.load %arg11[%swap3A_151, %swap3A_152, %swap3A_153] : memref<16x256x64xbf16, #tpu.memory_space<vmem>>, vector<1x256x64xbf16>
    %swap3A_155 = vector.shape_cast %swap3A_154 : vector<1x256x64xbf16> to vector<256x64xbf16>
    %swap3A_156 = vector.shape_cast %slice3A_150 : vector<256x64xbf16> to vector<1x256x64xbf16>
    tpu.vector_store %arg11[%swap3A_151, %swap3A_152, %swap3A_153], %swap3A_156 {strides = array<i32>} : memref<16x256x64xbf16, #tpu.memory_space<vmem>>, vector<1x256x64xbf16>,
    %slice3A_157 = vector.extract_strided_slice %convert_element_type3A_60 {offsets = [0, 256], sizes = [256, 64], strides = [1, 1]} : vector<256x1024xbf16> to vector<256x64xbf16>
    %swap3A_158 = arith.constant 4 : index
    %swap3A_159 = arith.constant 0 : index
    %swap3A_160 = arith.constant 0 : index
    %swap3A_161 = vector.load %arg12[%swap3A_158, %swap3A_159, %swap3A_160] : memref<16x256x64xbf16, #tpu.memory_space<vmem>>, vector<1x256x64xbf16>
    %swap3A_162 = vector.shape_cast %swap3A_161 : vector<1x256x64xbf16> to vector<256x64xbf16>
    %swap3A_163 = vector.shape_cast %slice3A_157 : vector<256x64xbf16> to vector<1x256x64xbf16>
    tpu.vector_store %arg12[%swap3A_158, %swap3A_159, %swap3A_160], %swap3A_163 {strides = array<i32>} : memref<16x256x64xbf16, #tpu.memory_space<vmem>>, vector<1x256x64xbf16>,
    %slice3A_164 = vector.extract_strided_slice %convert_element_type3A {offsets = [0, 320], sizes = [256, 64], strides = [1, 1]} : vector<256x1024xbf16> to vector<256x64xbf16>
    %swap3A_165 = arith.constant 5 : index
    %swap3A_166 = arith.constant 0 : index
    %swap3A_167 = arith.constant 0 : index
    %swap3A_168 = vector.load %arg10[%swap3A_165, %swap3A_166, %swap3A_167] : memref<16x256x64xbf16, #tpu.memory_space<vmem>>, vector<1x256x64xbf16>
    %swap3A_169 = vector.shape_cast %swap3A_168 : vector<1x256x64xbf16> to vector<256x64xbf16>
    %swap3A_170 = vector.shape_cast %slice3A_164 : vector<256x64xbf16> to vector<1x256x64xbf16>
    tpu.vector_store %arg10[%swap3A_165, %swap3A_166, %swap3A_167], %swap3A_170 {strides = array<i32>} : memref<16x256x64xbf16, #tpu.memory_space<vmem>>, vector<1x256x64xbf16>,
    %slice3A_171 = vector.extract_strided_slice %convert_element_type3A_59 {offsets = [0, 320], sizes = [256, 64], strides = [1, 1]} : vector<256x1024xbf16> to vector<256x64xbf16>
    %swap3A_172 = arith.constant 5 : index
    %swap3A_173 = arith.constant 0 : index
    %swap3A_174 = arith.constant 0 : index
    %swap3A_175 = vector.load %arg11[%swap3A_172, %swap3A_173, %swap3A_174] : memref<16x256x64xbf16, #tpu.memory_space<vmem>>, vector<1x256x64xbf16>
    %swap3A_176 = vector.shape_cast %swap3A_175 : vector<1x256x64xbf16> to vector<256x64xbf16>
    %swap3A_177 = vector.shape_cast %slice3A_171 : vector<256x64xbf16> to vector<1x256x64xbf16>
    tpu.vector_store %arg11[%swap3A_172, %swap3A_173, %swap3A_174], %swap3A_177 {strides = array<i32>} : memref<16x256x64xbf16, #tpu.memory_space<vmem>>, vector<1x256x64xbf16>,
    %slice3A_178 = vector.extract_strided_slice %convert_element_type3A_60 {offsets = [0, 320], sizes = [256, 64], strides = [1, 1]} : vector<256x1024xbf16> to vector<256x64xbf16>
    %swap3A_179 = arith.constant 5 : index
    %swap3A_180 = arith.constant 0 : index
    %swap3A_181 = arith.constant 0 : index
    %swap3A_182 = vector.load %arg12[%swap3A_179, %swap3A_180, %swap3A_181] : memref<16x256x64xbf16, #tpu.memory_space<vmem>>, vector<1x256x64xbf16>
    %swap3A_183 = vector.shape_cast %swap3A_182 : vector<1x256x64xbf16> to vector<256x64xbf16>
    %swap3A_184 = vector.shape_cast %slice3A_178 : vector<256x64xbf16> to vector<1x256x64xbf16>
    tpu.vector_store %arg12[%swap3A_179, %swap3A_180, %swap3A_181], %swap3A_184 {strides = array<i32>} : memref<16x256x64xbf16, #tpu.memory_space<vmem>>, vector<1x256x64xbf16>,
    %slice3A_185 = vector.extract_strided_slice %convert_element_type3A {offsets = [0, 384], sizes = [256, 64], strides = [1, 1]} : vector<256x1024xbf16> to vector<256x64xbf16>
    %swap3A_186 = arith.constant 6 : index
    %swap3A_187 = arith.constant 0 : index
    %swap3A_188 = arith.constant 0 : index
    %swap3A_189 = vector.load %arg10[%swap3A_186, %swap3A_187, %swap3A_188] : memref<16x256x64xbf16, #tpu.memory_space<vmem>>, vector<1x256x64xbf16>
    %swap3A_190 = vector.shape_cast %swap3A_189 : vector<1x256x64xbf16> to vector<256x64xbf16>
    %swap3A_191 = vector.shape_cast %slice3A_185 : vector<256x64xbf16> to vector<1x256x64xbf16>
    tpu.vector_store %arg10[%swap3A_186, %swap3A_187, %swap3A_188], %swap3A_191 {strides = array<i32>} : memref<16x256x64xbf16, #tpu.memory_space<vmem>>, vector<1x256x64xbf16>,
    %slice3A_192 = vector.extract_strided_slice %convert_element_type3A_59 {offsets = [0, 384], sizes = [256, 64], strides = [1, 1]} : vector<256x1024xbf16> to vector<256x64xbf16>
    %swap3A_193 = arith.constant 6 : index
    %swap3A_194 = arith.constant 0 : index
    %swap3A_195 = arith.constant 0 : index
    %swap3A_196 = vector.load %arg11[%swap3A_193, %swap3A_194, %swap3A_195] : memref<16x256x64xbf16, #tpu.memory_space<vmem>>, vector<1x256x64xbf16>
    %swap3A_197 = vector.shape_cast %swap3A_196 : vector<1x256x64xbf16> to vector<256x64xbf16>
    %swap3A_198 = vector.shape_cast %slice3A_192 : vector<256x64xbf16> to vector<1x256x64xbf16>
    tpu.vector_store %arg11[%swap3A_193, %swap3A_194, %swap3A_195], %swap3A_198 {strides = array<i32>} : memref<16x256x64xbf16, #tpu.memory_space<vmem>>, vector<1x256x64xbf16>,
    %slice3A_199 = vector.extract_strided_slice %convert_element_type3A_60 {offsets = [0, 384], sizes = [256, 64], strides = [1, 1]} : vector<256x1024xbf16> to vector<256x64xbf16>
    %swap3A_200 = arith.constant 6 : index
    %swap3A_201 = arith.constant 0 : index
    %swap3A_202 = arith.constant 0 : index
    %swap3A_203 = vector.load %arg12[%swap3A_200, %swap3A_201, %swap3A_202] : memref<16x256x64xbf16, #tpu.memory_space<vmem>>, vector<1x256x64xbf16>
    %swap3A_204 = vector.shape_cast %swap3A_203 : vector<1x256x64xbf16> to vector<256x64xbf16>
    %swap3A_205 = vector.shape_cast %slice3A_199 : vector<256x64xbf16> to vector<1x256x64xbf16>
    tpu.vector_store %arg12[%swap3A_200, %swap3A_201, %swap3A_202], %swap3A_205 {strides = array<i32>} : memref<16x256x64xbf16, #tpu.memory_space<vmem>>, vector<1x256x64xbf16>,
    %slice3A_206 = vector.extract_strided_slice %convert_element_type3A {offsets = [0, 448], sizes = [256, 64], strides = [1, 1]} : vector<256x1024xbf16> to vector<256x64xbf16>
    %swap3A_207 = arith.constant 7 : index
    %swap3A_208 = arith.constant 0 : index
    %swap3A_209 = arith.constant 0 : index
    %swap3A_210 = vector.load %arg10[%swap3A_207, %swap3A_208, %swap3A_209] : memref<16x256x64xbf16, #tpu.memory_space<vmem>>, vector<1x256x64xbf16>
    %swap3A_211 = vector.shape_cast %swap3A_210 : vector<1x256x64xbf16> to vector<256x64xbf16>
    %swap3A_212 = vector.shape_cast %slice3A_206 : vector<256x64xbf16> to vector<1x256x64xbf16>
    tpu.vector_store %arg10[%swap3A_207, %swap3A_208, %swap3A_209], %swap3A_212 {strides = array<i32>} : memref<16x256x64xbf16, #tpu.memory_space<vmem>>, vector<1x256x64xbf16>,
    %slice3A_213 = vector.extract_strided_slice %convert_element_type3A_59 {offsets = [0, 448], sizes = [256, 64], strides = [1, 1]} : vector<256x1024xbf16> to vector<256x64xbf16>
    %swap3A_214 = arith.constant 7 : index
    %swap3A_215 = arith.constant 0 : index
    %swap3A_216 = arith.constant 0 : index
    %swap3A_217 = vector.load %arg11[%swap3A_214, %swap3A_215, %swap3A_216] : memref<16x256x64xbf16, #tpu.memory_space<vmem>>, vector<1x256x64xbf16>
    %swap3A_218 = vector.shape_cast %swap3A_217 : vector<1x256x64xbf16> to vector<256x64xbf16>
    %swap3A_219 = vector.shape_cast %slice3A_213 : vector<256x64xbf16> to vector<1x256x64xbf16>
    tpu.vector_store %arg11[%swap3A_214, %swap3A_215, %swap3A_216], %swap3A_219 {strides = array<i32>} : memref<16x256x64xbf16, #tpu.memory_space<vmem>>, vector<1x256x64xbf16>,
    %slice3A_220 = vector.extract_strided_slice %convert_element_type3A_60 {offsets = [0, 448], sizes = [256, 64], strides = [1, 1]} : vector<256x1024xbf16> to vector<256x64xbf16>
    %swap3A_221 = arith.constant 7 : index
    %swap3A_222 = arith.constant 0 : index
    %swap3A_223 = arith.constant 0 : index
    %swap3A_224 = vector.load %arg12[%swap3A_221, %swap3A_222, %swap3A_223] : memref<16x256x64xbf16, #tpu.memory_space<vmem>>, vector<1x256x64xbf16>
    %swap3A_225 = vector.shape_cast %swap3A_224 : vector<1x256x64xbf16> to vector<256x64xbf16>
    %swap3A_226 = vector.shape_cast %slice3A_220 : vector<256x64xbf16> to vector<1x256x64xbf16>
    tpu.vector_store %arg12[%swap3A_221, %swap3A_222, %swap3A_223], %swap3A_226 {strides = array<i32>} : memref<16x256x64xbf16, #tpu.memory_space<vmem>>, vector<1x256x64xbf16>,
    %slice3A_227 = vector.extract_strided_slice %convert_element_type3A {offsets = [0, 512], sizes = [256, 64], strides = [1, 1]} : vector<256x1024xbf16> to vector<256x64xbf16>
    %swap3A_228 = arith.constant 8 : index
    %swap3A_229 = arith.constant 0 : index
    %swap3A_230 = arith.constant 0 : index
    %swap3A_231 = vector.load %arg10[%swap3A_228, %swap3A_229, %swap3A_230] : memref<16x256x64xbf16, #tpu.memory_space<vmem>>, vector<1x256x64xbf16>
    %swap3A_232 = vector.shape_cast %swap3A_231 : vector<1x256x64xbf16> to vector<256x64xbf16>
    %swap3A_233 = vector.shape_cast %slice3A_227 : vector<256x64xbf16> to vector<1x256x64xbf16>
    tpu.vector_store %arg10[%swap3A_228, %swap3A_229, %swap3A_230], %swap3A_233 {strides = array<i32>} : memref<16x256x64xbf16, #tpu.memory_space<vmem>>, vector<1x256x64xbf16>,
    %slice3A_234 = vector.extract_strided_slice %convert_element_type3A_59 {offsets = [0, 512], sizes = [256, 64], strides = [1, 1]} : vector<256x1024xbf16> to vector<256x64xbf16>
    %swap3A_235 = arith.constant 8 : index
    %swap3A_236 = arith.constant 0 : index
    %swap3A_237 = arith.constant 0 : index
    %swap3A_238 = vector.load %arg11[%swap3A_235, %swap3A_236, %swap3A_237] : memref<16x256x64xbf16, #tpu.memory_space<vmem>>, vector<1x256x64xbf16>
    %swap3A_239 = vector.shape_cast %swap3A_238 : vector<1x256x64xbf16> to vector<256x64xbf16>
    %swap3A_240 = vector.shape_cast %slice3A_234 : vector<256x64xbf16> to vector<1x256x64xbf16>
    tpu.vector_store %arg11[%swap3A_235, %swap3A_236, %swap3A_237], %swap3A_240 {strides = array<i32>} : memref<16x256x64xbf16, #tpu.memory_space<vmem>>, vector<1x256x64xbf16>,
    %slice3A_241 = vector.extract_strided_slice %convert_element_type3A_60 {offsets = [0, 512], sizes = [256, 64], strides = [1, 1]} : vector<256x1024xbf16> to vector<256x64xbf16>
    %swap3A_242 = arith.constant 8 : index
    %swap3A_243 = arith.constant 0 : index
    %swap3A_244 = arith.constant 0 : index
    %swap3A_245 = vector.load %arg12[%swap3A_242, %swap3A_243, %swap3A_244] : memref<16x256x64xbf16, #tpu.memory_space<vmem>>, vector<1x256x64xbf16>
    %swap3A_246 = vector.shape_cast %swap3A_245 : vector<1x256x64xbf16> to vector<256x64xbf16>
    %swap3A_247 = vector.shape_cast %slice3A_241 : vector<256x64xbf16> to vector<1x256x64xbf16>
    tpu.vector_store %arg12[%swap3A_242, %swap3A_243, %swap3A_244], %swap3A_247 {strides = array<i32>} : memref<16x256x64xbf16, #tpu.memory_space<vmem>>, vector<1x256x64xbf16>,
    %slice3A_248 = vector.extract_strided_slice %convert_element_type3A {offsets = [0, 576], sizes = [256, 64], strides = [1, 1]} : vector<256x1024xbf16> to vector<256x64xbf16>
    %swap3A_249 = arith.constant 9 : index
    %swap3A_250 = arith.constant 0 : index
    %swap3A_251 = arith.constant 0 : index
    %swap3A_252 = vector.load %arg10[%swap3A_249, %swap3A_250, %swap3A_251] : memref<16x256x64xbf16, #tpu.memory_space<vmem>>, vector<1x256x64xbf16>
    %swap3A_253 = vector.shape_cast %swap3A_252 : vector<1x256x64xbf16> to vector<256x64xbf16>
    %swap3A_254 = vector.shape_cast %slice3A_248 : vector<256x64xbf16> to vector<1x256x64xbf16>
    tpu.vector_store %arg10[%swap3A_249, %swap3A_250, %swap3A_251], %swap3A_254 {strides = array<i32>} : memref<16x256x64xbf16, #tpu.memory_space<vmem>>, vector<1x256x64xbf16>,
    %slice3A_255 = vector.extract_strided_slice %convert_element_type3A_59 {offsets = [0, 576], sizes = [256, 64], strides = [1, 1]} : vector<256x1024xbf16> to vector<256x64xbf16>
    %swap3A_256 = arith.constant 9 : index
    %swap3A_257 = arith.constant 0 : index
    %swap3A_258 = arith.constant 0 : index
    %swap3A_259 = vector.load %arg11[%swap3A_256, %swap3A_257, %swap3A_258] : memref<16x256x64xbf16, #tpu.memory_space<vmem>>, vector<1x256x64xbf16>
    %swap3A_260 = vector.shape_cast %swap3A_259 : vector<1x256x64xbf16> to vector<256x64xbf16>
    %swap3A_261 = vector.shape_cast %slice3A_255 : vector<256x64xbf16> to vector<1x256x64xbf16>
    tpu.vector_store %arg11[%swap3A_256, %swap3A_257, %swap3A_258], %swap3A_261 {strides = array<i32>} : memref<16x256x64xbf16, #tpu.memory_space<vmem>>, vector<1x256x64xbf16>,
    %slice3A_262 = vector.extract_strided_slice %convert_element_type3A_60 {offsets = [0, 576], sizes = [256, 64], strides = [1, 1]} : vector<256x1024xbf16> to vector<256x64xbf16>
    %swap3A_263 = arith.constant 9 : index
    %swap3A_264 = arith.constant 0 : index
    %swap3A_265 = arith.constant 0 : index
    %swap3A_266 = vector.load %arg12[%swap3A_263, %swap3A_264, %swap3A_265] : memref<16x256x64xbf16, #tpu.memory_space<vmem>>, vector<1x256x64xbf16>
    %swap3A_267 = vector.shape_cast %swap3A_266 : vector<1x256x64xbf16> to vector<256x64xbf16>
    %swap3A_268 = vector.shape_cast %slice3A_262 : vector<256x64xbf16> to vector<1x256x64xbf16>
    tpu.vector_store %arg12[%swap3A_263, %swap3A_264, %swap3A_265], %swap3A_268 {strides = array<i32>} : memref<16x256x64xbf16, #tpu.memory_space<vmem>>, vector<1x256x64xbf16>,
    %slice3A_269 = vector.extract_strided_slice %convert_element_type3A {offsets = [0, 640], sizes = [256, 64], strides = [1, 1]} : vector<256x1024xbf16> to vector<256x64xbf16>
    %swap3A_270 = arith.constant 10 : index
    %swap3A_271 = arith.constant 0 : index
    %swap3A_272 = arith.constant 0 : index
    %swap3A_273 = vector.load %arg10[%swap3A_270, %swap3A_271, %swap3A_272] : memref<16x256x64xbf16, #tpu.memory_space<vmem>>, vector<1x256x64xbf16>
    %swap3A_274 = vector.shape_cast %swap3A_273 : vector<1x256x64xbf16> to vector<256x64xbf16>
    %swap3A_275 = vector.shape_cast %slice3A_269 : vector<256x64xbf16> to vector<1x256x64xbf16>
    tpu.vector_store %arg10[%swap3A_270, %swap3A_271, %swap3A_272], %swap3A_275 {strides = array<i32>} : memref<16x256x64xbf16, #tpu.memory_space<vmem>>, vector<1x256x64xbf16>,
    %slice3A_276 = vector.extract_strided_slice %convert_element_type3A_59 {offsets = [0, 640], sizes = [256, 64], strides = [1, 1]} : vector<256x1024xbf16> to vector<256x64xbf16>
    %swap3A_277 = arith.constant 10 : index
    %swap3A_278 = arith.constant 0 : index
    %swap3A_279 = arith.constant 0 : index
    %swap3A_280 = vector.load %arg11[%swap3A_277, %swap3A_278, %swap3A_279] : memref<16x256x64xbf16, #tpu.memory_space<vmem>>, vector<1x256x64xbf16>
    %swap3A_281 = vector.shape_cast %swap3A_280 : vector<1x256x64xbf16> to vector<256x64xbf16>
    %swap3A_282 = vector.shape_cast %slice3A_276 : vector<256x64xbf16> to vector<1x256x64xbf16>
    tpu.vector_store %arg11[%swap3A_277, %swap3A_278, %swap3A_279], %swap3A_282 {strides = array<i32>} : memref<16x256x64xbf16, #tpu.memory_space<vmem>>, vector<1x256x64xbf16>,
    %slice3A_283 = vector.extract_strided_slice %convert_element_type3A_60 {offsets = [0, 640], sizes = [256, 64], strides = [1, 1]} : vector<256x1024xbf16> to vector<256x64xbf16>
    %swap3A_284 = arith.constant 10 : index
    %swap3A_285 = arith.constant 0 : index
    %swap3A_286 = arith.constant 0 : index
    %swap3A_287 = vector.load %arg12[%swap3A_284, %swap3A_285, %swap3A_286] : memref<16x256x64xbf16, #tpu.memory_space<vmem>>, vector<1x256x64xbf16>
    %swap3A_288 = vector.shape_cast %swap3A_287 : vector<1x256x64xbf16> to vector<256x64xbf16>
    %swap3A_289 = vector.shape_cast %slice3A_283 : vector<256x64xbf16> to vector<1x256x64xbf16>
    tpu.vector_store %arg12[%swap3A_284, %swap3A_285, %swap3A_286], %swap3A_289 {strides = array<i32>} : memref<16x256x64xbf16, #tpu.memory_space<vmem>>, vector<1x256x64xbf16>,
    %slice3A_290 = vector.extract_strided_slice %convert_element_type3A {offsets = [0, 704], sizes = [256, 64], strides = [1, 1]} : vector<256x1024xbf16> to vector<256x64xbf16>
    %swap3A_291 = arith.constant 11 : index
    %swap3A_292 = arith.constant 0 : index
    %swap3A_293 = arith.constant 0 : index
    %swap3A_294 = vector.load %arg10[%swap3A_291, %swap3A_292, %swap3A_293] : memref<16x256x64xbf16, #tpu.memory_space<vmem>>, vector<1x256x64xbf16>
    %swap3A_295 = vector.shape_cast %swap3A_294 : vector<1x256x64xbf16> to vector<256x64xbf16>
    %swap3A_296 = vector.shape_cast %slice3A_290 : vector<256x64xbf16> to vector<1x256x64xbf16>
    tpu.vector_store %arg10[%swap3A_291, %swap3A_292, %swap3A_293], %swap3A_296 {strides = array<i32>} : memref<16x256x64xbf16, #tpu.memory_space<vmem>>, vector<1x256x64xbf16>,
    %slice3A_297 = vector.extract_strided_slice %convert_element_type3A_59 {offsets = [0, 704], sizes = [256, 64], strides = [1, 1]} : vector<256x1024xbf16> to vector<256x64xbf16>
    %swap3A_298 = arith.constant 11 : index
    %swap3A_299 = arith.constant 0 : index
    %swap3A_300 = arith.constant 0 : index
    %swap3A_301 = vector.load %arg11[%swap3A_298, %swap3A_299, %swap3A_300] : memref<16x256x64xbf16, #tpu.memory_space<vmem>>, vector<1x256x64xbf16>
    %swap3A_302 = vector.shape_cast %swap3A_301 : vector<1x256x64xbf16> to vector<256x64xbf16>
    %swap3A_303 = vector.shape_cast %slice3A_297 : vector<256x64xbf16> to vector<1x256x64xbf16>
    tpu.vector_store %arg11[%swap3A_298, %swap3A_299, %swap3A_300], %swap3A_303 {strides = array<i32>} : memref<16x256x64xbf16, #tpu.memory_space<vmem>>, vector<1x256x64xbf16>,
    %slice3A_304 = vector.extract_strided_slice %convert_element_type3A_60 {offsets = [0, 704], sizes = [256, 64], strides = [1, 1]} : vector<256x1024xbf16> to vector<256x64xbf16>
    %swap3A_305 = arith.constant 11 : index
    %swap3A_306 = arith.constant 0 : index
    %swap3A_307 = arith.constant 0 : index
    %swap3A_308 = vector.load %arg12[%swap3A_305, %swap3A_306, %swap3A_307] : memref<16x256x64xbf16, #tpu.memory_space<vmem>>, vector<1x256x64xbf16>
    %swap3A_309 = vector.shape_cast %swap3A_308 : vector<1x256x64xbf16> to vector<256x64xbf16>
    %swap3A_310 = vector.shape_cast %slice3A_304 : vector<256x64xbf16> to vector<1x256x64xbf16>
    tpu.vector_store %arg12[%swap3A_305, %swap3A_306, %swap3A_307], %swap3A_310 {strides = array<i32>} : memref<16x256x64xbf16, #tpu.memory_space<vmem>>, vector<1x256x64xbf16>,
    %slice3A_311 = vector.extract_strided_slice %convert_element_type3A {offsets = [0, 768], sizes = [256, 64], strides = [1, 1]} : vector<256x1024xbf16> to vector<256x64xbf16>
    %swap3A_312 = arith.constant 12 : index
    %swap3A_313 = arith.constant 0 : index
    %swap3A_314 = arith.constant 0 : index
    %swap3A_315 = vector.load %arg10[%swap3A_312, %swap3A_313, %swap3A_314] : memref<16x256x64xbf16, #tpu.memory_space<vmem>>, vector<1x256x64xbf16>
    %swap3A_316 = vector.shape_cast %swap3A_315 : vector<1x256x64xbf16> to vector<256x64xbf16>
    %swap3A_317 = vector.shape_cast %slice3A_311 : vector<256x64xbf16> to vector<1x256x64xbf16>
    tpu.vector_store %arg10[%swap3A_312, %swap3A_313, %swap3A_314], %swap3A_317 {strides = array<i32>} : memref<16x256x64xbf16, #tpu.memory_space<vmem>>, vector<1x256x64xbf16>,
    %slice3A_318 = vector.extract_strided_slice %convert_element_type3A_59 {offsets = [0, 768], sizes = [256, 64], strides = [1, 1]} : vector<256x1024xbf16> to vector<256x64xbf16>
    %swap3A_319 = arith.constant 12 : index
    %swap3A_320 = arith.constant 0 : index
    %swap3A_321 = arith.constant 0 : index
    %swap3A_322 = vector.load %arg11[%swap3A_319, %swap3A_320, %swap3A_321] : memref<16x256x64xbf16, #tpu.memory_space<vmem>>, vector<1x256x64xbf16>
    %swap3A_323 = vector.shape_cast %swap3A_322 : vector<1x256x64xbf16> to vector<256x64xbf16>
    %swap3A_324 = vector.shape_cast %slice3A_318 : vector<256x64xbf16> to vector<1x256x64xbf16>
    tpu.vector_store %arg11[%swap3A_319, %swap3A_320, %swap3A_321], %swap3A_324 {strides = array<i32>} : memref<16x256x64xbf16, #tpu.memory_space<vmem>>, vector<1x256x64xbf16>,
    %slice3A_325 = vector.extract_strided_slice %convert_element_type3A_60 {offsets = [0, 768], sizes = [256, 64], strides = [1, 1]} : vector<256x1024xbf16> to vector<256x64xbf16>
    %swap3A_326 = arith.constant 12 : index
    %swap3A_327 = arith.constant 0 : index
    %swap3A_328 = arith.constant 0 : index
    %swap3A_329 = vector.load %arg12[%swap3A_326, %swap3A_327, %swap3A_328] : memref<16x256x64xbf16, #tpu.memory_space<vmem>>, vector<1x256x64xbf16>
    %swap3A_330 = vector.shape_cast %swap3A_329 : vector<1x256x64xbf16> to vector<256x64xbf16>
    %swap3A_331 = vector.shape_cast %slice3A_325 : vector<256x64xbf16> to vector<1x256x64xbf16>
    tpu.vector_store %arg12[%swap3A_326, %swap3A_327, %swap3A_328], %swap3A_331 {strides = array<i32>} : memref<16x256x64xbf16, #tpu.memory_space<vmem>>, vector<1x256x64xbf16>,
    %slice3A_332 = vector.extract_strided_slice %convert_element_type3A {offsets = [0, 832], sizes = [256, 64], strides = [1, 1]} : vector<256x1024xbf16> to vector<256x64xbf16>
    %swap3A_333 = arith.constant 13 : index
    %swap3A_334 = arith.constant 0 : index
    %swap3A_335 = arith.constant 0 : index
    %swap3A_336 = vector.load %arg10[%swap3A_333, %swap3A_334, %swap3A_335] : memref<16x256x64xbf16, #tpu.memory_space<vmem>>, vector<1x256x64xbf16>
    %swap3A_337 = vector.shape_cast %swap3A_336 : vector<1x256x64xbf16> to vector<256x64xbf16>
    %swap3A_338 = vector.shape_cast %slice3A_332 : vector<256x64xbf16> to vector<1x256x64xbf16>
    tpu.vector_store %arg10[%swap3A_333, %swap3A_334, %swap3A_335], %swap3A_338 {strides = array<i32>} : memref<16x256x64xbf16, #tpu.memory_space<vmem>>, vector<1x256x64xbf16>,
    %slice3A_339 = vector.extract_strided_slice %convert_element_type3A_59 {offsets = [0, 832], sizes = [256, 64], strides = [1, 1]} : vector<256x1024xbf16> to vector<256x64xbf16>
    %swap3A_340 = arith.constant 13 : index
    %swap3A_341 = arith.constant 0 : index
    %swap3A_342 = arith.constant 0 : index
    %swap3A_343 = vector.load %arg11[%swap3A_340, %swap3A_341, %swap3A_342] : memref<16x256x64xbf16, #tpu.memory_space<vmem>>, vector<1x256x64xbf16>
    %swap3A_344 = vector.shape_cast %swap3A_343 : vector<1x256x64xbf16> to vector<256x64xbf16>
    %swap3A_345 = vector.shape_cast %slice3A_339 : vector<256x64xbf16> to vector<1x256x64xbf16>
    tpu.vector_store %arg11[%swap3A_340, %swap3A_341, %swap3A_342], %swap3A_345 {strides = array<i32>} : memref<16x256x64xbf16, #tpu.memory_space<vmem>>, vector<1x256x64xbf16>,
    %slice3A_346 = vector.extract_strided_slice %convert_element_type3A_60 {offsets = [0, 832], sizes = [256, 64], strides = [1, 1]} : vector<256x1024xbf16> to vector<256x64xbf16>
    %swap3A_347 = arith.constant 13 : index
    %swap3A_348 = arith.constant 0 : index
    %swap3A_349 = arith.constant 0 : index
    %swap3A_350 = vector.load %arg12[%swap3A_347, %swap3A_348, %swap3A_349] : memref<16x256x64xbf16, #tpu.memory_space<vmem>>, vector<1x256x64xbf16>
    %swap3A_351 = vector.shape_cast %swap3A_350 : vector<1x256x64xbf16> to vector<256x64xbf16>
    %swap3A_352 = vector.shape_cast %slice3A_346 : vector<256x64xbf16> to vector<1x256x64xbf16>
    tpu.vector_store %arg12[%swap3A_347, %swap3A_348, %swap3A_349], %swap3A_352 {strides = array<i32>} : memref<16x256x64xbf16, #tpu.memory_space<vmem>>, vector<1x256x64xbf16>,
    %slice3A_353 = vector.extract_strided_slice %convert_element_type3A {offsets = [0, 896], sizes = [256, 64], strides = [1, 1]} : vector<256x1024xbf16> to vector<256x64xbf16>
    %swap3A_354 = arith.constant 14 : index
    %swap3A_355 = arith.constant 0 : index
    %swap3A_356 = arith.constant 0 : index
    %swap3A_357 = vector.load %arg10[%swap3A_354, %swap3A_355, %swap3A_356] : memref<16x256x64xbf16, #tpu.memory_space<vmem>>, vector<1x256x64xbf16>
    %swap3A_358 = vector.shape_cast %swap3A_357 : vector<1x256x64xbf16> to vector<256x64xbf16>
    %swap3A_359 = vector.shape_cast %slice3A_353 : vector<256x64xbf16> to vector<1x256x64xbf16>
    tpu.vector_store %arg10[%swap3A_354, %swap3A_355, %swap3A_356], %swap3A_359 {strides = array<i32>} : memref<16x256x64xbf16, #tpu.memory_space<vmem>>, vector<1x256x64xbf16>,
    %slice3A_360 = vector.extract_strided_slice %convert_element_type3A_59 {offsets = [0, 896], sizes = [256, 64], strides = [1, 1]} : vector<256x1024xbf16> to vector<256x64xbf16>
    %swap3A_361 = arith.constant 14 : index
    %swap3A_362 = arith.constant 0 : index
    %swap3A_363 = arith.constant 0 : index
    %swap3A_364 = vector.load %arg11[%swap3A_361, %swap3A_362, %swap3A_363] : memref<16x256x64xbf16, #tpu.memory_space<vmem>>, vector<1x256x64xbf16>
    %swap3A_365 = vector.shape_cast %swap3A_364 : vector<1x256x64xbf16> to vector<256x64xbf16>
    %swap3A_366 = vector.shape_cast %slice3A_360 : vector<256x64xbf16> to vector<1x256x64xbf16>
    tpu.vector_store %arg11[%swap3A_361, %swap3A_362, %swap3A_363], %swap3A_366 {strides = array<i32>} : memref<16x256x64xbf16, #tpu.memory_space<vmem>>, vector<1x256x64xbf16>,
    %slice3A_367 = vector.extract_strided_slice %convert_element_type3A_60 {offsets = [0, 896], sizes = [256, 64], strides = [1, 1]} : vector<256x1024xbf16> to vector<256x64xbf16>
    %swap3A_368 = arith.constant 14 : index
    %swap3A_369 = arith.constant 0 : index
    %swap3A_370 = arith.constant 0 : index
    %swap3A_371 = vector.load %arg12[%swap3A_368, %swap3A_369, %swap3A_370] : memref<16x256x64xbf16, #tpu.memory_space<vmem>>, vector<1x256x64xbf16>
    %swap3A_372 = vector.shape_cast %swap3A_371 : vector<1x256x64xbf16> to vector<256x64xbf16>
    %swap3A_373 = vector.shape_cast %slice3A_367 : vector<256x64xbf16> to vector<1x256x64xbf16>
    tpu.vector_store %arg12[%swap3A_368, %swap3A_369, %swap3A_370], %swap3A_373 {strides = array<i32>} : memref<16x256x64xbf16, #tpu.memory_space<vmem>>, vector<1x256x64xbf16>,
    %slice3A_374 = vector.extract_strided_slice %convert_element_type3A {offsets = [0, 960], sizes = [256, 64], strides = [1, 1]} : vector<256x1024xbf16> to vector<256x64xbf16>
    %swap3A_375 = arith.constant 15 : index
    %swap3A_376 = arith.constant 0 : index
    %swap3A_377 = arith.constant 0 : index
    %swap3A_378 = vector.load %arg10[%swap3A_375, %swap3A_376, %swap3A_377] : memref<16x256x64xbf16, #tpu.memory_space<vmem>>, vector<1x256x64xbf16>
    %swap3A_379 = vector.shape_cast %swap3A_378 : vector<1x256x64xbf16> to vector<256x64xbf16>
    %swap3A_380 = vector.shape_cast %slice3A_374 : vector<256x64xbf16> to vector<1x256x64xbf16>
    tpu.vector_store %arg10[%swap3A_375, %swap3A_376, %swap3A_377], %swap3A_380 {strides = array<i32>} : memref<16x256x64xbf16, #tpu.memory_space<vmem>>, vector<1x256x64xbf16>,
    %slice3A_381 = vector.extract_strided_slice %convert_element_type3A_59 {offsets = [0, 960], sizes = [256, 64], strides = [1, 1]} : vector<256x1024xbf16> to vector<256x64xbf16>
    %swap3A_382 = arith.constant 15 : index
    %swap3A_383 = arith.constant 0 : index
    %swap3A_384 = arith.constant 0 : index
    %swap3A_385 = vector.load %arg11[%swap3A_382, %swap3A_383, %swap3A_384] : memref<16x256x64xbf16, #tpu.memory_space<vmem>>, vector<1x256x64xbf16>
    %swap3A_386 = vector.shape_cast %swap3A_385 : vector<1x256x64xbf16> to vector<256x64xbf16>
    %swap3A_387 = vector.shape_cast %slice3A_381 : vector<256x64xbf16> to vector<1x256x64xbf16>
    tpu.vector_store %arg11[%swap3A_382, %swap3A_383, %swap3A_384], %swap3A_387 {strides = array<i32>} : memref<16x256x64xbf16, #tpu.memory_space<vmem>>, vector<1x256x64xbf16>,
    %slice3A_388 = vector.extract_strided_slice %convert_element_type3A_60 {offsets = [0, 960], sizes = [256, 64], strides = [1, 1]} : vector<256x1024xbf16> to vector<256x64xbf16>
    %swap3A_389 = arith.constant 15 : index
    %swap3A_390 = arith.constant 0 : index
    %swap3A_391 = arith.constant 0 : index
    %swap3A_392 = vector.load %arg12[%swap3A_389, %swap3A_390, %swap3A_391] : memref<16x256x64xbf16, #tpu.memory_space<vmem>>, vector<1x256x64xbf16>
    %swap3A_393 = vector.shape_cast %swap3A_392 : vector<1x256x64xbf16> to vector<256x64xbf16>
    %swap3A_394 = vector.shape_cast %slice3A_388 : vector<256x64xbf16> to vector<1x256x64xbf16>
    tpu.vector_store %arg12[%swap3A_389, %swap3A_390, %swap3A_391], %swap3A_394 {strides = array<i32>} : memref<16x256x64xbf16, #tpu.memory_space<vmem>>, vector<1x256x64xbf16>,
    return
  }
  func.func @transform_0(%arg0: i32) -> (i32, i32) {
    %c0_i32 = arith.constant 0 : i32
    %c0_i32_0 = arith.constant 0 : i32
    return %arg0, %c0_i32 : i32, i32
  }
  func.func @transform_1(%arg0: i32) -> (i32, i32) {
    %c0_i32 = arith.constant 0 : i32
    %c0_i32_0 = arith.constant 0 : i32
    %c0_i32_1 = arith.constant 0 : i32
    return %c0_i32, %c0_i32_0 : i32, i32
  }
  func.func @transform_2(%arg0: i32) -> (i32, i32) {
    %c0_i32 = arith.constant 0 : i32
    %c0_i32_0 = arith.constant 0 : i32
    %c0_i32_1 = arith.constant 0 : i32
    return %c0_i32, %c0_i32_0 : i32, i32
  }
  func.func @transform_3(%arg0: i32) -> (i32, i32) {
    %c0_i32 = arith.constant 0 : i32
    %c0_i32_0 = arith.constant 0 : i32
    %c0_i32_1 = arith.constant 0 : i32
    return %c0_i32, %c0_i32_0 : i32, i32
  }
  func.func @transform_4(%arg0: i32) -> (i32, i32) {
    %c0_i32 = arith.constant 0 : i32
    %c0_i32_0 = arith.constant 0 : i32
    %c0_i32_1 = arith.constant 0 : i32
    return %c0_i32, %c0_i32_0 : i32, i32
  }
  func.func @transform_5(%arg0: i32) -> (i32, i32) {
    %c0_i32 = arith.constant 0 : i32
    %c0_i32_0 = arith.constant 0 : i32
    %c0_i32_1 = arith.constant 0 : i32
    return %c0_i32, %c0_i32_0 : i32, i32
  }
  func.func @transform_6(%arg0: i32) -> (i32, i32) {
    %c0_i32 = arith.constant 0 : i32
    %c0_i32_0 = arith.constant 0 : i32
    %c0_i32_1 = arith.constant 0 : i32
    return %c0_i32, %c0_i32_0 : i32, i32
  }
  func.func @transform_7(%arg0: i32) -> (i32, i32) {
    %c0_i32 = arith.constant 0 : i32
    %c0_i32_0 = arith.constant 0 : i32
    %c0_i32_1 = arith.constant 0 : i32
    return %c0_i32, %c0_i32_0 : i32, i32
  }
  func.func @transform_8(%arg0: i32) -> (i32, i32) {
    %c0_i32 = arith.constant 0 : i32
    %c0_i32_0 = arith.constant 0 : i32
    %c0_i32_1 = arith.constant 0 : i32
    return %c0_i32, %c0_i32_0 : i32, i32
  }
  func.func @transform_9(%arg0: i32) -> (i32, i32, i32) {
    %c0_i32 = arith.constant 0 : i32
    %c0_i32_0 = arith.constant 0 : i32
    %c0_i32_1 = arith.constant 0 : i32
    return %c0_i32, %arg0, %c0_i32_0 : i32, i32, i32
  }
  func.func @transform_10(%arg0: i32) -> (i32, i32, i32) {
    %c0_i32 = arith.constant 0 : i32
    %c0_i32_0 = arith.constant 0 : i32
    %c0_i32_1 = arith.constant 0 : i32
    return %c0_i32, %arg0, %c0_i32_0 : i32, i32, i32
  }
  func.func @transform_11(%arg0: i32) -> (i32, i32, i32) {
    %c0_i32 = arith.constant 0 : i32
    %c0_i32_0 = arith.constant 0 : i32
    %c0_i32_1 = arith.constant 0 : i32
    return %c0_i32, %arg0, %c0_i32_0 : i32, i32, i32
  }
}

module attributes {stable_mosaic.version = 14 : i64} {
  func.func @_post_attn_body(%arg0: i32, %arg1: memref<16x256x64xf32, #tpu.memory_space<vmem>>, %arg2: memref<256x1024xf32, #tpu.memory_space<vmem>>, %arg3: memref<1024x1024xf32, #tpu.memory_space<vmem>>, %arg4: memref<1x1024xf32, #tpu.memory_space<vmem>>, %arg5: memref<1x1024xf32, #tpu.memory_space<vmem>>, %arg6: memref<1x1024xf32, #tpu.memory_space<vmem>>, %arg7: memref<1024x8xf32, #tpu.memory_space<vmem>>, %arg8: memref<256x1024xf32, #tpu.memory_space<vmem>>, %arg9: memref<256x1024xf32, #tpu.memory_space<vmem>>, %arg10: memref<256x8xf32, #tpu.memory_space<vmem>>) attributes {dimension_semantics = [#tpu.dimension_semantics<arbitrary>], iteration_bounds = array<i64: 8>, scalar_prefetch = 0 : i64, scratch_operands = 0 : i64, tpu.core_type = #tpu.core_type<tc>, window_params = [{transform_indices = @transform_0, window_bounds = array<i64: 16, 256, 64>}, {transform_indices = @transform_1, window_bounds = array<i64: 256, 1024>}, {pipeline_mode = #tpu.pipeline_mode<synchronous>, transform_indices = @transform_2, window_bounds = array<i64: 1024, 1024>}, {pipeline_mode = #tpu.pipeline_mode<synchronous>, transform_indices = @transform_3, window_bounds = array<i64: 1, 1024>}, {pipeline_mode = #tpu.pipeline_mode<synchronous>, transform_indices = @transform_4, window_bounds = array<i64: 1, 1024>}, {pipeline_mode = #tpu.pipeline_mode<synchronous>, transform_indices = @transform_5, window_bounds = array<i64: 1, 1024>}, {pipeline_mode = #tpu.pipeline_mode<synchronous>, transform_indices = @transform_6, window_bounds = array<i64: 1024, 8>}, {transform_indices = @transform_7, window_bounds = array<i64: 256, 1024>}, {transform_indices = @transform_8, window_bounds = array<i64: 256, 1024>}, {transform_indices = @transform_9, window_bounds = array<i64: 256, 8>}]} {
    %get3A = arith.constant 0 : index
    %get3A_0 = arith.constant 0 : index
    %get3A_1 = arith.constant 0 : index
    %get3A_2 = vector.load %arg1[%get3A, %get3A_0, %get3A_1] : memref<16x256x64xf32, #tpu.memory_space<vmem>>, vector<1x256x64xf32>
    %get3A_3 = vector.shape_cast %get3A_2 : vector<1x256x64xf32> to vector<256x64xf32>
    %get3A_4 = arith.constant 1 : index
    %get3A_5 = arith.constant 0 : index
    %get3A_6 = arith.constant 0 : index
    %get3A_7 = vector.load %arg1[%get3A_4, %get3A_5, %get3A_6] : memref<16x256x64xf32, #tpu.memory_space<vmem>>, vector<1x256x64xf32>
    %get3A_8 = vector.shape_cast %get3A_7 : vector<1x256x64xf32> to vector<256x64xf32>
    %get3A_9 = arith.constant 2 : index
    %get3A_10 = arith.constant 0 : index
    %get3A_11 = arith.constant 0 : index
    %get3A_12 = vector.load %arg1[%get3A_9, %get3A_10, %get3A_11] : memref<16x256x64xf32, #tpu.memory_space<vmem>>, vector<1x256x64xf32>
    %get3A_13 = vector.shape_cast %get3A_12 : vector<1x256x64xf32> to vector<256x64xf32>
    %get3A_14 = arith.constant 3 : index
    %get3A_15 = arith.constant 0 : index
    %get3A_16 = arith.constant 0 : index
    %get3A_17 = vector.load %arg1[%get3A_14, %get3A_15, %get3A_16] : memref<16x256x64xf32, #tpu.memory_space<vmem>>, vector<1x256x64xf32>
    %get3A_18 = vector.shape_cast %get3A_17 : vector<1x256x64xf32> to vector<256x64xf32>
    %get3A_19 = arith.constant 4 : index
    %get3A_20 = arith.constant 0 : index
    %get3A_21 = arith.constant 0 : index
    %get3A_22 = vector.load %arg1[%get3A_19, %get3A_20, %get3A_21] : memref<16x256x64xf32, #tpu.memory_space<vmem>>, vector<1x256x64xf32>
    %get3A_23 = vector.shape_cast %get3A_22 : vector<1x256x64xf32> to vector<256x64xf32>
    %get3A_24 = arith.constant 5 : index
    %get3A_25 = arith.constant 0 : index
    %get3A_26 = arith.constant 0 : index
    %get3A_27 = vector.load %arg1[%get3A_24, %get3A_25, %get3A_26] : memref<16x256x64xf32, #tpu.memory_space<vmem>>, vector<1x256x64xf32>
    %get3A_28 = vector.shape_cast %get3A_27 : vector<1x256x64xf32> to vector<256x64xf32>
    %get3A_29 = arith.constant 6 : index
    %get3A_30 = arith.constant 0 : index
    %get3A_31 = arith.constant 0 : index
    %get3A_32 = vector.load %arg1[%get3A_29, %get3A_30, %get3A_31] : memref<16x256x64xf32, #tpu.memory_space<vmem>>, vector<1x256x64xf32>
    %get3A_33 = vector.shape_cast %get3A_32 : vector<1x256x64xf32> to vector<256x64xf32>
    %get3A_34 = arith.constant 7 : index
    %get3A_35 = arith.constant 0 : index
    %get3A_36 = arith.constant 0 : index
    %get3A_37 = vector.load %arg1[%get3A_34, %get3A_35, %get3A_36] : memref<16x256x64xf32, #tpu.memory_space<vmem>>, vector<1x256x64xf32>
    %get3A_38 = vector.shape_cast %get3A_37 : vector<1x256x64xf32> to vector<256x64xf32>
    %get3A_39 = arith.constant 8 : index
    %get3A_40 = arith.constant 0 : index
    %get3A_41 = arith.constant 0 : index
    %get3A_42 = vector.load %arg1[%get3A_39, %get3A_40, %get3A_41] : memref<16x256x64xf32, #tpu.memory_space<vmem>>, vector<1x256x64xf32>
    %get3A_43 = vector.shape_cast %get3A_42 : vector<1x256x64xf32> to vector<256x64xf32>
    %get3A_44 = arith.constant 9 : index
    %get3A_45 = arith.constant 0 : index
    %get3A_46 = arith.constant 0 : index
    %get3A_47 = vector.load %arg1[%get3A_44, %get3A_45, %get3A_46] : memref<16x256x64xf32, #tpu.memory_space<vmem>>, vector<1x256x64xf32>
    %get3A_48 = vector.shape_cast %get3A_47 : vector<1x256x64xf32> to vector<256x64xf32>
    %get3A_49 = arith.constant 10 : index
    %get3A_50 = arith.constant 0 : index
    %get3A_51 = arith.constant 0 : index
    %get3A_52 = vector.load %arg1[%get3A_49, %get3A_50, %get3A_51] : memref<16x256x64xf32, #tpu.memory_space<vmem>>, vector<1x256x64xf32>
    %get3A_53 = vector.shape_cast %get3A_52 : vector<1x256x64xf32> to vector<256x64xf32>
    %get3A_54 = arith.constant 11 : index
    %get3A_55 = arith.constant 0 : index
    %get3A_56 = arith.constant 0 : index
    %get3A_57 = vector.load %arg1[%get3A_54, %get3A_55, %get3A_56] : memref<16x256x64xf32, #tpu.memory_space<vmem>>, vector<1x256x64xf32>
    %get3A_58 = vector.shape_cast %get3A_57 : vector<1x256x64xf32> to vector<256x64xf32>
    %get3A_59 = arith.constant 12 : index
    %get3A_60 = arith.constant 0 : index
    %get3A_61 = arith.constant 0 : index
    %get3A_62 = vector.load %arg1[%get3A_59, %get3A_60, %get3A_61] : memref<16x256x64xf32, #tpu.memory_space<vmem>>, vector<1x256x64xf32>
    %get3A_63 = vector.shape_cast %get3A_62 : vector<1x256x64xf32> to vector<256x64xf32>
    %get3A_64 = arith.constant 13 : index
    %get3A_65 = arith.constant 0 : index
    %get3A_66 = arith.constant 0 : index
    %get3A_67 = vector.load %arg1[%get3A_64, %get3A_65, %get3A_66] : memref<16x256x64xf32, #tpu.memory_space<vmem>>, vector<1x256x64xf32>
    %get3A_68 = vector.shape_cast %get3A_67 : vector<1x256x64xf32> to vector<256x64xf32>
    %get3A_69 = arith.constant 14 : index
    %get3A_70 = arith.constant 0 : index
    %get3A_71 = arith.constant 0 : index
    %get3A_72 = vector.load %arg1[%get3A_69, %get3A_70, %get3A_71] : memref<16x256x64xf32, #tpu.memory_space<vmem>>, vector<1x256x64xf32>
    %get3A_73 = vector.shape_cast %get3A_72 : vector<1x256x64xf32> to vector<256x64xf32>
    %get3A_74 = arith.constant 15 : index
    %get3A_75 = arith.constant 0 : index
    %get3A_76 = arith.constant 0 : index
    %get3A_77 = vector.load %arg1[%get3A_74, %get3A_75, %get3A_76] : memref<16x256x64xf32, #tpu.memory_space<vmem>>, vector<1x256x64xf32>
    %get3A_78 = vector.shape_cast %get3A_77 : vector<1x256x64xf32> to vector<256x64xf32>
    %concatenate3A = tpu.concatenate %get3A_3, %get3A_8, %get3A_13, %get3A_18, %get3A_23, %get3A_28, %get3A_33, %get3A_38, %get3A_43, %get3A_48, %get3A_53, %get3A_58, %get3A_63, %get3A_68, %get3A_73, %get3A_78 in 1 : vector<256x64xf32>, vector<256x64xf32>, vector<256x64xf32>, vector<256x64xf32>, vector<256x64xf32>, vector<256x64xf32>, vector<256x64xf32>, vector<256x64xf32>, vector<256x64xf32>, vector<256x64xf32>, vector<256x64xf32>, vector<256x64xf32>, vector<256x64xf32>, vector<256x64xf32>, vector<256x64xf32>, vector<256x64xf32> -> vector<256x1024xf32>
    %get3A_79 = arith.constant 0 : index
    %get3A_80 = arith.constant 0 : index
    %get3A_81 = vector.load %arg3[%get3A_79, %get3A_80] : memref<1024x1024xf32, #tpu.memory_space<vmem>>, vector<1024x1024xf32>
    %dot_general3A = arith.constant dense<0.000000e+00> : vector<256x1024xf32>
    %dot_general3A_82 = tpu.matmul %concatenate3A, %get3A_81, %dot_general3A {dimension_numbers = #tpu.dot_dimension_numbers<[1], [0], [0], [1], [0, 0, 1, 1], [], []>, transpose_lhs_hint = false} : vector<256x1024xf32>, vector<1024x1024xf32>, vector<256x1024xf32> -> vector<256x1024xf32>
    %get3A_83 = arith.constant 0 : index
    %get3A_84 = arith.constant 0 : index
    %get3A_85 = vector.load %arg4[%get3A_83, %get3A_84] : memref<1x1024xf32, #tpu.memory_space<vmem>>, vector<1x1024xf32>
    %add3A = vector.broadcast %get3A_85 : vector<1x1024xf32> to vector<256x1024xf32>
    %add3A_86 = arith.addf %dot_general3A_82, %add3A : vector<256x1024xf32>
    %get3A_87 = arith.constant 0 : index
    %get3A_88 = arith.constant 0 : index
    %get3A_89 = vector.load %arg2[%get3A_87, %get3A_88] : memref<256x1024xf32, #tpu.memory_space<vmem>>, vector<256x1024xf32>
    %add3A_90 = arith.addf %add3A_86, %get3A_89 : vector<256x1024xf32>
    %swap3A = arith.constant 0 : index
    %swap3A_91 = arith.constant 0 : index
    %swap3A_92 = vector.load %arg8[%swap3A, %swap3A_91] : memref<256x1024xf32, #tpu.memory_space<vmem>>, vector<256x1024xf32>
    tpu.vector_store %arg8[%swap3A, %swap3A_91], %add3A_90 {strides = array<i32>} : memref<256x1024xf32, #tpu.memory_space<vmem>>, vector<256x1024xf32>,
    %get3A_93 = arith.constant 0 : index
    %get3A_94 = arith.constant 0 : index
    %get3A_95 = vector.load %arg5[%get3A_93, %get3A_94] : memref<1x1024xf32, #tpu.memory_space<vmem>>, vector<1x1024xf32>
    %get3A_96 = arith.constant 0 : index
    %get3A_97 = arith.constant 0 : index
    %get3A_98 = vector.load %arg6[%get3A_96, %get3A_97] : memref<1x1024xf32, #tpu.memory_space<vmem>>, vector<1x1024xf32>
    %reduce_sum3A = arith.constant dense<0.000000e+00> : vector<256xf32>
    %reduce_sum3A_99 = vector.multi_reduction <add>, %add3A_90, %reduce_sum3A [1] : vector<256x1024xf32> to vector<256xf32>
    %broadcast_in_dim3A = vector.shape_cast %reduce_sum3A_99 : vector<256xf32> to vector<256x1xf32>
    %div3A = arith.constant 1.024000e+03 : f32
    %div3A_100 = vector.broadcast %div3A : f32 to vector<256x1xf32>
    %div3A_101 = arith.divf %broadcast_in_dim3A, %div3A_100 : vector<256x1xf32>
    %sub3A = vector.broadcast %div3A_101 : vector<256x1xf32> to vector<256x1024xf32>
    %sub3A_102 = arith.subf %add3A_90, %sub3A : vector<256x1024xf32>
    %integer_pow3A = arith.mulf %sub3A_102, %sub3A_102 : vector<256x1024xf32>
    %reduce_sum3A_103 = arith.constant dense<0.000000e+00> : vector<256xf32>
    %reduce_sum3A_104 = vector.multi_reduction <add>, %integer_pow3A, %reduce_sum3A_103 [1] : vector<256x1024xf32> to vector<256xf32>
    %broadcast_in_dim3A_105 = vector.shape_cast %reduce_sum3A_104 : vector<256xf32> to vector<256x1xf32>
    %div3A_106 = arith.constant 1.024000e+03 : f32
    %div3A_107 = vector.broadcast %div3A_106 : f32 to vector<256x1xf32>
    %div3A_108 = arith.divf %broadcast_in_dim3A_105, %div3A_107 : vector<256x1xf32>
    %sub3A_109 = vector.broadcast %div3A_101 : vector<256x1xf32> to vector<256x1024xf32>
    %sub3A_110 = arith.subf %add3A_90, %sub3A_109 : vector<256x1024xf32>
    %add3A_111 = arith.constant 9.99999974E-6 : f32
    %add3A_112 = vector.broadcast %add3A_111 : f32 to vector<256x1xf32>
    %add3A_113 = arith.addf %div3A_108, %add3A_112 : vector<256x1xf32>
    %sqrt3A = math.sqrt %add3A_113 : vector<256x1xf32>
    %div3A_114 = vector.broadcast %sqrt3A : vector<256x1xf32> to vector<256x1024xf32>
    %div3A_115 = arith.divf %sub3A_110, %div3A_114 : vector<256x1024xf32>
    %mul3A = vector.broadcast %get3A_95 : vector<1x1024xf32> to vector<256x1024xf32>
    %mul3A_116 = arith.mulf %div3A_115, %mul3A : vector<256x1024xf32>
    %add3A_117 = vector.broadcast %get3A_98 : vector<1x1024xf32> to vector<256x1024xf32>
    %add3A_118 = arith.addf %mul3A_116, %add3A_117 : vector<256x1024xf32>
    %swap3A_119 = arith.constant 0 : index
    %swap3A_120 = arith.constant 0 : index
    %swap3A_121 = vector.load %arg9[%swap3A_119, %swap3A_120] : memref<256x1024xf32, #tpu.memory_space<vmem>>, vector<256x1024xf32>
    tpu.vector_store %arg9[%swap3A_119, %swap3A_120], %add3A_118 {strides = array<i32>} : memref<256x1024xf32, #tpu.memory_space<vmem>>, vector<256x1024xf32>,
    %get3A_122 = arith.constant 0 : index
    %get3A_123 = arith.constant 0 : index
    %get3A_124 = vector.load %arg7[%get3A_122, %get3A_123] : memref<1024x8xf32, #tpu.memory_space<vmem>>, vector<1024x8xf32>
    %dot_general3A_125 = arith.constant dense<0.000000e+00> : vector<256x8xf32>
    %dot_general3A_126 = tpu.matmul %add3A_118, %get3A_124, %dot_general3A_125 {dimension_numbers = #tpu.dot_dimension_numbers<[1], [0], [0], [1], [0, 0, 1, 1], [], []>, transpose_lhs_hint = false} : vector<256x1024xf32>, vector<1024x8xf32>, vector<256x8xf32> -> vector<256x8xf32>
    %swap3A_127 = arith.constant 0 : index
    %swap3A_128 = arith.constant 0 : index
    %swap3A_129 = vector.load %arg10[%swap3A_127, %swap3A_128] : memref<256x8xf32, #tpu.memory_space<vmem>>, vector<256x8xf32>
    tpu.vector_store %arg10[%swap3A_127, %swap3A_128], %dot_general3A_126 {strides = array<i32>} : memref<256x8xf32, #tpu.memory_space<vmem>>, vector<256x8xf32>,
    return
  }
  func.func @transform_0(%arg0: i32) -> (i32, i32, i32) {
    %c0_i32 = arith.constant 0 : i32
    %c0_i32_0 = arith.constant 0 : i32
    %c0_i32_1 = arith.constant 0 : i32
    return %c0_i32, %arg0, %c0_i32_0 : i32, i32, i32
  }
  func.func @transform_1(%arg0: i32) -> (i32, i32) {
    %c0_i32 = arith.constant 0 : i32
    %c0_i32_0 = arith.constant 0 : i32
    return %arg0, %c0_i32 : i32, i32
  }
  func.func @transform_2(%arg0: i32) -> (i32, i32) {
    %c0_i32 = arith.constant 0 : i32
    %c0_i32_0 = arith.constant 0 : i32
    %c0_i32_1 = arith.constant 0 : i32
    return %c0_i32, %c0_i32_0 : i32, i32
  }
  func.func @transform_3(%arg0: i32) -> (i32, i32) {
    %c0_i32 = arith.constant 0 : i32
    %c0_i32_0 = arith.constant 0 : i32
    %c0_i32_1 = arith.constant 0 : i32
    return %c0_i32, %c0_i32_0 : i32, i32
  }
  func.func @transform_4(%arg0: i32) -> (i32, i32) {
    %c0_i32 = arith.constant 0 : i32
    %c0_i32_0 = arith.constant 0 : i32
    %c0_i32_1 = arith.constant 0 : i32
    return %c0_i32, %c0_i32_0 : i32, i32
  }
  func.func @transform_5(%arg0: i32) -> (i32, i32) {
    %c0_i32 = arith.constant 0 : i32
    %c0_i32_0 = arith.constant 0 : i32
    %c0_i32_1 = arith.constant 0 : i32
    return %c0_i32, %c0_i32_0 : i32, i32
  }
  func.func @transform_6(%arg0: i32) -> (i32, i32) {
    %c0_i32 = arith.constant 0 : i32
    %c0_i32_0 = arith.constant 0 : i32
    %c0_i32_1 = arith.constant 0 : i32
    return %c0_i32, %c0_i32_0 : i32, i32
  }
  func.func @transform_7(%arg0: i32) -> (i32, i32) {
    %c0_i32 = arith.constant 0 : i32
    %c0_i32_0 = arith.constant 0 : i32
    return %arg0, %c0_i32 : i32, i32
  }
  func.func @transform_8(%arg0: i32) -> (i32, i32) {
    %c0_i32 = arith.constant 0 : i32
    %c0_i32_0 = arith.constant 0 : i32
    return %arg0, %c0_i32 : i32, i32
  }
  func.func @transform_9(%arg0: i32) -> (i32, i32) {
    %c0_i32 = arith.constant 0 : i32
    %c0_i32_0 = arith.constant 0 : i32
    return %arg0, %c0_i32 : i32, i32
  }
}

module attributes {stable_mosaic.version = 14 : i64} {
  func.func @_routing_body(%arg0: memref<2048x8xf32, #tpu.memory_space<vmem>>, %arg1: memref<2048x8xi32, #tpu.memory_space<vmem>>, %arg2: memref<2048x8xi32, #tpu.memory_space<vmem>>, %arg3: memref<2048x8xf32, #tpu.memory_space<vmem>>) attributes {dimension_semantics = [], scalar_prefetch = 0 : i64, scratch_operands = 0 : i64, tpu.core_type = #tpu.core_type<tc>} {
    %get3A = arith.constant 0 : index
    %get3A_0 = arith.constant 0 : index
    %get3A_1 = vector.load %arg0[%get3A, %get3A_0] : memref<2048x8xf32, #tpu.memory_space<vmem>>, vector<2048x8xf32>
    %iota3A = tpu.iota {dimensions = array<i32: 1>} : vector<2048x8xi32>
    %reduce_max3A = arith.constant dense<0xFF800000> : vector<2048xf32>
    %reduce_max3A_2 = vector.multi_reduction <maximumf>, %get3A_1, %reduce_max3A [1] : vector<2048x8xf32> to vector<2048xf32>
    %broadcast_in_dim3A = vector.shape_cast %reduce_max3A_2 : vector<2048xf32> to vector<2048x1xf32>
    %sub3A = vector.broadcast %broadcast_in_dim3A : vector<2048x1xf32> to vector<2048x8xf32>
    %sub3A_3 = arith.subf %get3A_1, %sub3A : vector<2048x8xf32>
    %exp3A = math.exp %sub3A_3 : vector<2048x8xf32>
    %reduce_sum3A = arith.constant dense<0.000000e+00> : vector<2048xf32>
    %reduce_sum3A_4 = vector.multi_reduction <add>, %exp3A, %reduce_sum3A [1] : vector<2048x8xf32> to vector<2048xf32>
    %broadcast_in_dim3A_5 = vector.shape_cast %reduce_sum3A_4 : vector<2048xf32> to vector<2048x1xf32>
    %div3A = vector.broadcast %broadcast_in_dim3A_5 : vector<2048x1xf32> to vector<2048x8xf32>
    %div3A_6 = arith.divf %exp3A, %div3A : vector<2048x8xf32>
    %ge3A = vector.broadcast %broadcast_in_dim3A : vector<2048x1xf32> to vector<2048x8xf32>
    %ge3A_7 = arith.cmpf oge, %get3A_1, %ge3A : vector<2048x8xf32>
    %jit3A = arith.constant 8 : i32
    %broadcast_in_dim3A_8 = vector.broadcast %jit3A : i32 to vector<2048x8xi32>
    %select_n3A = arith.select %ge3A_7, %iota3A, %broadcast_in_dim3A_8 : vector<2048x8xi1>, vector<2048x8xi32>
    %reduce_min3A = arith.constant dense<2147483647> : vector<2048xi32>
    %reduce_min3A_9 = vector.multi_reduction <minsi>, %select_n3A, %reduce_min3A [1] : vector<2048x8xi32> to vector<2048xi32>
    %broadcast_in_dim3A_10 = vector.shape_cast %reduce_min3A_9 : vector<2048xi32> to vector<2048x1xi32>
    %eq3A = vector.broadcast %broadcast_in_dim3A_10 : vector<2048x1xi32> to vector<2048x8xi32>
    %eq3A_11 = arith.cmpi eq, %iota3A, %eq3A : vector<2048x8xi32>
    %jit3A_12 = arith.constant -1.000000e+30 : f32
    %broadcast_in_dim3A_13 = vector.broadcast %jit3A_12 : f32 to vector<2048x8xf32>
    %select_n3A_14 = arith.select %eq3A_11, %broadcast_in_dim3A_13, %get3A_1 : vector<2048x8xi1>, vector<2048x8xf32>
    %reduce_max3A_15 = arith.constant dense<0xFF800000> : vector<2048xf32>
    %reduce_max3A_16 = vector.multi_reduction <maximumf>, %select_n3A_14, %reduce_max3A_15 [1] : vector<2048x8xf32> to vector<2048xf32>
    %broadcast_in_dim3A_17 = vector.shape_cast %reduce_max3A_16 : vector<2048xf32> to vector<2048x1xf32>
    %ge3A_18 = vector.broadcast %broadcast_in_dim3A_17 : vector<2048x1xf32> to vector<2048x8xf32>
    %ge3A_19 = arith.cmpf oge, %select_n3A_14, %ge3A_18 : vector<2048x8xf32>
    %jit3A_20 = arith.constant 8 : i32
    %broadcast_in_dim3A_21 = vector.broadcast %jit3A_20 : i32 to vector<2048x8xi32>
    %select_n3A_22 = arith.select %ge3A_19, %iota3A, %broadcast_in_dim3A_21 : vector<2048x8xi1>, vector<2048x8xi32>
    %reduce_min3A_23 = arith.constant dense<2147483647> : vector<2048xi32>
    %reduce_min3A_24 = vector.multi_reduction <minsi>, %select_n3A_22, %reduce_min3A_23 [1] : vector<2048x8xi32> to vector<2048xi32>
    %broadcast_in_dim3A_25 = vector.shape_cast %reduce_min3A_24 : vector<2048xi32> to vector<2048x1xi32>
    %eq3A_26 = vector.broadcast %broadcast_in_dim3A_25 : vector<2048x1xi32> to vector<2048x8xi32>
    %eq3A_27 = arith.cmpi eq, %iota3A, %eq3A_26 : vector<2048x8xi32>
    %jit3A_28 = arith.constant 0.000000e+00 : f32
    %broadcast_in_dim3A_29 = vector.broadcast %jit3A_28 : f32 to vector<2048x8xf32>
    %select_n3A_30 = arith.select %eq3A_11, %div3A_6, %broadcast_in_dim3A_29 : vector<2048x8xi1>, vector<2048x8xf32>
    %reduce_sum3A_31 = arith.constant dense<0.000000e+00> : vector<2048xf32>
    %reduce_sum3A_32 = vector.multi_reduction <add>, %select_n3A_30, %reduce_sum3A_31 [1] : vector<2048x8xf32> to vector<2048xf32>
    %broadcast_in_dim3A_33 = vector.shape_cast %reduce_sum3A_32 : vector<2048xf32> to vector<2048x1xf32>
    %jit3A_34 = arith.constant 0.000000e+00 : f32
    %broadcast_in_dim3A_35 = vector.broadcast %jit3A_34 : f32 to vector<2048x8xf32>
    %select_n3A_36 = arith.select %eq3A_27, %div3A_6, %broadcast_in_dim3A_35 : vector<2048x8xi1>, vector<2048x8xf32>
    %reduce_sum3A_37 = arith.constant dense<0.000000e+00> : vector<2048xf32>
    %reduce_sum3A_38 = vector.multi_reduction <add>, %select_n3A_36, %reduce_sum3A_37 [1] : vector<2048x8xf32> to vector<2048xf32>
    %broadcast_in_dim3A_39 = vector.shape_cast %reduce_sum3A_38 : vector<2048xf32> to vector<2048x1xf32>
    %add3A = arith.addf %broadcast_in_dim3A_33, %broadcast_in_dim3A_39 : vector<2048x1xf32>
    %max3A = arith.constant 9.99999971E-10 : f32
    %max3A_40 = vector.broadcast %max3A : f32 to vector<2048x1xf32>
    %max3A_41 = arith.maximumf %add3A, %max3A_40 : vector<2048x1xf32>
    %div3A_42 = arith.divf %broadcast_in_dim3A_33, %max3A_41 : vector<2048x1xf32>
    %div3A_43 = arith.divf %broadcast_in_dim3A_39, %max3A_41 : vector<2048x1xf32>
    %convert_element_type3A = arith.extui %eq3A_11 : vector<2048x8xi1> to vector<2048x8xi32>
    %convert_element_type3A_44 = arith.sitofp %convert_element_type3A : vector<2048x8xi32> to vector<2048x8xf32>
    %convert_element_type3A_45 = arith.extui %eq3A_27 : vector<2048x8xi1> to vector<2048x8xi32>
    %convert_element_type3A_46 = arith.sitofp %convert_element_type3A_45 : vector<2048x8xi32> to vector<2048x8xf32>
    %concatenate3A = tpu.concatenate %convert_element_type3A_44, %convert_element_type3A_46 in 1 : vector<2048x8xf32>, vector<2048x8xf32> -> vector<2048x16xf32>
    %iota3A_47 = tpu.iota {dimensions = array<i32: 0>} : vector<256x2048xi32>
    %add3A_48 = arith.constant 0 : i32
    %add3A_49 = vector.broadcast %add3A_48 : i32 to vector<256x2048xi32>
    %add3A_50 = arith.addi %iota3A_47, %add3A_49 : vector<256x2048xi32>
    %iota3A_51 = tpu.iota {dimensions = array<i32: 1>} : vector<256x2048xi32>
    %ge3A_52 = arith.cmpi sge, %add3A_50, %iota3A_51 : vector<256x2048xi32>
    %convert_element_type3A_53 = arith.extui %ge3A_52 : vector<256x2048xi1> to vector<256x2048xi32>
    %convert_element_type3A_54 = arith.sitofp %convert_element_type3A_53 : vector<256x2048xi32> to vector<256x2048xf32>
    %dot_general3A = arith.constant dense<0.000000e+00> : vector<256x16xf32>
    %dot_general3A_55 = tpu.matmul %convert_element_type3A_54, %concatenate3A, %dot_general3A {dimension_numbers = #tpu.dot_dimension_numbers<[1], [0], [0], [1], [0, 0, 1, 1], [], []>, transpose_lhs_hint = false} : vector<256x2048xf32>, vector<2048x16xf32>, vector<256x16xf32> -> vector<256x16xf32>
    %iota3A_56 = tpu.iota {dimensions = array<i32: 0>} : vector<256x2048xi32>
    %add3A_57 = arith.constant 256 : i32
    %add3A_58 = vector.broadcast %add3A_57 : i32 to vector<256x2048xi32>
    %add3A_59 = arith.addi %iota3A_56, %add3A_58 : vector<256x2048xi32>
    %iota3A_60 = tpu.iota {dimensions = array<i32: 1>} : vector<256x2048xi32>
    %ge3A_61 = arith.cmpi sge, %add3A_59, %iota3A_60 : vector<256x2048xi32>
    %convert_element_type3A_62 = arith.extui %ge3A_61 : vector<256x2048xi1> to vector<256x2048xi32>
    %convert_element_type3A_63 = arith.sitofp %convert_element_type3A_62 : vector<256x2048xi32> to vector<256x2048xf32>
    %dot_general3A_64 = arith.constant dense<0.000000e+00> : vector<256x16xf32>
    %dot_general3A_65 = tpu.matmul %convert_element_type3A_63, %concatenate3A, %dot_general3A_64 {dimension_numbers = #tpu.dot_dimension_numbers<[1], [0], [0], [1], [0, 0, 1, 1], [], []>, transpose_lhs_hint = false} : vector<256x2048xf32>, vector<2048x16xf32>, vector<256x16xf32> -> vector<256x16xf32>
    %iota3A_66 = tpu.iota {dimensions = array<i32: 0>} : vector<256x2048xi32>
    %add3A_67 = arith.constant 512 : i32
    %add3A_68 = vector.broadcast %add3A_67 : i32 to vector<256x2048xi32>
    %add3A_69 = arith.addi %iota3A_66, %add3A_68 : vector<256x2048xi32>
    %iota3A_70 = tpu.iota {dimensions = array<i32: 1>} : vector<256x2048xi32>
    %ge3A_71 = arith.cmpi sge, %add3A_69, %iota3A_70 : vector<256x2048xi32>
    %convert_element_type3A_72 = arith.extui %ge3A_71 : vector<256x2048xi1> to vector<256x2048xi32>
    %convert_element_type3A_73 = arith.sitofp %convert_element_type3A_72 : vector<256x2048xi32> to vector<256x2048xf32>
    %dot_general3A_74 = arith.constant dense<0.000000e+00> : vector<256x16xf32>
    %dot_general3A_75 = tpu.matmul %convert_element_type3A_73, %concatenate3A, %dot_general3A_74 {dimension_numbers = #tpu.dot_dimension_numbers<[1], [0], [0], [1], [0, 0, 1, 1], [], []>, transpose_lhs_hint = false} : vector<256x2048xf32>, vector<2048x16xf32>, vector<256x16xf32> -> vector<256x16xf32>
    %iota3A_76 = tpu.iota {dimensions = array<i32: 0>} : vector<256x2048xi32>
    %add3A_77 = arith.constant 768 : i32
    %add3A_78 = vector.broadcast %add3A_77 : i32 to vector<256x2048xi32>
    %add3A_79 = arith.addi %iota3A_76, %add3A_78 : vector<256x2048xi32>
    %iota3A_80 = tpu.iota {dimensions = array<i32: 1>} : vector<256x2048xi32>
    %ge3A_81 = arith.cmpi sge, %add3A_79, %iota3A_80 : vector<256x2048xi32>
    %convert_element_type3A_82 = arith.extui %ge3A_81 : vector<256x2048xi1> to vector<256x2048xi32>
    %convert_element_type3A_83 = arith.sitofp %convert_element_type3A_82 : vector<256x2048xi32> to vector<256x2048xf32>
    %dot_general3A_84 = arith.constant dense<0.000000e+00> : vector<256x16xf32>
    %dot_general3A_85 = tpu.matmul %convert_element_type3A_83, %concatenate3A, %dot_general3A_84 {dimension_numbers = #tpu.dot_dimension_numbers<[1], [0], [0], [1], [0, 0, 1, 1], [], []>, transpose_lhs_hint = false} : vector<256x2048xf32>, vector<2048x16xf32>, vector<256x16xf32> -> vector<256x16xf32>
    %iota3A_86 = tpu.iota {dimensions = array<i32: 0>} : vector<256x2048xi32>
    %add3A_87 = arith.constant 1024 : i32
    %add3A_88 = vector.broadcast %add3A_87 : i32 to vector<256x2048xi32>
    %add3A_89 = arith.addi %iota3A_86, %add3A_88 : vector<256x2048xi32>
    %iota3A_90 = tpu.iota {dimensions = array<i32: 1>} : vector<256x2048xi32>
    %ge3A_91 = arith.cmpi sge, %add3A_89, %iota3A_90 : vector<256x2048xi32>
    %convert_element_type3A_92 = arith.extui %ge3A_91 : vector<256x2048xi1> to vector<256x2048xi32>
    %convert_element_type3A_93 = arith.sitofp %convert_element_type3A_92 : vector<256x2048xi32> to vector<256x2048xf32>
    %dot_general3A_94 = arith.constant dense<0.000000e+00> : vector<256x16xf32>
    %dot_general3A_95 = tpu.matmul %convert_element_type3A_93, %concatenate3A, %dot_general3A_94 {dimension_numbers = #tpu.dot_dimension_numbers<[1], [0], [0], [1], [0, 0, 1, 1], [], []>, transpose_lhs_hint = false} : vector<256x2048xf32>, vector<2048x16xf32>, vector<256x16xf32> -> vector<256x16xf32>
    %iota3A_96 = tpu.iota {dimensions = array<i32: 0>} : vector<256x2048xi32>
    %add3A_97 = arith.constant 1280 : i32
    %add3A_98 = vector.broadcast %add3A_97 : i32 to vector<256x2048xi32>
    %add3A_99 = arith.addi %iota3A_96, %add3A_98 : vector<256x2048xi32>
    %iota3A_100 = tpu.iota {dimensions = array<i32: 1>} : vector<256x2048xi32>
    %ge3A_101 = arith.cmpi sge, %add3A_99, %iota3A_100 : vector<256x2048xi32>
    %convert_element_type3A_102 = arith.extui %ge3A_101 : vector<256x2048xi1> to vector<256x2048xi32>
    %convert_element_type3A_103 = arith.sitofp %convert_element_type3A_102 : vector<256x2048xi32> to vector<256x2048xf32>
    %dot_general3A_104 = arith.constant dense<0.000000e+00> : vector<256x16xf32>
    %dot_general3A_105 = tpu.matmul %convert_element_type3A_103, %concatenate3A, %dot_general3A_104 {dimension_numbers = #tpu.dot_dimension_numbers<[1], [0], [0], [1], [0, 0, 1, 1], [], []>, transpose_lhs_hint = false} : vector<256x2048xf32>, vector<2048x16xf32>, vector<256x16xf32> -> vector<256x16xf32>
    %iota3A_106 = tpu.iota {dimensions = array<i32: 0>} : vector<256x2048xi32>
    %add3A_107 = arith.constant 1536 : i32
    %add3A_108 = vector.broadcast %add3A_107 : i32 to vector<256x2048xi32>
    %add3A_109 = arith.addi %iota3A_106, %add3A_108 : vector<256x2048xi32>
    %iota3A_110 = tpu.iota {dimensions = array<i32: 1>} : vector<256x2048xi32>
    %ge3A_111 = arith.cmpi sge, %add3A_109, %iota3A_110 : vector<256x2048xi32>
    %convert_element_type3A_112 = arith.extui %ge3A_111 : vector<256x2048xi1> to vector<256x2048xi32>
    %convert_element_type3A_113 = arith.sitofp %convert_element_type3A_112 : vector<256x2048xi32> to vector<256x2048xf32>
    %dot_general3A_114 = arith.constant dense<0.000000e+00> : vector<256x16xf32>
    %dot_general3A_115 = tpu.matmul %convert_element_type3A_113, %concatenate3A, %dot_general3A_114 {dimension_numbers = #tpu.dot_dimension_numbers<[1], [0], [0], [1], [0, 0, 1, 1], [], []>, transpose_lhs_hint = false} : vector<256x2048xf32>, vector<2048x16xf32>, vector<256x16xf32> -> vector<256x16xf32>
    %iota3A_116 = tpu.iota {dimensions = array<i32: 0>} : vector<256x2048xi32>
    %add3A_117 = arith.constant 1792 : i32
    %add3A_118 = vector.broadcast %add3A_117 : i32 to vector<256x2048xi32>
    %add3A_119 = arith.addi %iota3A_116, %add3A_118 : vector<256x2048xi32>
    %iota3A_120 = tpu.iota {dimensions = array<i32: 1>} : vector<256x2048xi32>
    %ge3A_121 = arith.cmpi sge, %add3A_119, %iota3A_120 : vector<256x2048xi32>
    %convert_element_type3A_122 = arith.extui %ge3A_121 : vector<256x2048xi1> to vector<256x2048xi32>
    %convert_element_type3A_123 = arith.sitofp %convert_element_type3A_122 : vector<256x2048xi32> to vector<256x2048xf32>
    %dot_general3A_124 = arith.constant dense<0.000000e+00> : vector<256x16xf32>
    %dot_general3A_125 = tpu.matmul %convert_element_type3A_123, %concatenate3A, %dot_general3A_124 {dimension_numbers = #tpu.dot_dimension_numbers<[1], [0], [0], [1], [0, 0, 1, 1], [], []>, transpose_lhs_hint = false} : vector<256x2048xf32>, vector<2048x16xf32>, vector<256x16xf32> -> vector<256x16xf32>
    %concatenate3A_126 = tpu.concatenate %dot_general3A_55, %dot_general3A_65, %dot_general3A_75, %dot_general3A_85, %dot_general3A_95, %dot_general3A_105, %dot_general3A_115, %dot_general3A_125 in 0 : vector<256x16xf32>, vector<256x16xf32>, vector<256x16xf32>, vector<256x16xf32>, vector<256x16xf32>, vector<256x16xf32>, vector<256x16xf32>, vector<256x16xf32> -> vector<2048x16xf32>
    %slice3A = vector.extract_strided_slice %concatenate3A_126 {offsets = [0, 0], sizes = [2048, 8], strides = [1, 1]} : vector<2048x16xf32> to vector<2048x8xf32>
    %slice3A_127 = vector.extract_strided_slice %concatenate3A_126 {offsets = [0, 8], sizes = [2048, 8], strides = [1, 1]} : vector<2048x16xf32> to vector<2048x8xf32>
    %sub3A_128 = arith.constant 1.000000e+00 : f32
    %sub3A_129 = vector.broadcast %sub3A_128 : f32 to vector<2048x8xf32>
    %sub3A_130 = arith.subf %slice3A, %sub3A_129 : vector<2048x8xf32>
    %reduce_sum3A_131 = arith.constant dense<0.000000e+00> : vector<8xf32>
    %reduce_sum3A_132 = vector.multi_reduction <add>, %convert_element_type3A_44, %reduce_sum3A_131 [0] : vector<2048x8xf32> to vector<8xf32>
    %broadcast_in_dim3A_133 = vector.shape_cast %reduce_sum3A_132 : vector<8xf32> to vector<1x8xf32>
    %sub3A_134 = arith.constant 1.000000e+00 : f32
    %sub3A_135 = vector.broadcast %sub3A_134 : f32 to vector<2048x8xf32>
    %sub3A_136 = arith.subf %slice3A_127, %sub3A_135 : vector<2048x8xf32>
    %add3A_137 = vector.broadcast %broadcast_in_dim3A_133 : vector<1x8xf32> to vector<2048x8xf32>
    %add3A_138 = arith.addf %sub3A_136, %add3A_137 : vector<2048x8xf32>
    %lt3A = arith.constant 5.120000e+02 : f32
    %lt3A_139 = vector.broadcast %lt3A : f32 to vector<2048x8xf32>
    %lt3A_140 = arith.cmpf olt, %sub3A_130, %lt3A_139 : vector<2048x8xf32>
    %convert_element_type3A_141 = arith.extui %lt3A_140 : vector<2048x8xi1> to vector<2048x8xi32>
    %convert_element_type3A_142 = arith.sitofp %convert_element_type3A_141 : vector<2048x8xi32> to vector<2048x8xf32>
    %mul3A = arith.mulf %convert_element_type3A_44, %convert_element_type3A_142 : vector<2048x8xf32>
    %lt3A_143 = arith.constant 5.120000e+02 : f32
    %lt3A_144 = vector.broadcast %lt3A_143 : f32 to vector<2048x8xf32>
    %lt3A_145 = arith.cmpf olt, %add3A_138, %lt3A_144 : vector<2048x8xf32>
    %convert_element_type3A_146 = arith.extui %lt3A_145 : vector<2048x8xi1> to vector<2048x8xi32>
    %convert_element_type3A_147 = arith.sitofp %convert_element_type3A_146 : vector<2048x8xi32> to vector<2048x8xf32>
    %mul3A_148 = arith.mulf %convert_element_type3A_46, %convert_element_type3A_147 : vector<2048x8xf32>
    %mul3A_149 = arith.mulf %sub3A_130, %mul3A : vector<2048x8xf32>
    %reduce_sum3A_150 = arith.constant dense<0.000000e+00> : vector<2048xf32>
    %reduce_sum3A_151 = vector.multi_reduction <add>, %mul3A_149, %reduce_sum3A_150 [1] : vector<2048x8xf32> to vector<2048xf32>
    %broadcast_in_dim3A_152 = vector.shape_cast %reduce_sum3A_151 : vector<2048xf32> to vector<2048x1xf32>
    %mul3A_153 = arith.mulf %add3A_138, %mul3A_148 : vector<2048x8xf32>
    %reduce_sum3A_154 = arith.constant dense<0.000000e+00> : vector<2048xf32>
    %reduce_sum3A_155 = vector.multi_reduction <add>, %mul3A_153, %reduce_sum3A_154 [1] : vector<2048x8xf32> to vector<2048xf32>
    %broadcast_in_dim3A_156 = vector.shape_cast %reduce_sum3A_155 : vector<2048xf32> to vector<2048x1xf32>
    %reduce_sum3A_157 = arith.constant dense<0.000000e+00> : vector<2048xf32>
    %reduce_sum3A_158 = vector.multi_reduction <add>, %mul3A, %reduce_sum3A_157 [1] : vector<2048x8xf32> to vector<2048xf32>
    %broadcast_in_dim3A_159 = vector.shape_cast %reduce_sum3A_158 : vector<2048xf32> to vector<2048x1xf32>
    %reduce_sum3A_160 = arith.constant dense<0.000000e+00> : vector<2048xf32>
    %reduce_sum3A_161 = vector.multi_reduction <add>, %mul3A_148, %reduce_sum3A_160 [1] : vector<2048x8xf32> to vector<2048xf32>
    %broadcast_in_dim3A_162 = vector.shape_cast %reduce_sum3A_161 : vector<2048xf32> to vector<2048x1xf32>
    %convert_element_type3A_163 = arith.sitofp %broadcast_in_dim3A_10 : vector<2048x1xi32> to vector<2048x1xf32>
    %mul3A_164 = arith.constant 5.120000e+02 : f32
    %mul3A_165 = vector.broadcast %mul3A_164 : f32 to vector<2048x1xf32>
    %mul3A_166 = arith.mulf %convert_element_type3A_163, %mul3A_165 : vector<2048x1xf32>
    %add3A_167 = arith.addf %mul3A_166, %broadcast_in_dim3A_152 : vector<2048x1xf32>
    %convert_element_type3A_168 = arith.sitofp %broadcast_in_dim3A_25 : vector<2048x1xi32> to vector<2048x1xf32>
    %mul3A_169 = arith.constant 5.120000e+02 : f32
    %mul3A_170 = vector.broadcast %mul3A_169 : f32 to vector<2048x1xf32>
    %mul3A_171 = arith.mulf %convert_element_type3A_168, %mul3A_170 : vector<2048x1xf32>
    %add3A_172 = arith.addf %mul3A_171, %broadcast_in_dim3A_156 : vector<2048x1xf32>
    %gt3A = arith.constant 0.000000e+00 : f32
    %gt3A_173 = vector.broadcast %gt3A : f32 to vector<2048x1xf32>
    %gt3A_174 = arith.cmpf ogt, %broadcast_in_dim3A_159, %gt3A_173 : vector<2048x1xf32>
    %jit3A_175 = arith.constant 0.000000e+00 : f32
    %broadcast_in_dim3A_176 = vector.broadcast %jit3A_175 : f32 to vector<2048x1xf32>
    %select_n3A_177 = arith.select %gt3A_174, %add3A_167, %broadcast_in_dim3A_176 : vector<2048x1xi1>, vector<2048x1xf32>
    %convert_element_type3A_178 = arith.fptosi %select_n3A_177 : vector<2048x1xf32> to vector<2048x1xi32>
    %gt3A_179 = arith.constant 0.000000e+00 : f32
    %gt3A_180 = vector.broadcast %gt3A_179 : f32 to vector<2048x1xf32>
    %gt3A_181 = arith.cmpf ogt, %broadcast_in_dim3A_162, %gt3A_180 : vector<2048x1xf32>
    %jit3A_182 = arith.constant 0.000000e+00 : f32
    %broadcast_in_dim3A_183 = vector.broadcast %jit3A_182 : f32 to vector<2048x1xf32>
    %select_n3A_184 = arith.select %gt3A_181, %add3A_172, %broadcast_in_dim3A_183 : vector<2048x1xi1>, vector<2048x1xf32>
    %convert_element_type3A_185 = arith.fptosi %select_n3A_184 : vector<2048x1xf32> to vector<2048x1xi32>
    %gt3A_186 = arith.constant 0.000000e+00 : f32
    %gt3A_187 = vector.broadcast %gt3A_186 : f32 to vector<2048x1xf32>
    %gt3A_188 = arith.cmpf ogt, %broadcast_in_dim3A_159, %gt3A_187 : vector<2048x1xf32>
    %jit3A_189 = arith.constant 4.096000e+03 : f32
    %broadcast_in_dim3A_190 = vector.broadcast %jit3A_189 : f32 to vector<2048x1xf32>
    %select_n3A_191 = arith.select %gt3A_188, %add3A_167, %broadcast_in_dim3A_190 : vector<2048x1xi1>, vector<2048x1xf32>
    %convert_element_type3A_192 = arith.fptosi %select_n3A_191 : vector<2048x1xf32> to vector<2048x1xi32>
    %gt3A_193 = arith.constant 0.000000e+00 : f32
    %gt3A_194 = vector.broadcast %gt3A_193 : f32 to vector<2048x1xf32>
    %gt3A_195 = arith.cmpf ogt, %broadcast_in_dim3A_162, %gt3A_194 : vector<2048x1xf32>
    %jit3A_196 = arith.constant 4.096000e+03 : f32
    %broadcast_in_dim3A_197 = vector.broadcast %jit3A_196 : f32 to vector<2048x1xf32>
    %select_n3A_198 = arith.select %gt3A_195, %add3A_172, %broadcast_in_dim3A_197 : vector<2048x1xi1>, vector<2048x1xf32>
    %convert_element_type3A_199 = arith.fptosi %select_n3A_198 : vector<2048x1xf32> to vector<2048x1xi32>
    %mul3A_200 = arith.mulf %div3A_42, %broadcast_in_dim3A_159 : vector<2048x1xf32>
    %mul3A_201 = arith.mulf %div3A_43, %broadcast_in_dim3A_162 : vector<2048x1xf32>
    %eq3A_202 = arith.constant 0 : i32
    %eq3A_203 = vector.broadcast %eq3A_202 : i32 to vector<2048x8xi32>
    %eq3A_204 = arith.cmpi eq, %iota3A, %eq3A_203 : vector<2048x8xi32>
    %eq3A_205 = arith.constant 1 : i32
    %eq3A_206 = vector.broadcast %eq3A_205 : i32 to vector<2048x8xi32>
    %eq3A_207 = arith.cmpi eq, %iota3A, %eq3A_206 : vector<2048x8xi32>
    %jit3A_208 = arith.constant 4096 : i32
    %broadcast_in_dim3A_209 = vector.shape_cast %convert_element_type3A_199 : vector<2048x1xi32> to vector<2048x1xi32>
    %broadcast_in_dim3A_210 = vector.broadcast %broadcast_in_dim3A_209 : vector<2048x1xi32> to vector<2048x8xi32>
    %broadcast_in_dim3A_211 = vector.broadcast %jit3A_208 : i32 to vector<2048x8xi32>
    %select_n3A_212 = arith.select %eq3A_207, %broadcast_in_dim3A_210, %broadcast_in_dim3A_211 : vector<2048x8xi1>, vector<2048x8xi32>
    %broadcast_in_dim3A_213 = vector.shape_cast %convert_element_type3A_192 : vector<2048x1xi32> to vector<2048x1xi32>
    %broadcast_in_dim3A_214 = vector.broadcast %broadcast_in_dim3A_213 : vector<2048x1xi32> to vector<2048x8xi32>
    %select_n3A_215 = arith.select %eq3A_204, %broadcast_in_dim3A_214, %select_n3A_212 : vector<2048x8xi1>, vector<2048x8xi32>
    %swap3A = arith.constant 0 : index
    %swap3A_216 = arith.constant 0 : index
    %swap3A_217 = vector.load %arg1[%swap3A, %swap3A_216] : memref<2048x8xi32, #tpu.memory_space<vmem>>, vector<2048x8xi32>
    tpu.vector_store %arg1[%swap3A, %swap3A_216], %select_n3A_215 {strides = array<i32>} : memref<2048x8xi32, #tpu.memory_space<vmem>>, vector<2048x8xi32>,
    %eq3A_218 = arith.constant 0 : i32
    %eq3A_219 = vector.broadcast %eq3A_218 : i32 to vector<2048x8xi32>
    %eq3A_220 = arith.cmpi eq, %iota3A, %eq3A_219 : vector<2048x8xi32>
    %eq3A_221 = arith.constant 1 : i32
    %eq3A_222 = vector.broadcast %eq3A_221 : i32 to vector<2048x8xi32>
    %eq3A_223 = arith.cmpi eq, %iota3A, %eq3A_222 : vector<2048x8xi32>
    %jit3A_224 = arith.constant 0 : i32
    %broadcast_in_dim3A_225 = vector.shape_cast %convert_element_type3A_185 : vector<2048x1xi32> to vector<2048x1xi32>
    %broadcast_in_dim3A_226 = vector.broadcast %broadcast_in_dim3A_225 : vector<2048x1xi32> to vector<2048x8xi32>
    %broadcast_in_dim3A_227 = vector.broadcast %jit3A_224 : i32 to vector<2048x8xi32>
    %select_n3A_228 = arith.select %eq3A_223, %broadcast_in_dim3A_226, %broadcast_in_dim3A_227 : vector<2048x8xi1>, vector<2048x8xi32>
    %broadcast_in_dim3A_229 = vector.shape_cast %convert_element_type3A_178 : vector<2048x1xi32> to vector<2048x1xi32>
    %broadcast_in_dim3A_230 = vector.broadcast %broadcast_in_dim3A_229 : vector<2048x1xi32> to vector<2048x8xi32>
    %select_n3A_231 = arith.select %eq3A_220, %broadcast_in_dim3A_230, %select_n3A_228 : vector<2048x8xi1>, vector<2048x8xi32>
    %swap3A_232 = arith.constant 0 : index
    %swap3A_233 = arith.constant 0 : index
    %swap3A_234 = vector.load %arg2[%swap3A_232, %swap3A_233] : memref<2048x8xi32, #tpu.memory_space<vmem>>, vector<2048x8xi32>
    tpu.vector_store %arg2[%swap3A_232, %swap3A_233], %select_n3A_231 {strides = array<i32>} : memref<2048x8xi32, #tpu.memory_space<vmem>>, vector<2048x8xi32>,
    %eq3A_235 = arith.constant 0 : i32
    %eq3A_236 = vector.broadcast %eq3A_235 : i32 to vector<2048x8xi32>
    %eq3A_237 = arith.cmpi eq, %iota3A, %eq3A_236 : vector<2048x8xi32>
    %eq3A_238 = arith.constant 1 : i32
    %eq3A_239 = vector.broadcast %eq3A_238 : i32 to vector<2048x8xi32>
    %eq3A_240 = arith.cmpi eq, %iota3A, %eq3A_239 : vector<2048x8xi32>
    %jit3A_241 = arith.constant 0.000000e+00 : f32
    %broadcast_in_dim3A_242 = vector.shape_cast %mul3A_201 : vector<2048x1xf32> to vector<2048x1xf32>
    %broadcast_in_dim3A_243 = vector.broadcast %broadcast_in_dim3A_242 : vector<2048x1xf32> to vector<2048x8xf32>
    %broadcast_in_dim3A_244 = vector.broadcast %jit3A_241 : f32 to vector<2048x8xf32>
    %select_n3A_245 = arith.select %eq3A_240, %broadcast_in_dim3A_243, %broadcast_in_dim3A_244 : vector<2048x8xi1>, vector<2048x8xf32>
    %broadcast_in_dim3A_246 = vector.shape_cast %mul3A_200 : vector<2048x1xf32> to vector<2048x1xf32>
    %broadcast_in_dim3A_247 = vector.broadcast %broadcast_in_dim3A_246 : vector<2048x1xf32> to vector<2048x8xf32>
    %select_n3A_248 = arith.select %eq3A_237, %broadcast_in_dim3A_247, %select_n3A_245 : vector<2048x8xi1>, vector<2048x8xf32>
    %swap3A_249 = arith.constant 0 : index
    %swap3A_250 = arith.constant 0 : index
    %swap3A_251 = vector.load %arg3[%swap3A_249, %swap3A_250] : memref<2048x8xf32, #tpu.memory_space<vmem>>, vector<2048x8xf32>
    tpu.vector_store %arg3[%swap3A_249, %swap3A_250], %select_n3A_248 {strides = array<i32>} : memref<2048x8xf32, #tpu.memory_space<vmem>>, vector<2048x8xf32>,
    return
  }
}

module attributes {stable_mosaic.version = 14 : i64} {
  func.func @_ffn_body(%arg0: i32, %arg1: i32, %arg2: memref<512x1024xf32, #tpu.memory_space<vmem>>, %arg3: memref<1x1024x2048xf32, #tpu.memory_space<vmem>>, %arg4: memref<1x1x2048xf32, #tpu.memory_space<vmem>>, %arg5: memref<1x2048x1024xf32, #tpu.memory_space<vmem>>, %arg6: memref<1x1x1024xf32, #tpu.memory_space<vmem>>, %arg7: memref<512x1024xf32, #tpu.memory_space<vmem>>, %arg8: memref<512x1024xf32, #tpu.memory_space<vmem>>) attributes {dimension_semantics = [#tpu.dimension_semantics<arbitrary>, #tpu.dimension_semantics<arbitrary>], iteration_bounds = array<i64: 8, 2>, scalar_prefetch = 0 : i64, scratch_operands = 1 : i64, tpu.core_type = #tpu.core_type<tc>, window_params = [{transform_indices = @transform_0, window_bounds = array<i64: 512, 1024>}, {transform_indices = @transform_1, window_bounds = array<i64: 1, 1024, 2048>}, {transform_indices = @transform_2, window_bounds = array<i64: 1, 1, 2048>}, {transform_indices = @transform_3, window_bounds = array<i64: 1, 2048, 1024>}, {transform_indices = @transform_4, window_bounds = array<i64: 1, 1, 1024>}, {transform_indices = @transform_5, window_bounds = array<i64: 512, 1024>}]} {
    %get3A = arith.constant 0 : index
    %get3A_0 = arith.constant 0 : index
    %get3A_1 = vector.load %arg2[%get3A, %get3A_0] : memref<512x1024xf32, #tpu.memory_space<vmem>>, vector<512x1024xf32>
    %convert_element_type3A = arith.truncf %get3A_1 : vector<512x1024xf32> to vector<512x1024xbf16>
    %get3A_2 = arith.constant 0 : index
    %get3A_3 = arith.constant 0 : index
    %get3A_4 = arith.constant 0 : index
    %get3A_5 = vector.load %arg3[%get3A_2, %get3A_3, %get3A_4] : memref<1x1024x2048xf32, #tpu.memory_space<vmem>>, vector<1x1024x2048xf32>
    %get3A_6 = vector.shape_cast %get3A_5 : vector<1x1024x2048xf32> to vector<1024x2048xf32>
    %convert_element_type3A_7 = arith.truncf %get3A_6 : vector<1024x2048xf32> to vector<1024x2048xbf16>
    %dot_general3A = arith.constant dense<0.000000e+00> : vector<512x2048xf32>
    %dot_general3A_8 = tpu.matmul %convert_element_type3A, %convert_element_type3A_7, %dot_general3A {dimension_numbers = #tpu.dot_dimension_numbers<[1], [0], [0], [1], [0, 0, 1, 1], [], []>, transpose_lhs_hint = false} : vector<512x1024xbf16>, vector<1024x2048xbf16>, vector<512x2048xf32> -> vector<512x2048xf32>
    %get3A_9 = arith.constant 0 : index
    %get3A_10 = arith.constant 0 : index
    %get3A_11 = arith.constant 0 : index
    %get3A_12 = vector.load %arg4[%get3A_9, %get3A_10, %get3A_11] : memref<1x1x2048xf32, #tpu.memory_space<vmem>>, vector<1x1x2048xf32>
    %get3A_13 = vector.shape_cast %get3A_12 : vector<1x1x2048xf32> to vector<1x2048xf32>
    %add3A = vector.broadcast %get3A_13 : vector<1x2048xf32> to vector<512x2048xf32>
    %add3A_14 = arith.addf %dot_general3A_8, %add3A : vector<512x2048xf32>
    %max3A = arith.constant 0.000000e+00 : f32
    %max3A_15 = vector.broadcast %max3A : f32 to vector<512x2048xf32>
    %max3A_16 = arith.maximumf %add3A_14, %max3A_15 : vector<512x2048xf32>
    %convert_element_type3A_17 = arith.truncf %max3A_16 : vector<512x2048xf32> to vector<512x2048xbf16>
    %get3A_18 = arith.constant 0 : index
    %get3A_19 = arith.constant 0 : index
    %get3A_20 = arith.constant 0 : index
    %get3A_21 = vector.load %arg5[%get3A_18, %get3A_19, %get3A_20] : memref<1x2048x1024xf32, #tpu.memory_space<vmem>>, vector<1x2048x1024xf32>
    %get3A_22 = vector.shape_cast %get3A_21 : vector<1x2048x1024xf32> to vector<2048x1024xf32>
    %convert_element_type3A_23 = arith.truncf %get3A_22 : vector<2048x1024xf32> to vector<2048x1024xbf16>
    %dot_general3A_24 = arith.constant dense<0.000000e+00> : vector<512x1024xf32>
    %dot_general3A_25 = tpu.matmul %convert_element_type3A_17, %convert_element_type3A_23, %dot_general3A_24 {dimension_numbers = #tpu.dot_dimension_numbers<[1], [0], [0], [1], [0, 0, 1, 1], [], []>, transpose_lhs_hint = false} : vector<512x2048xbf16>, vector<2048x1024xbf16>, vector<512x1024xf32> -> vector<512x1024xf32>
    %eq3A = arith.constant 0 : i32
    %eq3A_26 = arith.cmpi eq, %arg1, %eq3A : i32
    %convert_element_type3A_27 = arith.extui %eq3A_26 : i1 to i32
    %cond3A = arith.constant 0 : i32
    %cond3A_28 = arith.cmpi ne, %convert_element_type3A_27, %cond3A : i32
    scf.if %cond3A_28 {
      %swap3A = arith.constant 0 : index
      %swap3A_38 = arith.constant 0 : index
      %swap3A_39 = vector.load %arg8[%swap3A, %swap3A_38] : memref<512x1024xf32, #tpu.memory_space<vmem>>, vector<512x1024xf32>
      tpu.vector_store %arg8[%swap3A, %swap3A_38], %dot_general3A_25 {strides = array<i32>} : memref<512x1024xf32, #tpu.memory_space<vmem>>, vector<512x1024xf32>,
    } else {
    }
    %ne3A = arith.constant 0 : i32
    %ne3A_29 = arith.cmpi ne, %arg1, %ne3A : i32
    %convert_element_type3A_30 = arith.extui %ne3A_29 : i1 to i32
    %cond3A_31 = arith.constant 0 : i32
    %cond3A_32 = arith.cmpi ne, %convert_element_type3A_30, %cond3A_31 : i32
    scf.if %cond3A_32 {
      %get3A_38 = arith.constant 0 : index
      %get3A_39 = arith.constant 0 : index
      %get3A_40 = vector.load %arg8[%get3A_38, %get3A_39] : memref<512x1024xf32, #tpu.memory_space<vmem>>, vector<512x1024xf32>
      %add3A_41 = arith.addf %get3A_40, %dot_general3A_25 : vector<512x1024xf32>
      %swap3A = arith.constant 0 : index
      %swap3A_42 = arith.constant 0 : index
      %swap3A_43 = vector.load %arg8[%swap3A, %swap3A_42] : memref<512x1024xf32, #tpu.memory_space<vmem>>, vector<512x1024xf32>
      tpu.vector_store %arg8[%swap3A, %swap3A_42], %add3A_41 {strides = array<i32>} : memref<512x1024xf32, #tpu.memory_space<vmem>>, vector<512x1024xf32>,
    } else {
    }
    %eq3A_33 = arith.constant 1 : i32
    %eq3A_34 = arith.cmpi eq, %arg1, %eq3A_33 : i32
    %convert_element_type3A_35 = arith.extui %eq3A_34 : i1 to i32
    %cond3A_36 = arith.constant 0 : i32
    %cond3A_37 = arith.cmpi ne, %convert_element_type3A_35, %cond3A_36 : i32
    scf.if %cond3A_37 {
      %get3A_38 = arith.constant 0 : index
      %get3A_39 = arith.constant 0 : index
      %get3A_40 = vector.load %arg8[%get3A_38, %get3A_39] : memref<512x1024xf32, #tpu.memory_space<vmem>>, vector<512x1024xf32>
      %get3A_41 = arith.constant 0 : index
      %get3A_42 = arith.constant 0 : index
      %get3A_43 = arith.constant 0 : index
      %get3A_44 = vector.load %arg6[%get3A_41, %get3A_42, %get3A_43] : memref<1x1x1024xf32, #tpu.memory_space<vmem>>, vector<1x1x1024xf32>
      %get3A_45 = vector.shape_cast %get3A_44 : vector<1x1x1024xf32> to vector<1x1024xf32>
      %add3A_46 = vector.broadcast %get3A_45 : vector<1x1024xf32> to vector<512x1024xf32>
      %add3A_47 = arith.addf %get3A_40, %add3A_46 : vector<512x1024xf32>
      %swap3A = arith.constant 0 : index
      %swap3A_48 = arith.constant 0 : index
      %swap3A_49 = vector.load %arg7[%swap3A, %swap3A_48] : memref<512x1024xf32, #tpu.memory_space<vmem>>, vector<512x1024xf32>
      tpu.vector_store %arg7[%swap3A, %swap3A_48], %add3A_47 {strides = array<i32>} : memref<512x1024xf32, #tpu.memory_space<vmem>>, vector<512x1024xf32>,
    } else {
    }
    return
  }
  func.func @transform_0(%arg0: i32, %arg1: i32) -> (i32, i32) {
    %c0_i32 = arith.constant 0 : i32
    %c0_i32_0 = arith.constant 0 : i32
    return %arg0, %c0_i32 : i32, i32
  }
  func.func @transform_1(%arg0: i32, %arg1: i32) -> (i32, i32, i32) {
    %c0_i32 = arith.constant 0 : i32
    %c0_i32_0 = arith.constant 0 : i32
    return %arg0, %c0_i32, %arg1 : i32, i32, i32
  }
  func.func @transform_2(%arg0: i32, %arg1: i32) -> (i32, i32, i32) {
    %c0_i32 = arith.constant 0 : i32
    %c0_i32_0 = arith.constant 0 : i32
    return %arg0, %c0_i32, %arg1 : i32, i32, i32
  }
  func.func @transform_3(%arg0: i32, %arg1: i32) -> (i32, i32, i32) {
    %c0_i32 = arith.constant 0 : i32
    %c0_i32_0 = arith.constant 0 : i32
    return %arg0, %arg1, %c0_i32 : i32, i32, i32
  }
  func.func @transform_4(%arg0: i32, %arg1: i32) -> (i32, i32, i32) {
    %c0_i32 = arith.constant 0 : i32
    %c0_i32_0 = arith.constant 0 : i32
    %c0_i32_1 = arith.constant 0 : i32
    return %arg0, %c0_i32, %c0_i32_0 : i32, i32, i32
  }
  func.func @transform_5(%arg0: i32, %arg1: i32) -> (i32, i32) {
    %c0_i32 = arith.constant 0 : i32
    %c0_i32_0 = arith.constant 0 : i32
    return %arg0, %c0_i32 : i32, i32
  }
}

module attributes {stable_mosaic.version = 14 : i64} {
  func.func @_combine_body(%arg0: i32, %arg1: memref<256x1024xf32, #tpu.memory_space<vmem>>, %arg2: memref<256x8xf32, #tpu.memory_space<vmem>>, %arg3: memref<256x1024xf32, #tpu.memory_space<vmem>>, %arg4: memref<256x1024xf32, #tpu.memory_space<vmem>>, %arg5: memref<256x1024xf32, #tpu.memory_space<vmem>>) attributes {dimension_semantics = [#tpu.dimension_semantics<arbitrary>], iteration_bounds = array<i64: 8>, scalar_prefetch = 0 : i64, scratch_operands = 0 : i64, tpu.core_type = #tpu.core_type<tc>, window_params = [{transform_indices = @transform_0, window_bounds = array<i64: 256, 1024>}, {transform_indices = @transform_1, window_bounds = array<i64: 256, 8>}, {transform_indices = @transform_2, window_bounds = array<i64: 256, 1024>}, {transform_indices = @transform_3, window_bounds = array<i64: 256, 1024>}, {transform_indices = @transform_4, window_bounds = array<i64: 256, 1024>}]} {
    %get3A = arith.constant 0 : index
    %get3A_0 = arith.constant 0 : index
    %get3A_1 = vector.load %arg2[%get3A, %get3A_0] : memref<256x8xf32, #tpu.memory_space<vmem>>, vector<256x1xf32>
    %get3A_2 = arith.constant 0 : index
    %get3A_3 = arith.constant 1 : index
    %get3A_4 = vector.load %arg2[%get3A_2, %get3A_3] : memref<256x8xf32, #tpu.memory_space<vmem>>, vector<256x1xf32>
    %get3A_5 = arith.constant 0 : index
    %get3A_6 = arith.constant 0 : index
    %get3A_7 = vector.load %arg1[%get3A_5, %get3A_6] : memref<256x1024xf32, #tpu.memory_space<vmem>>, vector<256x1024xf32>
    %get3A_8 = arith.constant 0 : index
    %get3A_9 = arith.constant 0 : index
    %get3A_10 = vector.load %arg3[%get3A_8, %get3A_9] : memref<256x1024xf32, #tpu.memory_space<vmem>>, vector<256x1024xf32>
    %mul3A = vector.broadcast %get3A_1 : vector<256x1xf32> to vector<256x1024xf32>
    %mul3A_11 = arith.mulf %mul3A, %get3A_10 : vector<256x1024xf32>
    %add3A = arith.addf %get3A_7, %mul3A_11 : vector<256x1024xf32>
    %get3A_12 = arith.constant 0 : index
    %get3A_13 = arith.constant 0 : index
    %get3A_14 = vector.load %arg4[%get3A_12, %get3A_13] : memref<256x1024xf32, #tpu.memory_space<vmem>>, vector<256x1024xf32>
    %mul3A_15 = vector.broadcast %get3A_4 : vector<256x1xf32> to vector<256x1024xf32>
    %mul3A_16 = arith.mulf %mul3A_15, %get3A_14 : vector<256x1024xf32>
    %add3A_17 = arith.addf %add3A, %mul3A_16 : vector<256x1024xf32>
    %swap3A = arith.constant 0 : index
    %swap3A_18 = arith.constant 0 : index
    %swap3A_19 = vector.load %arg5[%swap3A, %swap3A_18] : memref<256x1024xf32, #tpu.memory_space<vmem>>, vector<256x1024xf32>
    tpu.vector_store %arg5[%swap3A, %swap3A_18], %add3A_17 {strides = array<i32>} : memref<256x1024xf32, #tpu.memory_space<vmem>>, vector<256x1024xf32>,
    return
  }
  func.func @transform_0(%arg0: i32) -> (i32, i32) {
    %c0_i32 = arith.constant 0 : i32
    %c0_i32_0 = arith.constant 0 : i32
    return %arg0, %c0_i32 : i32, i32
  }
  func.func @transform_1(%arg0: i32) -> (i32, i32) {
    %c0_i32 = arith.constant 0 : i32
    %c0_i32_0 = arith.constant 0 : i32
    return %arg0, %c0_i32 : i32, i32
  }
  func.func @transform_2(%arg0: i32) -> (i32, i32) {
    %c0_i32 = arith.constant 0 : i32
    %c0_i32_0 = arith.constant 0 : i32
    return %arg0, %c0_i32 : i32, i32
  }
  func.func @transform_3(%arg0: i32) -> (i32, i32) {
    %c0_i32 = arith.constant 0 : i32
    %c0_i32_0 = arith.constant 0 : i32
    return %arg0, %c0_i32 : i32, i32
  }
  func.func @transform_4(%arg0: i32) -> (i32, i32) {
    %c0_i32 = arith.constant 0 : i32
    %c0_i32_0 = arith.constant 0 : i32
    return %arg0, %c0_i32 : i32, i32
  }
}

</mosaic_0001>

<sc_bundles>
// kernel: kernel.11.cloned.1.call-start
scs
__scs_entry_jumppad:
0x0: {  	(pc) =	sbr.rel $0x88, $3  }
0x1: {  	(tag) =	ssettag $0x0;
	lr =	simm.s32 $0x1  }
0x2: {  	[smem:$0x3F8F] =	sst lr;
	_ =	strace $0xD0000000  }
0x3: {  	_ = 	snop  }
0x4: {  	_ = 	snop  }
0x5: {  	_ = 	snop  }
0x6: {  	_ = 	snop  }
0x7: {  	_ = 	snop  }
__scs_overlays_trampoline_lowered:
0x8: {  	[smem:$0x3F9E] =	sst s0  }
0x9: {  	[smem:$0x3F9F] =	sst s1  }
0xa: {  	[smem:$0x3FA0] =	sst s2  }
0xb: {  	[smem:$0x3FA1] =	sst s3  }
0xc: {  	[smem:$0x3FA2] =	sst s4  }
0xd: {  	[smem:$0x3FA3] =	sst s5  }
0xe: {  	[smem:$0x3FA4] =	sst s6  }
0xf: {  	[smem:$0x3FA5] =	sst s7  }
0x10: {  	[smem:$0x3FA6] =	sst s8  }
0x11: {  	[smem:$0x3FA7] =	sst s9;
	s0 =	simm.s32 @!p0 $0x0  }
0x12: {  	s1 =	sld [smem:$0x3F8D];
	s0 =	simm.s32 @p0 $0x1  }
0x13: {  	[smem:$0x3FA8] =	sst s0;
	s0 =	simm.s32 @!p1 $0x0  }
0x14: {  	s2 =	sld [smem:$0x3F8C];
	s0 =	simm.s32 @p1 $0x1  }
0x15: {  	[smem:$0x3FA9] =	sst s0;
	s0 =	simm.s32 @!p2 $0x0  }
0x16: {  	s3 =	sld [smem:$0x3FDB];
	s0 =	simm.s32 @p2 $0x1  }
0x17: {  	s4 =	simm.s32 $0x1BF5;
	[smem:$0x3FAB] =	sst s0  }
0x18: {  	s0 =	sld [smem:$0x3F8E];
	_ =	swait.ge [sflag:s4], $0x0  }
0x19: {  	s7 =	sld [smem:$0x3F8F]  }
0x1a: {  	s8 =	sadd.s32 $0xFFFFE003, lr  }
0x1b: {  	s9 =	sadd.s32 $0xFFFFFEF7, lr;
	s5 =	simm.s32 $0xFFFFFFFF;
	p2 =	slt.u32 s8, $0xFFFFF086  }
0x1c: {  	p1 =	slt.u32 s9, $0xF7A;
	s5 =	simm.s32 @!p2 $0x0  }
0x1d: {  	s5 =	simm.s32 @p1 $0x1;
	p0 =	seq.s32 s7, s2  }
0x1e: {  	s7 =	smul.u32 @!p0 $0xF7A, s2;
	p2 =	seq.s32 @!p0 s5, $0x0  }
0x1f: {  	s9 =	smul.u32 $0xF7A, s1;
	s8 =	simm.s32 @!p0 $0x1BF5;
	p2 =	por !p2, p0  }
0x20: {  	[sflag:s8] =	ssyncset.s32 @!p0 $0xFFFFF086;
	s6 =	sadd.s32 @!p0 s3, s7;
	s7 =	simm.s32 @!p0 $0x108  }
0x21: {  	s3 =	sadd.s32 s3, s9;
	s6 =	sadd.s32 @!p0 $0x88, s6;
	s7 =	simm.s32 @p2 $0x1082  }
0x22: {  	[simem:s7], [sflag:s8] =	dma.local @!p0 [hbm:s6], $0xF7A  }
0x23: {  	s9 =	sor.u32 $0xD0000000, s2;
	s6 =	simm.s32 $0x108;
	_ =	swait.ge @!p0 [sflag:s8], $0x0  }
0x24: {  	s3 =	sadd.s32 $0x88, s3;
	s6 =	simm.s32 @!p1 $0x1082;
	[sflag:s4] =	ssyncset.s32 $0xFFFFF086  }
0x25: {  	[simem:s6], [sflag:s4] =	dma.local [hbm:s3], $0xF7A  }
0x26: {  	[smem:$0x3F8F] =	sst s1;
	(tag) =	ssettag s2;
	_ =	strace s9  }
0x27: {  	s1 =	sld [smem:$0x3F9F]  }
0x28: {  	s2 =	sld [smem:$0x3FA0]  }
0x29: {  	s4 =	sld [smem:$0x3FA2]  }
0x2a: {  	p0 =	seq.s32 s5, $0x0;
	s5 =	sld [smem:$0x3FA3]  }
0x2b: {  	s6 =	sld [smem:$0x3FA4]  }
0x2c: {  	s7 =	sld [smem:$0x3FA5]  }
0x2d: {  	s3 =	simm.s32 $0x108;
	s8 =	sld [smem:$0x3FA6]  }
0x2e: {  	s3 =	simm.s32 @!p0 $0x1082;
	s9 =	sld [smem:$0x3FA7]  }
0x2f: {  	lr =	sadd.s32 s0, s3;
	s0 =	sld [smem:$0x3F9E]  }
0x30: {  	s3 =	sld [smem:$0x3FA1]  }
0x31: {  	[smem:$0x3FAA] =	sst s10  }
0x32: {  	s10 =	sld [smem:$0x3FA8];
	_ =	sdelay $0x3  }
0x33: {  	p0 =	seq.s32 s10, $0x1;
	s10 =	sld [smem:$0x3FAA];
	_ =	sdelay $0x3  }
0x34: {  	[smem:$0x3FAA] =	sst s10  }
0x35: {  	s10 =	sld [smem:$0x3FA9];
	_ =	sdelay $0x3  }
0x36: {  	p1 =	seq.s32 s10, $0x1;
	s10 =	sld [smem:$0x3FAA];
	_ =	sdelay $0x3  }
0x37: {  	[smem:$0x3FAA] =	sst s10  }
0x38: {  	s10 =	sld [smem:$0x3FAB]  }
0x39: {  	_ = 	snop;
	(pc) =	sbr.ind lr, $3  }
0x3a: {  	_ = 	snop  }
0x3b: {  	_ = 	snop  }
0x3c: {  	p2 =	seq.s32 s10, $0x1;
	s10 =	sld [smem:$0x3FAA]  }
0x3d: {  	_ =	shalt  }
0x3e: {  	_ =	shalt  }
0x3f: {  	_ =	shalt  }
0x40: {  	_ =	shalt  }
0x41: {  	_ =	shalt  }
0x42: {  	_ =	shalt  }
0x43: {  	_ =	shalt  }
0x44: {  	_ =	shalt  }
0x45: {  	_ =	shalt  }
0x46: {  	_ =	shalt  }
0x47: {  	_ =	shalt  }
0x48: {  	_ =	shalt  }
0x49: {  	_ =	shalt  }
0x4a: {  	_ =	shalt  }
0x4b: {  	_ =	shalt  }
0x4c: {  	_ =	shalt  }
0x4d: {  	_ =	shalt  }
0x4e: {  	_ =	shalt  }
0x4f: {  	_ =	shalt  }
0x50: {  	_ =	shalt  }
0x51: {  	_ =	shalt  }
0x52: {  	_ =	shalt  }
0x53: {  	_ =	shalt  }
0x54: {  	_ =	shalt  }
0x55: {  	_ =	shalt  }
0x56: {  	_ =	shalt  }
0x57: {  	_ =	shalt  }
0x58: {  	_ =	shalt  }
0x59: {  	_ =	shalt  }
0x5a: {  	_ =	shalt  }
0x5b: {  	_ =	shalt  }
0x5c: {  	_ =	shalt  }
0x5d: {  	_ =	shalt  }
0x5e: {  	_ =	shalt  }
0x5f: {  	_ =	shalt  }
0x60: {  	_ =	shalt  }
0x61: {  	_ =	shalt  }
0x62: {  	_ =	shalt  }
0x63: {  	_ =	shalt  }
0x64: {  	_ =	shalt  }
0x65: {  	_ =	shalt  }
0x66: {  	_ =	shalt  }
0x67: {  	_ =	shalt  }
0x68: {  	_ =	shalt  }
0x69: {  	_ =	shalt  }
0x6a: {  	_ =	shalt  }
0x6b: {  	_ =	shalt  }
0x6c: {  	_ =	shalt  }
0x6d: {  	_ =	shalt  }
0x6e: {  	_ =	shalt  }
0x6f: {  	_ =	shalt  }
0x70: {  	_ =	shalt  }
0x71: {  	_ =	shalt  }
0x72: {  	_ =	shalt  }
0x73: {  	_ =	shalt  }
0x74: {  	_ =	shalt  }
0x75: {  	_ =	shalt  }
0x76: {  	_ =	shalt  }
0x77: {  	_ =	shalt  }
0x78: {  	_ =	shalt  }
0x79: {  	_ =	shalt  }
0x7a: {  	_ =	shalt  }
0x7b: {  	_ =	shalt  }
0x7c: {  	_ =	shalt  }
0x7d: {  	_ =	shalt  }
0x7e: {  	_ =	shalt  }
0x7f: {  	_ =	shalt  }
0x80: {  	_ =	shalt  }
0x81: {  	_ =	shalt  }
0x82: {  	_ =	shalt  }
0x83: {  	_ =	shalt  }
0x84: {  	_ =	shalt  }
0x85: {  	_ =	shalt  }
0x86: {  	_ =	shalt  }
0x87: {  	_ =	shalt  }
.Lfunc_end0:
.L_simem_size_0:
called_computation_lowered:
.L_overlay_start_0:
0x88: {  	s2 =	sld [smem:$0x3FD9]  }
0x89: {  	s3 =	sld [smem:$0x3FFE];
	_ =	sdelay $0x1  }
0x8a: {  	s1 =	srdreg.scid  }
0x8b: {  	s0 =	sand.u32 $0x1, s1  }
0x8c: {  	s16 =	sshll.u32 s0, $0xA;
	s2 =	sadd.s32 s3, s2  }
0x8d: {  	s2 =	sadd.s32 s2, s16  }
0x8e: {  	[smem:$0x3FB6] =	sst s2  }
0x8f: {  	_ = 	snop  }
0x90: {  	(tm) =	ssettm $0x1  }
0x91: {  	s17 =	sld [smem:$0x3FFB];
	_ =	sdelay $0x3  }
0x92: {  	_ =	strace s17  }
0x93: {  	s2 =	sld [smem:$0x3FFC];
	_ =	sdelay $0x3  }
0x94: {  	_ =	strace s2  }
0x95: {  	s2 =	sld [smem:$0x3FFD];
	_ =	sdelay $0x3  }
0x96: {  	_ =	strace s2  }
0x97: {  	_ =	strace $0x8FFFFFFF  }
0x98: {  	s18 =	sld [smem:$0x3FDB];
	_ =	sdelay $0x1  }
0x99: {  	s19 =	simm.s32 $_scs_section_size  }
0x9a: {  	s4 =	simm.s32 $_size__tile_overlayer_lowered;
	s5 =	simm.s32 $_tile_overlayer_lowered  }
0x9b: {  	s22 =	simm.s32 $0x1BFF;
	s21 =	sshll.u32 s5, $0x1;
	s2 =	sadd.s32 s19, s18  }
0x9c: {  	s6 =	simm.s32 $0x0;
	s20 =	sshll.u32 s4, $0x1;
	s4 =	sadd.s32 s21, s2  }
0x9d: {  	[timem:s6], [sflag:s22] =	dma.local [hbm:s4], s20  }
0x9e: {  	_ =	swait.ge [sflag:s22], s20  }
0x9f: {  	s3 =	ssub.s32 $0x0, s20;
	[sflag:s22] =	ssyncset.done $0x0  }
0xa0: {  	[sflag:s22] =	ssyncadd.s32 s3;
	_ =	sdelay $0x1  }
0xa1: {  	s23 =	simm.s32 $0x1B8B  }
0xa2: {  	_ =	swait.ge [sflag:s23], $0x1  }
0xa3: {  	[sflag:s23] =	ssyncset.done $0x0  }
0xa4: {  	s25 =	simm.s32 $0x1B8E;
	s24 =	sld [smem:$0x3FFE];
	[sflag:s23] =	ssyncadd.s32 $0xFFFFFFFF  }
0xa5: {  	s26 =	simm.s32 $execute0_lowered;
	[smem:$0x3FD2] =	sst s25  }
0xa6: {  	s4 =	sshll.u32 s26, $0x1;
	_ =	strace $0x80000046;
	[dreg:$0x1] =	wrdreg $0xFFFFFFFF  }
0xa7: {  	s28 =	simm.s32 $_size_execute0_lowered;
	s2 =	sadd.s32 s2, s4;
	[dreg:$0x0] =	wrdreg $0x0  }
0xa8: {  	s4 =	sshll.u32 s28, $0x1;
	[dreg:$0x2] =	wrdreg s2  }
0xa9: {  	[dreg:$0x3] =	wrdreg s4  }
0xaa: {  	[dreg:$0x4] =	wrdreg $0xC0  }
0xab: {  	_ =	task [dreg:s6], $0x5FFFF  }
0xac: {  	[dreg:$0x1] =	wrdreg $0xFFFFFFFF  }
0xad: {  	[dreg:$0x0] =	wrdreg $0x60  }
0xae: {  	[dreg:$0x2] =	wrdreg s24  }
0xaf: {  	[dreg:$0x3] =	wrdreg $0x9  }
0xb0: {  	_ =	task.clear_ibuf [dreg:s6], $0x4FFFF;
	_ =	strace $0x90000046  }
0xb1: {  	s29 =	simm.s32 $0x9;
	_ =	strace $0x80000048  }
0xb2: {  	_ =	swait.ge [sflag:s29], $0x1  }
0xb3: {  	[sflag:s29] =	ssyncadd.s32 $0xFFFFFFFF  }
0xb4: {  	_ =	strace $0x90000048  }
0xb5: {  	_ =	sfence  }
0xb6: {  	s30 =	sld [smem:$0x0];
	_ =	sdelay $0x2  }
0xb7: {  	s31 =	sshll.u32 s1, $0xD;
	s1 =	sshrl.u32 s1, $0x2  }
0xb8: {  	s3 =	sand.u32 $0x4000, s31;
	s1 =	sadd.s32 s1, s30  }
0xb9: {  	s0 =	sor.u32 s3, s0;
	s1 =	sshll.u32 s1, $0x11  }
0xba: {  	s0 =	sor.u32 s1, s0  }
0xbb: {  	s0 =	sadd.s32 $0x8F2B, s0  }
0xbc: {  	[sflag:s0] =	ssyncadd.remote.s32 $0x1  }
0xbd: {  	_ =	sfence.sel $0xFFFF  }
0xbe: {  	[dreg:$0x0] =	wrdreg $0xFFFFFFFF;
	(pc) =	sbr.abs _section_cstart, $3  }
0xbf: {  	[dreg:$0x1] =	wrdreg $0xFFFFFFFF  }
0xc0: {  	_ =	task.clear_ibuf [dreg:s6], $0x2FFFF;
	_ =	strace $0x9FFFFFFF  }
0xc1: {  	(tm) =	ssettm $0x7FFFFFFF  }
tec
execute0_lowered:
.L_overlay_start_1:
0x0: {  	(tag) =	ssettag $0x1  }
0x1: {  	s0 =	srdreg.scid  }
0x2: {  	s3 =	sand.u32 $0x1, s0;
	s0 =	stileid.u32  }
0x3: {  	s2 =	sor.u32 s0, s3  }
0x4: {  	p0 =	sne.s32 s2, $0x0  }
.Ltmp0:
0x5: {  	_ = 	snop;
	(pc) =	sbr.rel @p0 .LBB2_7-.Ltmp0, $3  }
0x6: {  	_ =	sdelay $0x1  }
0x7: {  	s4 =	rddreg [dreg:$0x0]  }
0x8: {  	s1 =	rddreg [dreg:$0x1];
	_ =	strace $0x80000047  }
0x9: {  	s2 =	sadd.s32 $0x4AC00, s4;
	s5 =	ssub.s32 $0x2, s3  }
0xa: {  	s3 =	sadd.s32 $0x4AE00, s4;
	s4 =	sadd.s32 $0x4B400, s4;
	s7 =	simm.s32 $0x1080  }
0xb: {  	s8 =	simm.s32 $0x1;
	s9 =	simm.s32 $0x1880;
	s6 =	sshrl.u32 s5, $0x1  }
0xc: {  	v0 =	vimm.s32 $0x0;
	v1 =	vlaneseq.u32;
	s10 =	simm.s32 $0x0;
	s5 =	ssub.s32 s5, s6;
	s6 =	simm.s32 $0x0  }
.LBB2_2:
0xd: {  	[tilespmem:s7], [sflag:$0x1] =	stream.linear.gather [hbm4b:s2+s6], $0x800, $0x38;
	[tilespmem:$0x2080] =	vst v63  }
0xe: {  	_ =	swait.ge [sflag:s8], $0x800  }
0xf: {  	[sflag:s8] =	ssyncset.done $0x0  }
0x10: {  	[sflag:s8] =	ssyncadd.s32 $0xFFFFF800  }
0x11: {  	[tilespmem:s9], [sflag:$0x1] =	stream.linear.gather [hbm4b:s3+s6], $0x800, $0x38;
	[tilespmem:$0x2080] =	vst v63  }
0x12: {  	_ =	swait.ge [sflag:s8], $0x800  }
0x13: {  	[sflag:s8] =	ssyncset.done $0x0  }
0x14: {  	s11 =	simm.s32 $0x0;
	[sflag:s8] =	ssyncadd.s32 $0xFFFFF800  }
.LBB2_3:
0x15: {  	p0 =	sne.s32 s11, $0x4000  }
.Ltmp1:
0x16: {  	_ = 	snop;
	(pc) =	sbr.rel @p0 .LBB2_3-.Ltmp1, $3  }
0x17: {  	_ =	sdelay $0x1  }
0x18: {  	s12 =	sshra.s32 s11, $0x2  }
0x19: {  	s11 =	sadd.s32 $0x40, s11;
	[tilespmem:s12+$0x0] =	vst v0  }
0x1a: {  	s11 =	simm.s32 $0x0;
	s12 =	simm.s32 $0x1080;
	s13 =	simm.s32 $0x1880  }
.LBB2_5:
0x1b: {  	v2 =	vld [tilespmem:s12+$0x0];
	_ =	sdelay $0x6  }
0x1c: {  	v3 =	vor.u32 s11, v1  }
0x1d: {  	[tilespmem:v2+s6+$0x0] =	vst.idx.msk $0xffff, v3  }
0x1e: {  	v2 =	vld [tilespmem:s13+$0x0];
	_ =	sdelay $0x2  }
0x1f: {  	p0 =	sne.s32 s11, $0x7F0  }
.Ltmp2:
0x20: {  	_ = 	snop;
	(pc) =	sbr.rel @p0 .LBB2_5-.Ltmp2, $2  }
0x21: {  	_ =	sdelay $0x2  }
0x22: {  	s12 =	sadd.s32 $0x10, s12;
	s11 =	sadd.s32 $0x10, s11;
	s13 =	sadd.s32 $0x10, s13;
	[tilespmem:v2+s6+$0x0] =	vst.idx.msk $0xffff, v3  }
0x23: {  	s10 =	sadd.s32 $0x1, s10  }
0x24: {  	p0 =	sne.s32 s10, s5  }
.Ltmp3:
0x25: {  	_ = 	snop;
	(pc) =	sbr.rel @p0 .LBB2_2-.Ltmp3, $4  }
0x26: {  	[hbm4b:s4+s6] =	stream.linear.scatter [tilespmem:s6], [sflag:$0x1], $0x1080, $0x38;
	[tilespmem:$0x2080] =	vst v63  }
0x27: {  	_ =	swait.ge [sflag:s8], $0x1080  }
0x28: {  	[sflag:s8] =	ssyncset.done $0x0  }
0x29: {  	[sflag:s8] =	ssyncadd.s32 $0xFFFFEF80  }
.LBB2_7:
0x2a: {  	_ =	sfence.sel $0x180000  }
0x2b: {  	[bflag:$0x0] =	sbarrier.arrive $0xFFFF  }
0x2c: {  	p0 =	sne.s32 s0, $0x0;
	_ =	strace $0x90000047  }
0x2d: {  	s0 =	sadd.s32 @!p0 $0x100000, s1;
	[bflag:$0x2] =	sbarrier.arrive $0xFFFF  }
0x2e: {  	[sflag:s0] =	ssyncadd.tile.s32 @!p0 $0x1;
	_ =	shalt  }
.Lfunc_end2:
_tile_overlayer_lowered:
.L_overlay_start_2:
0x2f: {  	(tag) =	ssettag $0x2  }
0x30: {  	s0 =	rddreg [dreg:$0x0];
	s2 =	stileid.u32  }
0x31: {  	s1 =	rddreg [dreg:$0x1];
	p0 =	sne.s32 s2, $0x0  }
0x32: {  	s3 =	rddreg [dreg:$0x2];
	[bflag:$0x3] =	sbarrier.arrive $0xFFFF;
	s2 =	simm.s32 @!p0 $0x1C01  }
0x33: {  	[timem:s3], [sflag:s2] =	dma.local @!p0 [hbm:s0], s1  }
0x34: {  	s0 =	simm.s32 @!p0 $0x1  }
0x35: {  	_ =	swait.ge @!p0 [sflag:s0], s1  }
0x36: {  	s1 =	ssub.s32 @!p0 $0x0, s1;
	[sflag:s0] =	ssyncset.done @!p0 $0x0  }
0x37: {  	[sflag:s0] =	ssyncadd.s32 @!p0 s1  }
0x38: {  	[bflag:$0x3] =	sbarrier.arrive $0xFFFF  }
0x39: {  	_ =	shalt  }

// kernel: kernel.14.cloned.1.call-start
scs
__scs_entry_jumppad:
0x0: {  	(pc) =	sbr.rel $0x88, $3  }
0x1: {  	(tag) =	ssettag $0x0;
	lr =	simm.s32 $0x1  }
0x2: {  	[smem:$0x3F8F] =	sst lr;
	_ =	strace $0xD0000000  }
0x3: {  	_ = 	snop  }
0x4: {  	_ = 	snop  }
0x5: {  	_ = 	snop  }
0x6: {  	_ = 	snop  }
0x7: {  	_ = 	snop  }
__scs_overlays_trampoline_lowered:
0x8: {  	[smem:$0x3F9E] =	sst s0  }
0x9: {  	[smem:$0x3F9F] =	sst s1  }
0xa: {  	[smem:$0x3FA0] =	sst s2  }
0xb: {  	[smem:$0x3FA1] =	sst s3  }
0xc: {  	[smem:$0x3FA2] =	sst s4  }
0xd: {  	[smem:$0x3FA3] =	sst s5  }
0xe: {  	[smem:$0x3FA4] =	sst s6  }
0xf: {  	[smem:$0x3FA5] =	sst s7  }
0x10: {  	[smem:$0x3FA6] =	sst s8  }
0x11: {  	[smem:$0x3FA7] =	sst s9;
	s0 =	simm.s32 @!p0 $0x0  }
0x12: {  	s1 =	sld [smem:$0x3F8D];
	s0 =	simm.s32 @p0 $0x1  }
0x13: {  	[smem:$0x3FA8] =	sst s0;
	s0 =	simm.s32 @!p1 $0x0  }
0x14: {  	s2 =	sld [smem:$0x3F8C];
	s0 =	simm.s32 @p1 $0x1  }
0x15: {  	[smem:$0x3FA9] =	sst s0;
	s0 =	simm.s32 @!p2 $0x0  }
0x16: {  	s3 =	sld [smem:$0x3FDB];
	s0 =	simm.s32 @p2 $0x1  }
0x17: {  	s4 =	simm.s32 $0x1BF5;
	[smem:$0x3FAB] =	sst s0  }
0x18: {  	s0 =	sld [smem:$0x3F8E];
	_ =	swait.ge [sflag:s4], $0x0  }
0x19: {  	s7 =	sld [smem:$0x3F8F]  }
0x1a: {  	s8 =	sadd.s32 $0xFFFFE003, lr  }
0x1b: {  	s9 =	sadd.s32 $0xFFFFFEF7, lr;
	s5 =	simm.s32 $0xFFFFFFFF;
	p2 =	slt.u32 s8, $0xFFFFF086  }
0x1c: {  	p1 =	slt.u32 s9, $0xF7A;
	s5 =	simm.s32 @!p2 $0x0  }
0x1d: {  	s5 =	simm.s32 @p1 $0x1;
	p0 =	seq.s32 s7, s2  }
0x1e: {  	s7 =	smul.u32 @!p0 $0xF7A, s2;
	p2 =	seq.s32 @!p0 s5, $0x0  }
0x1f: {  	s9 =	smul.u32 $0xF7A, s1;
	s8 =	simm.s32 @!p0 $0x1BF5;
	p2 =	por !p2, p0  }
0x20: {  	[sflag:s8] =	ssyncset.s32 @!p0 $0xFFFFF086;
	s6 =	sadd.s32 @!p0 s3, s7;
	s7 =	simm.s32 @!p0 $0x108  }
0x21: {  	s3 =	sadd.s32 s3, s9;
	s6 =	sadd.s32 @!p0 $0x88, s6;
	s7 =	simm.s32 @p2 $0x1082  }
0x22: {  	[simem:s7], [sflag:s8] =	dma.local @!p0 [hbm:s6], $0xF7A  }
0x23: {  	s9 =	sor.u32 $0xD0000000, s2;
	s6 =	simm.s32 $0x108;
	_ =	swait.ge @!p0 [sflag:s8], $0x0  }
0x24: {  	s3 =	sadd.s32 $0x88, s3;
	s6 =	simm.s32 @!p1 $0x1082;
	[sflag:s4] =	ssyncset.s32 $0xFFFFF086  }
0x25: {  	[simem:s6], [sflag:s4] =	dma.local [hbm:s3], $0xF7A  }
0x26: {  	[smem:$0x3F8F] =	sst s1;
	(tag) =	ssettag s2;
	_ =	strace s9  }
0x27: {  	s1 =	sld [smem:$0x3F9F]  }
0x28: {  	s2 =	sld [smem:$0x3FA0]  }
0x29: {  	s4 =	sld [smem:$0x3FA2]  }
0x2a: {  	p0 =	seq.s32 s5, $0x0;
	s5 =	sld [smem:$0x3FA3]  }
0x2b: {  	s6 =	sld [smem:$0x3FA4]  }
0x2c: {  	s7 =	sld [smem:$0x3FA5]  }
0x2d: {  	s3 =	simm.s32 $0x108;
	s8 =	sld [smem:$0x3FA6]  }
0x2e: {  	s3 =	simm.s32 @!p0 $0x1082;
	s9 =	sld [smem:$0x3FA7]  }
0x2f: {  	lr =	sadd.s32 s0, s3;
	s0 =	sld [smem:$0x3F9E]  }
0x30: {  	s3 =	sld [smem:$0x3FA1]  }
0x31: {  	[smem:$0x3FAA] =	sst s10  }
0x32: {  	s10 =	sld [smem:$0x3FA8];
	_ =	sdelay $0x3  }
0x33: {  	p0 =	seq.s32 s10, $0x1;
	s10 =	sld [smem:$0x3FAA];
	_ =	sdelay $0x3  }
0x34: {  	[smem:$0x3FAA] =	sst s10  }
0x35: {  	s10 =	sld [smem:$0x3FA9];
	_ =	sdelay $0x3  }
0x36: {  	p1 =	seq.s32 s10, $0x1;
	s10 =	sld [smem:$0x3FAA];
	_ =	sdelay $0x3  }
0x37: {  	[smem:$0x3FAA] =	sst s10  }
0x38: {  	s10 =	sld [smem:$0x3FAB]  }
0x39: {  	_ = 	snop;
	(pc) =	sbr.ind lr, $3  }
0x3a: {  	_ = 	snop  }
0x3b: {  	_ = 	snop  }
0x3c: {  	p2 =	seq.s32 s10, $0x1;
	s10 =	sld [smem:$0x3FAA]  }
0x3d: {  	_ =	shalt  }
0x3e: {  	_ =	shalt  }
0x3f: {  	_ =	shalt  }
0x40: {  	_ =	shalt  }
0x41: {  	_ =	shalt  }
0x42: {  	_ =	shalt  }
0x43: {  	_ =	shalt  }
0x44: {  	_ =	shalt  }
0x45: {  	_ =	shalt  }
0x46: {  	_ =	shalt  }
0x47: {  	_ =	shalt  }
0x48: {  	_ =	shalt  }
0x49: {  	_ =	shalt  }
0x4a: {  	_ =	shalt  }
0x4b: {  	_ =	shalt  }
0x4c: {  	_ =	shalt  }
0x4d: {  	_ =	shalt  }
0x4e: {  	_ =	shalt  }
0x4f: {  	_ =	shalt  }
0x50: {  	_ =	shalt  }
0x51: {  	_ =	shalt  }
0x52: {  	_ =	shalt  }
0x53: {  	_ =	shalt  }
0x54: {  	_ =	shalt  }
0x55: {  	_ =	shalt  }
0x56: {  	_ =	shalt  }
0x57: {  	_ =	shalt  }
0x58: {  	_ =	shalt  }
0x59: {  	_ =	shalt  }
0x5a: {  	_ =	shalt  }
0x5b: {  	_ =	shalt  }
0x5c: {  	_ =	shalt  }
0x5d: {  	_ =	shalt  }
0x5e: {  	_ =	shalt  }
0x5f: {  	_ =	shalt  }
0x60: {  	_ =	shalt  }
0x61: {  	_ =	shalt  }
0x62: {  	_ =	shalt  }
0x63: {  	_ =	shalt  }
0x64: {  	_ =	shalt  }
0x65: {  	_ =	shalt  }
0x66: {  	_ =	shalt  }
0x67: {  	_ =	shalt  }
0x68: {  	_ =	shalt  }
0x69: {  	_ =	shalt  }
0x6a: {  	_ =	shalt  }
0x6b: {  	_ =	shalt  }
0x6c: {  	_ =	shalt  }
0x6d: {  	_ =	shalt  }
0x6e: {  	_ =	shalt  }
0x6f: {  	_ =	shalt  }
0x70: {  	_ =	shalt  }
0x71: {  	_ =	shalt  }
0x72: {  	_ =	shalt  }
0x73: {  	_ =	shalt  }
0x74: {  	_ =	shalt  }
0x75: {  	_ =	shalt  }
0x76: {  	_ =	shalt  }
0x77: {  	_ =	shalt  }
0x78: {  	_ =	shalt  }
0x79: {  	_ =	shalt  }
0x7a: {  	_ =	shalt  }
0x7b: {  	_ =	shalt  }
0x7c: {  	_ =	shalt  }
0x7d: {  	_ =	shalt  }
0x7e: {  	_ =	shalt  }
0x7f: {  	_ =	shalt  }
0x80: {  	_ =	shalt  }
0x81: {  	_ =	shalt  }
0x82: {  	_ =	shalt  }
0x83: {  	_ =	shalt  }
0x84: {  	_ =	shalt  }
0x85: {  	_ =	shalt  }
0x86: {  	_ =	shalt  }
0x87: {  	_ =	shalt  }
.Lfunc_end0:
.L_simem_size_0:
called_computation.1_lowered:
.L_overlay_start_0:
0x88: {  	s2 =	sld [smem:$0x3FD9]  }
0x89: {  	s3 =	sld [smem:$0x3FFE];
	_ =	sdelay $0x1  }
0x8a: {  	s1 =	srdreg.scid  }
0x8b: {  	s0 =	sand.u32 $0x1, s1  }
0x8c: {  	s16 =	sshll.u32 s0, $0xA;
	s2 =	sadd.s32 s3, s2  }
0x8d: {  	s2 =	sadd.s32 s2, s16  }
0x8e: {  	[smem:$0x3FB6] =	sst s2  }
0x8f: {  	_ = 	snop  }
0x90: {  	(tm) =	ssettm $0x1  }
0x91: {  	s17 =	sld [smem:$0x3FFB];
	_ =	sdelay $0x3  }
0x92: {  	_ =	strace s17  }
0x93: {  	s2 =	sld [smem:$0x3FFC];
	_ =	sdelay $0x3  }
0x94: {  	_ =	strace s2  }
0x95: {  	s2 =	sld [smem:$0x3FFD];
	_ =	sdelay $0x3  }
0x96: {  	_ =	strace s2  }
0x97: {  	_ =	strace $0x8FFFFFFF  }
0x98: {  	s18 =	sld [smem:$0x3FDB];
	_ =	sdelay $0x1  }
0x99: {  	s19 =	simm.s32 $_scs_section_size  }
0x9a: {  	s4 =	simm.s32 $_size__tile_overlayer_lowered;
	s5 =	simm.s32 $_tile_overlayer_lowered  }
0x9b: {  	s22 =	simm.s32 $0x1BFF;
	s21 =	sshll.u32 s5, $0x1;
	s2 =	sadd.s32 s19, s18  }
0x9c: {  	s6 =	simm.s32 $0x0;
	s20 =	sshll.u32 s4, $0x1;
	s4 =	sadd.s32 s21, s2  }
0x9d: {  	[timem:s6], [sflag:s22] =	dma.local [hbm:s4], s20  }
0x9e: {  	_ =	swait.ge [sflag:s22], s20  }
0x9f: {  	s3 =	ssub.s32 $0x0, s20;
	[sflag:s22] =	ssyncset.done $0x0  }
0xa0: {  	[sflag:s22] =	ssyncadd.s32 s3;
	_ =	sdelay $0x1  }
0xa1: {  	s23 =	simm.s32 $0x1B8B  }
0xa2: {  	_ =	swait.ge [sflag:s23], $0x1  }
0xa3: {  	[sflag:s23] =	ssyncset.done $0x0  }
0xa4: {  	s25 =	simm.s32 $0x1B8E;
	s24 =	sld [smem:$0x3FFE];
	[sflag:s23] =	ssyncadd.s32 $0xFFFFFFFF  }
0xa5: {  	s26 =	simm.s32 $execute0_lowered;
	[smem:$0x3FD2] =	sst s25  }
0xa6: {  	s4 =	sshll.u32 s26, $0x1;
	_ =	strace $0x80000049;
	[dreg:$0x1] =	wrdreg $0xFFFFFFFF  }
0xa7: {  	s28 =	simm.s32 $_size_execute0_lowered;
	s2 =	sadd.s32 s2, s4;
	[dreg:$0x0] =	wrdreg $0x0  }
0xa8: {  	s4 =	sshll.u32 s28, $0x1;
	[dreg:$0x2] =	wrdreg s2  }
0xa9: {  	[dreg:$0x3] =	wrdreg s4  }
0xaa: {  	[dreg:$0x4] =	wrdreg $0xC0  }
0xab: {  	_ =	task [dreg:s6], $0x5FFFF  }
0xac: {  	[dreg:$0x1] =	wrdreg $0xFFFFFFFF  }
0xad: {  	[dreg:$0x0] =	wrdreg $0x60  }
0xae: {  	[dreg:$0x2] =	wrdreg s24  }
0xaf: {  	[dreg:$0x3] =	wrdreg $0x9  }
0xb0: {  	_ =	task.clear_ibuf [dreg:s6], $0x4FFFF;
	_ =	strace $0x90000049  }
0xb1: {  	s29 =	simm.s32 $0x9;
	_ =	strace $0x8000004B  }
0xb2: {  	_ =	swait.ge [sflag:s29], $0x1  }
0xb3: {  	[sflag:s29] =	ssyncadd.s32 $0xFFFFFFFF  }
0xb4: {  	_ =	strace $0x9000004B  }
0xb5: {  	_ =	sfence  }
0xb6: {  	s30 =	sld [smem:$0x0];
	_ =	sdelay $0x2  }
0xb7: {  	s31 =	sshll.u32 s1, $0xD;
	s1 =	sshrl.u32 s1, $0x2  }
0xb8: {  	s3 =	sand.u32 $0x4000, s31;
	s1 =	sadd.s32 s1, s30  }
0xb9: {  	s0 =	sor.u32 s3, s0;
	s1 =	sshll.u32 s1, $0x11  }
0xba: {  	s0 =	sor.u32 s1, s0  }
0xbb: {  	s0 =	sadd.s32 $0x8F2B, s0  }
0xbc: {  	[sflag:s0] =	ssyncadd.remote.s32 $0x1  }
0xbd: {  	_ =	sfence.sel $0xFFFF  }
0xbe: {  	[dreg:$0x0] =	wrdreg $0xFFFFFFFF;
	(pc) =	sbr.abs _section_cstart, $3  }
0xbf: {  	[dreg:$0x1] =	wrdreg $0xFFFFFFFF  }
0xc0: {  	_ =	task.clear_ibuf [dreg:s6], $0x2FFFF;
	_ =	strace $0x9FFFFFFF  }
0xc1: {  	(tm) =	ssettm $0x7FFFFFFF  }
tec
execute0_lowered:
.L_overlay_start_1:
0x0: {  	(tag) =	ssettag $0x1  }
0x1: {  	s0 =	srdreg.scid  }
0x2: {  	s2 =	stileid.u32;
	s1 =	rddreg [dreg:$0x0]  }
0x3: {  	s19 =	simm.s32 $0x3;
	s20 =	simm.s32 $0x2;
	s21 =	simm.s32 $0x4  }
0x4: {  	s23 =	simm.s32 $0x880;
	s28 =	simm.s32 $0x2080;
	s29 =	simm.s32 $0x2880  }
0x5: {  	s30 =	simm.s32 $0x3080;
	s31 =	simm.s32 $0x3880;
	s10 =	simm.s32 $0x5080  }
0x6: {  	s11 =	simm.s32 $0x5880;
	s12 =	simm.s32 $0x6080;
	s13 =	simm.s32 $0x6880  }
0x7: {  	s14 =	simm.s32 $0x7080;
	s15 =	simm.s32 $0x7880;
	s18 =	simm.s32 $0x8080  }
0x8: {  	s16 =	simm.s32 $0x8880;
	s17 =	simm.s32 $0x9080;
	s0 =	sand.u32 $0x1, s0  }
0x9: {  	s3 =	sshll.u32 s2, $0x8;
	s2 =	simm.s32 $0x0;
	s4 =	sshll.u32 s0, $0x7  }
0xa: {  	[smem:$0x7FF] =	sst s2;
	s0 =	ssub.s32 $0x2, s0;
	s4 =	sor.u32 s4, s3  }
0xb: {  	_ =	strace $0x8000004A;
	s24 =	sshrl.u32 s0, $0x1;
	s3 =	sshrl.u32 s4, $0x3  }
0xc: {  	s4 =	sshll.u32 s4, $0x7;
	s0 =	ssub.s32 s0, s24;
	s5 =	sadd.s32 s3, s1  }
0xd: {  	s24 =	simm.s32 $0x1080;
	s7 =	sadd.s32 s4, s1;
	s5 =	sadd.s32 $0x4B400, s5  }
0xe: {  	s3 =	sadd.s32 $0x2C00, s1;
	s25 =	sadd.s32 $0x4B800, s7;
	[dreg:$0x2] =	wrdreg s5  }
0xf: {  	s4 =	sadd.s32 $0x2D00, s1;
	s6 =	sadd.s32 $0x4C800, s7;
	[dreg:$0x3] =	wrdreg s25  }
0x10: {  	s8 =	sadd.s32 $0x4D800, s7;
	s26 =	sadd.s32 $0x4E800, s7;
	[dreg:$0x4] =	wrdreg s6  }
0x11: {  	v2 =	vlaneseq.u32;
	s7 =	smax.u32 s0, $0x1;
	s5 =	sadd.s32 $0x2E00, s1;
	[dreg:$0x5] =	wrdreg s8  }
0x12: {  	vm0 =	vmmov $0xffff;
	v1 =	vshrl.u32 v2, $0x3;
	s6 =	sadd.s32 $0x2F00, s1;
	[dreg:$0x6] =	wrdreg s26;
	s8 =	simm.s32 $0x1  }
0x13: {  	v0 =	vand.u32 $0x7, v2;
	v2 =	vor.u32 $0x8, v2;
	v1 =	vmul.u32 $0x8, v1;
	s25 =	simm.s32 $0x80;
	s26 =	simm.s32 $0x1880;
	s1 =	simm.s32 $0x4080  }
.LBB2_1:
0x14: {  	s22 =	rddreg [dreg:$0x2];
	s0 =	simm.s32 $0x5  }
0x15: {  	[tilespmem:s2], [sflag:$0x5] =	stream.linear.gather [hbm4b:s22+s2], $0x80, $0x38;
	[tilespmem:$0x10080] =	vst v63  }
0x16: {  	_ =	swait.ge [sflag:s0], $0x80  }
0x17: {  	[sflag:s0] =	ssyncset.done $0x0  }
0x18: {  	[sflag:s0] =	ssyncadd.s32 $0xFFFFFF80  }
0x19: {  	v3 =	vld [tilespmem:$0x0];
	_ =	sdelay $0x4  }
0x1a: {  	v4 =	vshll.u32 v3, $0x3  }
0x1b: {  	v3 =	vand.u32 $0x7, v3;
	v4 =	vand.u32 $0xFFFFFFC0, v4  }
0x1c: {  	v3 =	vor.u32 v3, v4  }
0x1d: {  	v4 =	vperm.xlane v3, v0;
	_ =	sdelay $0x1  }
0x1e: {  	v4 =	vadd.s32 v1, v4;
	_ =	sdelay $0x4  }
0x1f: {  	[tilespmem:s25], [sflag:$0x1] =	stream.indirect_vreg.gather [hbm4b:s3+s2], $0x80, v4, vm0, $0xb8;
	[tilespmem:$0x10080] =	vst v63  }
0x20: {  	v3 =	vperm.xlane v3, v2  }
0x21: {  	[tilespmem:s23], [sflag:$0x1] =	stream.indirect_vreg.gather [hbm4b:s4+s2], $0x80, v4, vm0, $0xb8;
	[tilespmem:$0x10080] =	vst v63  }
0x22: {  	v3 =	vadd.s32 v1, v3  }
0x23: {  	[tilespmem:s24], [sflag:$0x1] =	stream.indirect_vreg.gather [hbm4b:s5+s2], $0x80, v4, vm0, $0xb8;
	[tilespmem:$0x10080] =	vst v63  }
0x24: {  	_ = 	snop  }
0x25: {  	[tilespmem:s26], [sflag:$0x1] =	stream.indirect_vreg.gather [hbm4b:s6+s2], $0x80, v4, vm0, $0xb8;
	[tilespmem:$0x10080] =	vst v63  }
0x26: {  	_ = 	snop  }
0x27: {  	[tilespmem:s28], [sflag:$0x1] =	stream.indirect_vreg.gather [hbm4b:s3+s2], $0x80, v3, vm0, $0xb8;
	[tilespmem:$0x10080] =	vst v63  }
0x28: {  	_ = 	snop  }
0x29: {  	[tilespmem:s29], [sflag:$0x1] =	stream.indirect_vreg.gather [hbm4b:s4+s2], $0x80, v3, vm0, $0xb8;
	[tilespmem:$0x10080] =	vst v63  }
0x2a: {  	_ = 	snop  }
0x2b: {  	[tilespmem:s30], [sflag:$0x1] =	stream.indirect_vreg.gather [hbm4b:s5+s2], $0x80, v3, vm0, $0xb8;
	[tilespmem:$0x10080] =	vst v63  }
0x2c: {  	_ = 	snop  }
0x2d: {  	[tilespmem:s31], [sflag:$0x1] =	stream.indirect_vreg.gather [hbm4b:s6+s2], $0x80, v3, vm0, $0xb8;
	[tilespmem:$0x10080] =	vst v63  }
0x2e: {  	v3 =	vld [tilespmem:$0x10];
	_ =	sdelay $0x4  }
0x2f: {  	v57 =	vshll.u32 v3, $0x3  }
0x30: {  	v3 =	vand.u32 $0x7, v3;
	v4 =	vand.u32 $0xFFFFFFC0, v57  }
0x31: {  	v3 =	vor.u32 v3, v4  }
0x32: {  	v4 =	vperm.xlane v3, v0;
	_ =	sdelay $0x1  }
0x33: {  	v4 =	vadd.s32 v1, v4;
	_ =	sdelay $0x4  }
0x34: {  	[tilespmem:s1], [sflag:$0x1] =	stream.indirect_vreg.gather [hbm4b:s3+s2], $0x80, v4, vm0, $0xb8;
	[tilespmem:$0x10080] =	vst v63  }
0x35: {  	s0 =	simm.s32 $0x4880;
	v3 =	vperm.xlane v3, v2  }
0x36: {  	[tilespmem:s0], [sflag:$0x1] =	stream.indirect_vreg.gather [hbm4b:s4+s2], $0x80, v4, vm0, $0xb8;
	[tilespmem:$0x10080] =	vst v63  }
0x37: {  	v3 =	vadd.s32 v1, v3  }
0x38: {  	[tilespmem:s10], [sflag:$0x1] =	stream.indirect_vreg.gather [hbm4b:s5+s2], $0x80, v4, vm0, $0xb8;
	[tilespmem:$0x10080] =	vst v63  }
0x39: {  	_ = 	snop  }
0x3a: {  	[tilespmem:s11], [sflag:$0x1] =	stream.indirect_vreg.gather [hbm4b:s6+s2], $0x80, v4, vm0, $0xb8;
	[tilespmem:$0x10080] =	vst v63  }
0x3b: {  	_ = 	snop  }
0x3c: {  	[tilespmem:s12], [sflag:$0x1] =	stream.indirect_vreg.gather [hbm4b:s3+s2], $0x80, v3, vm0, $0xb8;
	[tilespmem:$0x10080] =	vst v63  }
0x3d: {  	_ = 	snop  }
0x3e: {  	[tilespmem:s13], [sflag:$0x1] =	stream.indirect_vreg.gather [hbm4b:s4+s2], $0x80, v3, vm0, $0xb8;
	[tilespmem:$0x10080] =	vst v63  }
0x3f: {  	_ = 	snop  }
0x40: {  	[tilespmem:s14], [sflag:$0x1] =	stream.indirect_vreg.gather [hbm4b:s5+s2], $0x80, v3, vm0, $0xb8;
	[tilespmem:$0x10080] =	vst v63  }
0x41: {  	_ = 	snop  }
0x42: {  	[tilespmem:s15], [sflag:$0x1] =	stream.indirect_vreg.gather [hbm4b:s6+s2], $0x80, v3, vm0, $0xb8;
	[tilespmem:$0x10080] =	vst v63  }
0x43: {  	v3 =	vld [tilespmem:$0x20];
	_ =	sdelay $0x4  }
0x44: {  	v58 =	vshll.u32 v3, $0x3  }
0x45: {  	v3 =	vand.u32 $0x7, v3;
	v4 =	vand.u32 $0xFFFFFFC0, v58  }
0x46: {  	v3 =	vor.u32 v3, v4  }
0x47: {  	v4 =	vperm.xlane v3, v0;
	_ =	sdelay $0x1  }
0x48: {  	v4 =	vadd.s32 v1, v4;
	_ =	sdelay $0x4  }
0x49: {  	[tilespmem:s18], [sflag:$0x2] =	stream.indirect_vreg.gather [hbm4b:s3+s2], $0x80, v4, vm0, $0xb8;
	[tilespmem:$0x10080] =	vst v63  }
0x4a: {  	v3 =	vperm.xlane v3, v2  }
0x4b: {  	[tilespmem:s16], [sflag:$0x2] =	stream.indirect_vreg.gather [hbm4b:s4+s2], $0x80, v4, vm0, $0xb8;
	[tilespmem:$0x10080] =	vst v63  }
0x4c: {  	v3 =	vadd.s32 v1, v3  }
0x4d: {  	[tilespmem:s17], [sflag:$0x2] =	stream.indirect_vreg.gather [hbm4b:s5+s2], $0x80, v4, vm0, $0xb8;
	[tilespmem:$0x10080] =	vst v63  }
0x4e: {  	s9 =	simm.s32 $0x9880  }
0x4f: {  	[tilespmem:s9], [sflag:$0x2] =	stream.indirect_vreg.gather [hbm4b:s6+s2], $0x80, v4, vm0, $0xb8;
	[tilespmem:$0x10080] =	vst v63  }
0x50: {  	s9 =	simm.s32 $0xA080  }
0x51: {  	[tilespmem:s9], [sflag:$0x2] =	stream.indirect_vreg.gather [hbm4b:s3+s2], $0x80, v3, vm0, $0xb8;
	[tilespmem:$0x10080] =	vst v63  }
0x52: {  	s22 =	simm.s32 $0xA880  }
0x53: {  	[tilespmem:s22], [sflag:$0x2] =	stream.indirect_vreg.gather [hbm4b:s4+s2], $0x80, v3, vm0, $0xb8;
	[tilespmem:$0x10080] =	vst v63  }
0x54: {  	s22 =	simm.s32 $0xB080  }
0x55: {  	[tilespmem:s22], [sflag:$0x2] =	stream.indirect_vreg.gather [hbm4b:s5+s2], $0x80, v3, vm0, $0xb8;
	[tilespmem:$0x10080] =	vst v63  }
0x56: {  	s22 =	simm.s32 $0xB880  }
0x57: {  	[tilespmem:s22], [sflag:$0x2] =	stream.indirect_vreg.gather [hbm4b:s6+s2], $0x80, v3, vm0, $0xb8;
	[tilespmem:$0x10080] =	vst v63  }
0x58: {  	v3 =	vld [tilespmem:$0x30];
	_ =	sdelay $0x4  }
0x59: {  	v59 =	vshll.u32 v3, $0x3  }
0x5a: {  	v3 =	vand.u32 $0x7, v3;
	v4 =	vand.u32 $0xFFFFFFC0, v59  }
0x5b: {  	v3 =	vor.u32 v3, v4  }
0x5c: {  	v4 =	vperm.xlane v3, v0;
	_ =	sdelay $0x1  }
0x5d: {  	v4 =	vadd.s32 v1, v4;
	_ =	sdelay $0x3  }
0x5e: {  	s22 =	simm.s32 $0xC080  }
0x5f: {  	[tilespmem:s22], [sflag:$0x2] =	stream.indirect_vreg.gather [hbm4b:s3+s2], $0x80, v4, vm0, $0xb8;
	[tilespmem:$0x10080] =	vst v63  }
0x60: {  	v3 =	vperm.xlane v3, v2;
	s22 =	simm.s32 $0xC880  }
0x61: {  	[tilespmem:s22], [sflag:$0x2] =	stream.indirect_vreg.gather [hbm4b:s4+s2], $0x80, v4, vm0, $0xb8;
	[tilespmem:$0x10080] =	vst v63  }
0x62: {  	v3 =	vadd.s32 v1, v3;
	s22 =	simm.s32 $0xD080  }
0x63: {  	[tilespmem:s22], [sflag:$0x2] =	stream.indirect_vreg.gather [hbm4b:s5+s2], $0x80, v4, vm0, $0xb8;
	[tilespmem:$0x10080] =	vst v63  }
0x64: {  	s22 =	simm.s32 $0xD880  }
0x65: {  	[tilespmem:s22], [sflag:$0x2] =	stream.indirect_vreg.gather [hbm4b:s6+s2], $0x80, v4, vm0, $0xb8;
	[tilespmem:$0x10080] =	vst v63  }
0x66: {  	s22 =	simm.s32 $0xE080  }
0x67: {  	[tilespmem:s22], [sflag:$0x2] =	stream.indirect_vreg.gather [hbm4b:s3+s2], $0x80, v3, vm0, $0xb8;
	[tilespmem:$0x10080] =	vst v63  }
0x68: {  	s22 =	simm.s32 $0xE880  }
0x69: {  	[tilespmem:s22], [sflag:$0x2] =	stream.indirect_vreg.gather [hbm4b:s4+s2], $0x80, v3, vm0, $0xb8;
	[tilespmem:$0x10080] =	vst v63  }
0x6a: {  	s22 =	simm.s32 $0xF080  }
0x6b: {  	[tilespmem:s22], [sflag:$0x2] =	stream.indirect_vreg.gather [hbm4b:s5+s2], $0x80, v3, vm0, $0xb8;
	[tilespmem:$0x10080] =	vst v63  }
0x6c: {  	s22 =	simm.s32 $0xF880  }
0x6d: {  	[tilespmem:s22], [sflag:$0x2] =	stream.indirect_vreg.gather [hbm4b:s6+s2], $0x80, v3, vm0, $0xb8;
	[tilespmem:$0x10080] =	vst v63  }
0x6e: {  	_ =	swait.ge [sflag:s8], $0x8000  }
0x6f: {  	[sflag:s8] =	ssyncset.done $0x0  }
0x70: {  	s22 =	rddreg [dreg:$0x3];
	[sflag:s8] =	ssyncadd.s32 $0xFFFF8000  }
0x71: {  	[hbm4b:s22+s2] =	stream.linear.scatter [tilespmem:s25], [sflag:$0x3], $0x8000, $0x38;
	[tilespmem:$0x10080] =	vst v63  }
0x72: {  	_ =	swait.ge [sflag:s19], $0x8000  }
0x73: {  	[sflag:s19] =	ssyncset.done $0x0  }
0x74: {  	[sflag:s19] =	ssyncadd.s32 $0xFFFF8000  }
0x75: {  	v3 =	vld [tilespmem:$0x40];
	_ =	sdelay $0x4  }
0x76: {  	v60 =	vshll.u32 v3, $0x3  }
0x77: {  	v3 =	vand.u32 $0x7, v3;
	v4 =	vand.u32 $0xFFFFFFC0, v60  }
0x78: {  	v3 =	vor.u32 v3, v4  }
0x79: {  	v4 =	vperm.xlane v3, v0;
	_ =	sdelay $0x1  }
0x7a: {  	v4 =	vadd.s32 v1, v4;
	_ =	sdelay $0x4  }
0x7b: {  	[tilespmem:s25], [sflag:$0x1] =	stream.indirect_vreg.gather [hbm4b:s3+s2], $0x80, v4, vm0, $0xb8;
	[tilespmem:$0x10080] =	vst v63  }
0x7c: {  	v3 =	vperm.xlane v3, v2  }
0x7d: {  	[tilespmem:s23], [sflag:$0x1] =	stream.indirect_vreg.gather [hbm4b:s4+s2], $0x80, v4, vm0, $0xb8;
	[tilespmem:$0x10080] =	vst v63  }
0x7e: {  	v3 =	vadd.s32 v1, v3  }
0x7f: {  	[tilespmem:s24], [sflag:$0x1] =	stream.indirect_vreg.gather [hbm4b:s5+s2], $0x80, v4, vm0, $0xb8;
	[tilespmem:$0x10080] =	vst v63  }
0x80: {  	_ = 	snop  }
0x81: {  	[tilespmem:s26], [sflag:$0x1] =	stream.indirect_vreg.gather [hbm4b:s6+s2], $0x80, v4, vm0, $0xb8;
	[tilespmem:$0x10080] =	vst v63  }
0x82: {  	_ = 	snop  }
0x83: {  	[tilespmem:s28], [sflag:$0x1] =	stream.indirect_vreg.gather [hbm4b:s3+s2], $0x80, v3, vm0, $0xb8;
	[tilespmem:$0x10080] =	vst v63  }
0x84: {  	_ = 	snop  }
0x85: {  	[tilespmem:s29], [sflag:$0x1] =	stream.indirect_vreg.gather [hbm4b:s4+s2], $0x80, v3, vm0, $0xb8;
	[tilespmem:$0x10080] =	vst v63  }
0x86: {  	_ = 	snop  }
0x87: {  	[tilespmem:s30], [sflag:$0x1] =	stream.indirect_vreg.gather [hbm4b:s5+s2], $0x80, v3, vm0, $0xb8;
	[tilespmem:$0x10080] =	vst v63  }
0x88: {  	_ = 	snop  }
0x89: {  	[tilespmem:s31], [sflag:$0x1] =	stream.indirect_vreg.gather [hbm4b:s6+s2], $0x80, v3, vm0, $0xb8;
	[tilespmem:$0x10080] =	vst v63  }
0x8a: {  	v3 =	vld [tilespmem:$0x50];
	_ =	sdelay $0x4  }
0x8b: {  	v61 =	vshll.u32 v3, $0x3  }
0x8c: {  	v3 =	vand.u32 $0x7, v3;
	v4 =	vand.u32 $0xFFFFFFC0, v61  }
0x8d: {  	v3 =	vor.u32 v3, v4  }
0x8e: {  	v4 =	vperm.xlane v3, v0;
	_ =	sdelay $0x1  }
0x8f: {  	v4 =	vadd.s32 v1, v4;
	_ =	sdelay $0x4  }
0x90: {  	[tilespmem:s1], [sflag:$0x1] =	stream.indirect_vreg.gather [hbm4b:s3+s2], $0x80, v4, vm0, $0xb8;
	[tilespmem:$0x10080] =	vst v63  }
0x91: {  	v3 =	vperm.xlane v3, v2  }
0x92: {  	[tilespmem:s0], [sflag:$0x1] =	stream.indirect_vreg.gather [hbm4b:s4+s2], $0x80, v4, vm0, $0xb8;
	[tilespmem:$0x10080] =	vst v63  }
0x93: {  	v3 =	vadd.s32 v1, v3  }
0x94: {  	[tilespmem:s10], [sflag:$0x1] =	stream.indirect_vreg.gather [hbm4b:s5+s2], $0x80, v4, vm0, $0xb8;
	[tilespmem:$0x10080] =	vst v63  }
0x95: {  	_ = 	snop  }
0x96: {  	[tilespmem:s11], [sflag:$0x1] =	stream.indirect_vreg.gather [hbm4b:s6+s2], $0x80, v4, vm0, $0xb8;
	[tilespmem:$0x10080] =	vst v63  }
0x97: {  	_ = 	snop  }
0x98: {  	[tilespmem:s12], [sflag:$0x1] =	stream.indirect_vreg.gather [hbm4b:s3+s2], $0x80, v3, vm0, $0xb8;
	[tilespmem:$0x10080] =	vst v63  }
0x99: {  	_ = 	snop  }
0x9a: {  	[tilespmem:s13], [sflag:$0x1] =	stream.indirect_vreg.gather [hbm4b:s4+s2], $0x80, v3, vm0, $0xb8;
	[tilespmem:$0x10080] =	vst v63  }
0x9b: {  	_ = 	snop  }
0x9c: {  	[tilespmem:s14], [sflag:$0x1] =	stream.indirect_vreg.gather [hbm4b:s5+s2], $0x80, v3, vm0, $0xb8;
	[tilespmem:$0x10080] =	vst v63  }
0x9d: {  	_ = 	snop  }
0x9e: {  	[tilespmem:s15], [sflag:$0x1] =	stream.indirect_vreg.gather [hbm4b:s6+s2], $0x80, v3, vm0, $0xb8;
	[tilespmem:$0x10080] =	vst v63  }
0x9f: {  	_ =	swait.ge [sflag:s20], $0x8000  }
0xa0: {  	[sflag:s20] =	ssyncset.done $0x0  }
0xa1: {  	s0 =	rddreg [dreg:$0x4];
	[sflag:s20] =	ssyncadd.s32 $0xFFFF8000  }
0xa2: {  	[hbm4b:s0+s2] =	stream.linear.scatter [tilespmem:s18], [sflag:$0x4], $0x8000, $0x38;
	[tilespmem:$0x10080] =	vst v63  }
0xa3: {  	_ =	swait.ge [sflag:s21], $0x8000  }
0xa4: {  	[sflag:s21] =	ssyncset.done $0x0  }
0xa5: {  	[sflag:s21] =	ssyncadd.s32 $0xFFFF8000  }
0xa6: {  	v3 =	vld [tilespmem:$0x60];
	_ =	sdelay $0x4  }
0xa7: {  	v62 =	vshll.u32 v3, $0x3  }
0xa8: {  	v3 =	vand.u32 $0x7, v3;
	v4 =	vand.u32 $0xFFFFFFC0, v62  }
0xa9: {  	v3 =	vor.u32 v3, v4  }
0xaa: {  	v4 =	vperm.xlane v3, v0;
	_ =	sdelay $0x1  }
0xab: {  	v4 =	vadd.s32 v1, v4;
	_ =	sdelay $0x4  }
0xac: {  	[tilespmem:s18], [sflag:$0x2] =	stream.indirect_vreg.gather [hbm4b:s3+s2], $0x80, v4, vm0, $0xb8;
	[tilespmem:$0x10080] =	vst v63  }
0xad: {  	v3 =	vperm.xlane v3, v2  }
0xae: {  	[tilespmem:s16], [sflag:$0x2] =	stream.indirect_vreg.gather [hbm4b:s4+s2], $0x80, v4, vm0, $0xb8;
	[tilespmem:$0x10080] =	vst v63  }
0xaf: {  	v3 =	vadd.s32 v1, v3  }
0xb0: {  	[tilespmem:s17], [sflag:$0x2] =	stream.indirect_vreg.gather [hbm4b:s5+s2], $0x80, v4, vm0, $0xb8;
	[tilespmem:$0x10080] =	vst v63  }
0xb1: {  	s22 =	simm.s32 $0x9880  }
0xb2: {  	[tilespmem:s22], [sflag:$0x2] =	stream.indirect_vreg.gather [hbm4b:s6+s2], $0x80, v4, vm0, $0xb8;
	[tilespmem:$0x10080] =	vst v63  }
0xb3: {  	_ = 	snop  }
0xb4: {  	[tilespmem:s9], [sflag:$0x2] =	stream.indirect_vreg.gather [hbm4b:s3+s2], $0x80, v3, vm0, $0xb8;
	[tilespmem:$0x10080] =	vst v63  }
0xb5: {  	s22 =	simm.s32 $0xA880  }
0xb6: {  	[tilespmem:s22], [sflag:$0x2] =	stream.indirect_vreg.gather [hbm4b:s4+s2], $0x80, v3, vm0, $0xb8;
	[tilespmem:$0x10080] =	vst v63  }
0xb7: {  	s9 =	simm.s32 $0xB080  }
0xb8: {  	[tilespmem:s9], [sflag:$0x2] =	stream.indirect_vreg.gather [hbm4b:s5+s2], $0x80, v3, vm0, $0xb8;
	[tilespmem:$0x10080] =	vst v63  }
0xb9: {  	s22 =	simm.s32 $0xB880  }
0xba: {  	[tilespmem:s22], [sflag:$0x2] =	stream.indirect_vreg.gather [hbm4b:s6+s2], $0x80, v3, vm0, $0xb8;
	[tilespmem:$0x10080] =	vst v63  }
0xbb: {  	v3 =	vld [tilespmem:$0x70];
	_ =	sdelay $0x4  }
0xbc: {  	v63 =	vshll.u32 v3, $0x3  }
0xbd: {  	v3 =	vand.u32 $0x7, v3;
	v4 =	vand.u32 $0xFFFFFFC0, v63  }
0xbe: {  	v3 =	vor.u32 v3, v4  }
0xbf: {  	v4 =	vperm.xlane v3, v0;
	_ =	sdelay $0x1  }
0xc0: {  	v4 =	vadd.s32 v1, v4;
	_ =	sdelay $0x3  }
0xc1: {  	s9 =	simm.s32 $0xC080  }
0xc2: {  	[tilespmem:s9], [sflag:$0x2] =	stream.indirect_vreg.gather [hbm4b:s3+s2], $0x80, v4, vm0, $0xb8;
	[tilespmem:$0x10080] =	vst v63  }
0xc3: {  	s22 =	simm.s32 $0xC880;
	v3 =	vperm.xlane v3, v2  }
0xc4: {  	[tilespmem:s22], [sflag:$0x2] =	stream.indirect_vreg.gather [hbm4b:s4+s2], $0x80, v4, vm0, $0xb8;
	[tilespmem:$0x10080] =	vst v63  }
0xc5: {  	v3 =	vadd.s32 v1, v3;
	s9 =	simm.s32 $0xD080  }
0xc6: {  	[tilespmem:s9], [sflag:$0x2] =	stream.indirect_vreg.gather [hbm4b:s5+s2], $0x80, v4, vm0, $0xb8;
	[tilespmem:$0x10080] =	vst v63  }
0xc7: {  	s22 =	simm.s32 $0xD880  }
0xc8: {  	[tilespmem:s22], [sflag:$0x2] =	stream.indirect_vreg.gather [hbm4b:s6+s2], $0x80, v4, vm0, $0xb8;
	[tilespmem:$0x10080] =	vst v63  }
0xc9: {  	s9 =	simm.s32 $0xE080  }
0xca: {  	[tilespmem:s9], [sflag:$0x2] =	stream.indirect_vreg.gather [hbm4b:s3+s2], $0x80, v3, vm0, $0xb8;
	[tilespmem:$0x10080] =	vst v63  }
0xcb: {  	s22 =	simm.s32 $0xE880  }
0xcc: {  	[tilespmem:s22], [sflag:$0x2] =	stream.indirect_vreg.gather [hbm4b:s4+s2], $0x80, v3, vm0, $0xb8;
	[tilespmem:$0x10080] =	vst v63  }
0xcd: {  	s9 =	simm.s32 $0xF080  }
0xce: {  	[tilespmem:s9], [sflag:$0x2] =	stream.indirect_vreg.gather [hbm4b:s5+s2], $0x80, v3, vm0, $0xb8;
	[tilespmem:$0x10080] =	vst v63  }
0xcf: {  	s22 =	simm.s32 $0xF880  }
0xd0: {  	[tilespmem:s22], [sflag:$0x2] =	stream.indirect_vreg.gather [hbm4b:s6+s2], $0x80, v3, vm0, $0xb8;
	[tilespmem:$0x10080] =	vst v63  }
0xd1: {  	_ =	swait.ge [sflag:s8], $0x8000  }
0xd2: {  	[sflag:s8] =	ssyncset.done $0x0  }
0xd3: {  	s0 =	rddreg [dreg:$0x5];
	[sflag:s8] =	ssyncadd.s32 $0xFFFF8000  }
0xd4: {  	[hbm4b:s0+s2] =	stream.linear.scatter [tilespmem:s25], [sflag:$0x3], $0x8000, $0x38;
	[tilespmem:$0x10080] =	vst v63  }
0xd5: {  	_ =	swait.ge [sflag:s20], $0x8000  }
0xd6: {  	[sflag:s20] =	ssyncset.done $0x0  }
0xd7: {  	s9 =	rddreg [dreg:$0x6];
	[sflag:s20] =	ssyncadd.s32 $0xFFFF8000  }
0xd8: {  	[hbm4b:s9+s2] =	stream.linear.scatter [tilespmem:s18], [sflag:$0x4], $0x8000, $0x38;
	[tilespmem:$0x10080] =	vst v63  }
0xd9: {  	p0 =	sne.s32 s7, $0x1;
	_ =	swait.ge [sflag:s19], $0x8000  }
.Ltmp0:
0xda: {  	[sflag:s19] =	ssyncset.done $0x0;
	(pc) =	sbr.rel @p0 .LBB2_1-.Ltmp0, $4  }
0xdb: {  	[sflag:s19] =	ssyncadd.s32 $0xFFFF8000  }
0xdc: {  	_ =	swait.ge [sflag:s21], $0x8000  }
0xdd: {  	[sflag:s21] =	ssyncset.done $0x0  }
0xde: {  	s7 =	sadd.s32 $0xFFFFFFFF, s7;
	[sflag:s21] =	ssyncadd.s32 $0xFFFF8000  }
0xdf: {  	_ =	sfence.sel $0x180000  }
0xe0: {  	[bflag:$0x0] =	sbarrier.arrive $0xFFFF  }
0xe1: {  	_ =	strace $0x9000004A  }
0xe2: {  	s0 =	stileid.u32;
	[bflag:$0x2] =	sbarrier.arrive $0xFFFF  }
0xe3: {  	p0 =	sne.s32 s0, $0x0;
	s0 =	rddreg [dreg:$0x1]  }
0xe4: {  	s0 =	sadd.s32 @!p0 $0x100000, s0  }
0xe5: {  	[sflag:s0] =	ssyncadd.tile.s32 @!p0 $0x1;
	_ =	shalt  }
.Lfunc_end2:
_tile_overlayer_lowered:
.L_overlay_start_2:
0xe6: {  	(tag) =	ssettag $0x2  }
0xe7: {  	s0 =	rddreg [dreg:$0x0];
	s2 =	stileid.u32  }
0xe8: {  	s1 =	rddreg [dreg:$0x1];
	p0 =	sne.s32 s2, $0x0  }
0xe9: {  	s3 =	rddreg [dreg:$0x2];
	[bflag:$0x3] =	sbarrier.arrive $0xFFFF;
	s2 =	simm.s32 @!p0 $0x1C05  }
0xea: {  	[timem:s3], [sflag:s2] =	dma.local @!p0 [hbm:s0], s1  }
0xeb: {  	s0 =	simm.s32 @!p0 $0x5  }
0xec: {  	_ =	swait.ge @!p0 [sflag:s0], s1  }
0xed: {  	s1 =	ssub.s32 @!p0 $0x0, s1;
	[sflag:s0] =	ssyncset.done @!p0 $0x0  }
0xee: {  	[sflag:s0] =	ssyncadd.s32 @!p0 s1  }
0xef: {  	[bflag:$0x3] =	sbarrier.arrive $0xFFFF  }
0xf0: {  	_ =	shalt  }

// kernel: kernel.17.cloned.1.call-start
scs
__scs_entry_jumppad:
0x0: {  	(pc) =	sbr.rel $0x88, $3  }
0x1: {  	(tag) =	ssettag $0x0;
	lr =	simm.s32 $0x1  }
0x2: {  	[smem:$0x3F8F] =	sst lr;
	_ =	strace $0xD0000000  }
0x3: {  	_ = 	snop  }
0x4: {  	_ = 	snop  }
0x5: {  	_ = 	snop  }
0x6: {  	_ = 	snop  }
0x7: {  	_ = 	snop  }
__scs_overlays_trampoline_lowered:
0x8: {  	[smem:$0x3F9E] =	sst s0  }
0x9: {  	[smem:$0x3F9F] =	sst s1  }
0xa: {  	[smem:$0x3FA0] =	sst s2  }
0xb: {  	[smem:$0x3FA1] =	sst s3  }
0xc: {  	[smem:$0x3FA2] =	sst s4  }
0xd: {  	[smem:$0x3FA3] =	sst s5  }
0xe: {  	[smem:$0x3FA4] =	sst s6  }
0xf: {  	[smem:$0x3FA5] =	sst s7  }
0x10: {  	[smem:$0x3FA6] =	sst s8  }
0x11: {  	[smem:$0x3FA7] =	sst s9;
	s0 =	simm.s32 @!p0 $0x0  }
0x12: {  	s1 =	sld [smem:$0x3F8D];
	s0 =	simm.s32 @p0 $0x1  }
0x13: {  	[smem:$0x3FA8] =	sst s0;
	s0 =	simm.s32 @!p1 $0x0  }
0x14: {  	s2 =	sld [smem:$0x3F8C];
	s0 =	simm.s32 @p1 $0x1  }
0x15: {  	[smem:$0x3FA9] =	sst s0;
	s0 =	simm.s32 @!p2 $0x0  }
0x16: {  	s3 =	sld [smem:$0x3FDB];
	s0 =	simm.s32 @p2 $0x1  }
0x17: {  	s4 =	simm.s32 $0x1BF5;
	[smem:$0x3FAB] =	sst s0  }
0x18: {  	s0 =	sld [smem:$0x3F8E];
	_ =	swait.ge [sflag:s4], $0x0  }
0x19: {  	s7 =	sld [smem:$0x3F8F]  }
0x1a: {  	s8 =	sadd.s32 $0xFFFFE003, lr  }
0x1b: {  	s9 =	sadd.s32 $0xFFFFFEF7, lr;
	s5 =	simm.s32 $0xFFFFFFFF;
	p2 =	slt.u32 s8, $0xFFFFF086  }
0x1c: {  	p1 =	slt.u32 s9, $0xF7A;
	s5 =	simm.s32 @!p2 $0x0  }
0x1d: {  	s5 =	simm.s32 @p1 $0x1;
	p0 =	seq.s32 s7, s2  }
0x1e: {  	s7 =	smul.u32 @!p0 $0xF7A, s2;
	p2 =	seq.s32 @!p0 s5, $0x0  }
0x1f: {  	s9 =	smul.u32 $0xF7A, s1;
	s8 =	simm.s32 @!p0 $0x1BF5;
	p2 =	por !p2, p0  }
0x20: {  	[sflag:s8] =	ssyncset.s32 @!p0 $0xFFFFF086;
	s6 =	sadd.s32 @!p0 s3, s7;
	s7 =	simm.s32 @!p0 $0x108  }
0x21: {  	s3 =	sadd.s32 s3, s9;
	s6 =	sadd.s32 @!p0 $0x88, s6;
	s7 =	simm.s32 @p2 $0x1082  }
0x22: {  	[simem:s7], [sflag:s8] =	dma.local @!p0 [hbm:s6], $0xF7A  }
0x23: {  	s9 =	sor.u32 $0xD0000000, s2;
	s6 =	simm.s32 $0x108;
	_ =	swait.ge @!p0 [sflag:s8], $0x0  }
0x24: {  	s3 =	sadd.s32 $0x88, s3;
	s6 =	simm.s32 @!p1 $0x1082;
	[sflag:s4] =	ssyncset.s32 $0xFFFFF086  }
0x25: {  	[simem:s6], [sflag:s4] =	dma.local [hbm:s3], $0xF7A  }
0x26: {  	[smem:$0x3F8F] =	sst s1;
	(tag) =	ssettag s2;
	_ =	strace s9  }
0x27: {  	s1 =	sld [smem:$0x3F9F]  }
0x28: {  	s2 =	sld [smem:$0x3FA0]  }
0x29: {  	s4 =	sld [smem:$0x3FA2]  }
0x2a: {  	p0 =	seq.s32 s5, $0x0;
	s5 =	sld [smem:$0x3FA3]  }
0x2b: {  	s6 =	sld [smem:$0x3FA4]  }
0x2c: {  	s7 =	sld [smem:$0x3FA5]  }
0x2d: {  	s3 =	simm.s32 $0x108;
	s8 =	sld [smem:$0x3FA6]  }
0x2e: {  	s3 =	simm.s32 @!p0 $0x1082;
	s9 =	sld [smem:$0x3FA7]  }
0x2f: {  	lr =	sadd.s32 s0, s3;
	s0 =	sld [smem:$0x3F9E]  }
0x30: {  	s3 =	sld [smem:$0x3FA1]  }
0x31: {  	[smem:$0x3FAA] =	sst s10  }
0x32: {  	s10 =	sld [smem:$0x3FA8];
	_ =	sdelay $0x3  }
0x33: {  	p0 =	seq.s32 s10, $0x1;
	s10 =	sld [smem:$0x3FAA];
	_ =	sdelay $0x3  }
0x34: {  	[smem:$0x3FAA] =	sst s10  }
0x35: {  	s10 =	sld [smem:$0x3FA9];
	_ =	sdelay $0x3  }
0x36: {  	p1 =	seq.s32 s10, $0x1;
	s10 =	sld [smem:$0x3FAA];
	_ =	sdelay $0x3  }
0x37: {  	[smem:$0x3FAA] =	sst s10  }
0x38: {  	s10 =	sld [smem:$0x3FAB]  }
0x39: {  	_ = 	snop;
	(pc) =	sbr.ind lr, $3  }
0x3a: {  	_ = 	snop  }
0x3b: {  	_ = 	snop  }
0x3c: {  	p2 =	seq.s32 s10, $0x1;
	s10 =	sld [smem:$0x3FAA]  }
0x3d: {  	_ =	shalt  }
0x3e: {  	_ =	shalt  }
0x3f: {  	_ =	shalt  }
0x40: {  	_ =	shalt  }
0x41: {  	_ =	shalt  }
0x42: {  	_ =	shalt  }
0x43: {  	_ =	shalt  }
0x44: {  	_ =	shalt  }
0x45: {  	_ =	shalt  }
0x46: {  	_ =	shalt  }
0x47: {  	_ =	shalt  }
0x48: {  	_ =	shalt  }
0x49: {  	_ =	shalt  }
0x4a: {  	_ =	shalt  }
0x4b: {  	_ =	shalt  }
0x4c: {  	_ =	shalt  }
0x4d: {  	_ =	shalt  }
0x4e: {  	_ =	shalt  }
0x4f: {  	_ =	shalt  }
0x50: {  	_ =	shalt  }
0x51: {  	_ =	shalt  }
0x52: {  	_ =	shalt  }
0x53: {  	_ =	shalt  }
0x54: {  	_ =	shalt  }
0x55: {  	_ =	shalt  }
0x56: {  	_ =	shalt  }
0x57: {  	_ =	shalt  }
0x58: {  	_ =	shalt  }
0x59: {  	_ =	shalt  }
0x5a: {  	_ =	shalt  }
0x5b: {  	_ =	shalt  }
0x5c: {  	_ =	shalt  }
0x5d: {  	_ =	shalt  }
0x5e: {  	_ =	shalt  }
0x5f: {  	_ =	shalt  }
0x60: {  	_ =	shalt  }
0x61: {  	_ =	shalt  }
0x62: {  	_ =	shalt  }
0x63: {  	_ =	shalt  }
0x64: {  	_ =	shalt  }
0x65: {  	_ =	shalt  }
0x66: {  	_ =	shalt  }
0x67: {  	_ =	shalt  }
0x68: {  	_ =	shalt  }
0x69: {  	_ =	shalt  }
0x6a: {  	_ =	shalt  }
0x6b: {  	_ =	shalt  }
0x6c: {  	_ =	shalt  }
0x6d: {  	_ =	shalt  }
0x6e: {  	_ =	shalt  }
0x6f: {  	_ =	shalt  }
0x70: {  	_ =	shalt  }
0x71: {  	_ =	shalt  }
0x72: {  	_ =	shalt  }
0x73: {  	_ =	shalt  }
0x74: {  	_ =	shalt  }
0x75: {  	_ =	shalt  }
0x76: {  	_ =	shalt  }
0x77: {  	_ =	shalt  }
0x78: {  	_ =	shalt  }
0x79: {  	_ =	shalt  }
0x7a: {  	_ =	shalt  }
0x7b: {  	_ =	shalt  }
0x7c: {  	_ =	shalt  }
0x7d: {  	_ =	shalt  }
0x7e: {  	_ =	shalt  }
0x7f: {  	_ =	shalt  }
0x80: {  	_ =	shalt  }
0x81: {  	_ =	shalt  }
0x82: {  	_ =	shalt  }
0x83: {  	_ =	shalt  }
0x84: {  	_ =	shalt  }
0x85: {  	_ =	shalt  }
0x86: {  	_ =	shalt  }
0x87: {  	_ =	shalt  }
.Lfunc_end0:
.L_simem_size_0:
called_computation.2_lowered:
.L_overlay_start_0:
0x88: {  	s2 =	sld [smem:$0x3FD9]  }
0x89: {  	s3 =	sld [smem:$0x3FFE];
	_ =	sdelay $0x1  }
0x8a: {  	s1 =	srdreg.scid  }
0x8b: {  	s0 =	sand.u32 $0x1, s1  }
0x8c: {  	s16 =	sshll.u32 s0, $0xA;
	s2 =	sadd.s32 s3, s2  }
0x8d: {  	s2 =	sadd.s32 s2, s16  }
0x8e: {  	[smem:$0x3FB6] =	sst s2  }
0x8f: {  	_ = 	snop  }
0x90: {  	(tm) =	ssettm $0x1  }
0x91: {  	s17 =	sld [smem:$0x3FFB];
	_ =	sdelay $0x3  }
0x92: {  	_ =	strace s17  }
0x93: {  	s2 =	sld [smem:$0x3FFC];
	_ =	sdelay $0x3  }
0x94: {  	_ =	strace s2  }
0x95: {  	s2 =	sld [smem:$0x3FFD];
	_ =	sdelay $0x3  }
0x96: {  	_ =	strace s2  }
0x97: {  	_ =	strace $0x8FFFFFFF  }
0x98: {  	s18 =	sld [smem:$0x3FDB];
	_ =	sdelay $0x1  }
0x99: {  	s19 =	simm.s32 $_scs_section_size  }
0x9a: {  	s4 =	simm.s32 $_size__tile_overlayer_lowered;
	s5 =	simm.s32 $_tile_overlayer_lowered  }
0x9b: {  	s22 =	simm.s32 $0x1BFF;
	s21 =	sshll.u32 s5, $0x1;
	s2 =	sadd.s32 s19, s18  }
0x9c: {  	s6 =	simm.s32 $0x0;
	s20 =	sshll.u32 s4, $0x1;
	s4 =	sadd.s32 s21, s2  }
0x9d: {  	[timem:s6], [sflag:s22] =	dma.local [hbm:s4], s20  }
0x9e: {  	_ =	swait.ge [sflag:s22], s20  }
0x9f: {  	s3 =	ssub.s32 $0x0, s20;
	[sflag:s22] =	ssyncset.done $0x0  }
0xa0: {  	[sflag:s22] =	ssyncadd.s32 s3;
	_ =	sdelay $0x1  }
0xa1: {  	s23 =	simm.s32 $0x1B8B  }
0xa2: {  	_ =	swait.ge [sflag:s23], $0x1  }
0xa3: {  	[sflag:s23] =	ssyncset.done $0x0  }
0xa4: {  	s25 =	simm.s32 $0x1B8E;
	s24 =	sld [smem:$0x3FFE];
	[sflag:s23] =	ssyncadd.s32 $0xFFFFFFFF  }
0xa5: {  	s26 =	simm.s32 $execute0_lowered;
	[smem:$0x3FD2] =	sst s25  }
0xa6: {  	s4 =	sshll.u32 s26, $0x1;
	_ =	strace $0x8000004C;
	[dreg:$0x1] =	wrdreg $0xFFFFFFFF  }
0xa7: {  	s28 =	simm.s32 $_size_execute0_lowered;
	s2 =	sadd.s32 s2, s4;
	[dreg:$0x0] =	wrdreg $0x0  }
0xa8: {  	s4 =	sshll.u32 s28, $0x1;
	[dreg:$0x2] =	wrdreg s2  }
0xa9: {  	[dreg:$0x3] =	wrdreg s4  }
0xaa: {  	[dreg:$0x4] =	wrdreg $0xC0  }
0xab: {  	_ =	task [dreg:s6], $0x5FFFF  }
0xac: {  	[dreg:$0x1] =	wrdreg $0xFFFFFFFF  }
0xad: {  	[dreg:$0x0] =	wrdreg $0x60  }
0xae: {  	[dreg:$0x2] =	wrdreg s24  }
0xaf: {  	[dreg:$0x3] =	wrdreg $0x9  }
0xb0: {  	_ =	task.clear_ibuf [dreg:s6], $0x4FFFF;
	_ =	strace $0x9000004C  }
0xb1: {  	s29 =	simm.s32 $0x9;
	_ =	strace $0x8000004E  }
0xb2: {  	_ =	swait.ge [sflag:s29], $0x1  }
0xb3: {  	[sflag:s29] =	ssyncadd.s32 $0xFFFFFFFF  }
0xb4: {  	_ =	strace $0x9000004E  }
0xb5: {  	_ =	sfence  }
0xb6: {  	s30 =	sld [smem:$0x0];
	_ =	sdelay $0x2  }
0xb7: {  	s31 =	sshll.u32 s1, $0xD;
	s1 =	sshrl.u32 s1, $0x2  }
0xb8: {  	s3 =	sand.u32 $0x4000, s31;
	s1 =	sadd.s32 s1, s30  }
0xb9: {  	s0 =	sor.u32 s3, s0;
	s1 =	sshll.u32 s1, $0x11  }
0xba: {  	s0 =	sor.u32 s1, s0  }
0xbb: {  	s0 =	sadd.s32 $0x8F2B, s0  }
0xbc: {  	[sflag:s0] =	ssyncadd.remote.s32 $0x1  }
0xbd: {  	_ =	sfence.sel $0xFFFF  }
0xbe: {  	[dreg:$0x0] =	wrdreg $0xFFFFFFFF;
	(pc) =	sbr.abs _section_cstart, $3  }
0xbf: {  	[dreg:$0x1] =	wrdreg $0xFFFFFFFF  }
0xc0: {  	_ =	task.clear_ibuf [dreg:s6], $0x2FFFF;
	_ =	strace $0x9FFFFFFF  }
0xc1: {  	(tm) =	ssettm $0x7FFFFFFF  }
tec
execute0_lowered:
.L_overlay_start_1:
0x0: {  	(tag) =	ssettag $0x1  }
0x1: {  	s0 =	rddreg [dreg:$0x0]  }
0x2: {  	s1 =	srdreg.scid;
	s3 =	stileid.u32  }
0x3: {  	s2 =	simm.s32 $0x0;
	s26 =	simm.s32 $0x40;
	s18 =	simm.s32 $0x1  }
0x4: {  	s19 =	simm.s32 $0x3;
	s20 =	simm.s32 $0x2;
	s21 =	simm.s32 $0x4  }
0x5: {  	s28 =	simm.s32 $0x2080;
	s29 =	simm.s32 $0x2880;
	s30 =	simm.s32 $0x3080  }
0x6: {  	s31 =	simm.s32 $0x3880;
	s11 =	simm.s32 $0x5880;
	s12 =	simm.s32 $0x6080  }
0x7: {  	s13 =	simm.s32 $0x6880;
	s14 =	simm.s32 $0x7080;
	s15 =	simm.s32 $0x7880  }
0x8: {  	s16 =	simm.s32 $0x8880;
	s17 =	simm.s32 $0x9080;
	s1 =	sand.u32 $0x1, s1  }
0x9: {  	s3 =	sshll.u32 s3, $0x7;
	[smem:$0x7FF] =	sst s2;
	s6 =	sadd.s32 $0x2C00, s0  }
0xa: {  	s7 =	sadd.s32 $0x4B400, s0;
	s4 =	sshll.u32 s1, $0x6;
	_ =	strace $0x8000004D  }
0xb: {  	s1 =	ssub.s32 $0x2, s1;
	[dreg:$0x8] =	wrdreg s26;
	s26 =	simm.s32 $0x1880  }
0xc: {  	s4 =	sor.u32 s4, s3;
	s3 =	sadd.s32 $0xCCC00, s0;
	s8 =	sshrl.u32 s1, $0x1  }
0xd: {  	s5 =	sshrl.u32 s4, $0x3;
	s23 =	sshll.u32 s4, $0x7;
	s1 =	ssub.s32 s1, s8  }
0xe: {  	s8 =	simm.s32 $0x8080;
	s5 =	sadd.s32 s5, s0;
	s4 =	sadd.s32 s6, s23  }
0xf: {  	s10 =	sor.u32 $0x1000, s23;
	s25 =	sadd.s32 s7, s23;
	[dreg:$0x4] =	wrdreg s4  }
0x10: {  	s9 =	sadd.s32 $0x4B200, s5;
	s5 =	sadd.s32 $0x4B000, s5;
	[dreg:$0x6] =	wrdreg s25  }
0x11: {  	s24 =	sadd.s32 s6, s10;
	s4 =	sadd.s32 $0xCCD00, s0;
	[dreg:$0x2] =	wrdreg s9  }
0x12: {  	s7 =	sadd.s32 s7, s10;
	s6 =	sadd.s32 $0xCCF00, s0;
	[dreg:$0x3] =	wrdreg s5  }
0x13: {  	v2 =	vlaneseq.u32;
	s25 =	simm.s32 $0x80;
	s10 =	simm.s32 $0x5080;
	[dreg:$0x5] =	wrdreg s24  }
0x14: {  	vm0 =	vmmov $0xffff;
	v1 =	vshrl.u32 v2, $0x3;
	s5 =	sadd.s32 $0xCCE00, s0;
	[dreg:$0x7] =	wrdreg s7;
	s7 =	smax.u32 s1, $0x1  }
0x15: {  	v0 =	vand.u32 $0x7, v2;
	v2 =	vor.u32 $0x8, v2;
	v1 =	vmul.u32 $0x8, v1;
	s24 =	simm.s32 $0x1080;
	s1 =	simm.s32 $0x4880;
	s9 =	simm.s32 $0x9880  }
.LBB2_1:
0x16: {  	s22 =	rddreg [dreg:$0x2];
	s0 =	simm.s32 $0x5  }
0x17: {  	[tilespmem:s2], [sflag:$0x5] =	stream.linear.gather [hbm4b:s22+s2], $0x40, $0x38;
	[tilespmem:$0x10080] =	vst v63  }
0x18: {  	_ =	swait.ge [sflag:s0], $0x40  }
0x19: {  	s22 =	rddreg [dreg:$0x3];
	[sflag:s0] =	ssyncset.done $0x0  }
0x1a: {  	s23 =	rddreg [dreg:$0x8];
	[sflag:s0] =	ssyncadd.s32 $0xFFFFFFC0  }
0x1b: {  	[tilespmem:s23], [sflag:$0x5] =	stream.linear.gather [hbm4b:s22+s2], $0x40, $0x38;
	[tilespmem:$0x10080] =	vst v63  }
0x1c: {  	_ =	swait.ge [sflag:s0], $0x40  }
0x1d: {  	[sflag:s0] =	ssyncset.done $0x0  }
0x1e: {  	[sflag:s0] =	ssyncadd.s32 $0xFFFFFFC0  }
0x1f: {  	v3 =	vld [tilespmem:$0x0];
	_ =	sdelay $0x4  }
0x20: {  	v4 =	vshll.u32 v3, $0x3  }
0x21: {  	v3 =	vand.u32 $0x7, v3;
	v4 =	vand.u32 $0xFFFFFFC0, v4  }
0x22: {  	v3 =	vor.u32 v3, v4  }
0x23: {  	v4 =	vperm.xlane v3, v0;
	_ =	sdelay $0x1  }
0x24: {  	v4 =	vadd.s32 v1, v4;
	_ =	sdelay $0x4  }
0x25: {  	[tilespmem:s25], [sflag:$0x1] =	stream.indirect_vreg.gather [hbm4b:s3+s2], $0x80, v4, vm0, $0xb8;
	[tilespmem:$0x10080] =	vst v63  }
0x26: {  	s23 =	simm.s32 $0x880;
	v3 =	vperm.xlane v3, v2  }
0x27: {  	[tilespmem:s23], [sflag:$0x1] =	stream.indirect_vreg.gather [hbm4b:s4+s2], $0x80, v4, vm0, $0xb8;
	[tilespmem:$0x10080] =	vst v63  }
0x28: {  	v3 =	vadd.s32 v1, v3  }
0x29: {  	[tilespmem:s24], [sflag:$0x1] =	stream.indirect_vreg.gather [hbm4b:s5+s2], $0x80, v4, vm0, $0xb8;
	[tilespmem:$0x10080] =	vst v63  }
0x2a: {  	_ = 	snop  }
0x2b: {  	[tilespmem:s26], [sflag:$0x1] =	stream.indirect_vreg.gather [hbm4b:s6+s2], $0x80, v4, vm0, $0xb8;
	[tilespmem:$0x10080] =	vst v63  }
0x2c: {  	_ = 	snop  }
0x2d: {  	[tilespmem:s28], [sflag:$0x1] =	stream.indirect_vreg.gather [hbm4b:s3+s2], $0x80, v3, vm0, $0xb8;
	[tilespmem:$0x10080] =	vst v63  }
0x2e: {  	_ = 	snop  }
0x2f: {  	[tilespmem:s29], [sflag:$0x1] =	stream.indirect_vreg.gather [hbm4b:s4+s2], $0x80, v3, vm0, $0xb8;
	[tilespmem:$0x10080] =	vst v63  }
0x30: {  	_ = 	snop  }
0x31: {  	[tilespmem:s30], [sflag:$0x1] =	stream.indirect_vreg.gather [hbm4b:s5+s2], $0x80, v3, vm0, $0xb8;
	[tilespmem:$0x10080] =	vst v63  }
0x32: {  	_ = 	snop  }
0x33: {  	[tilespmem:s31], [sflag:$0x1] =	stream.indirect_vreg.gather [hbm4b:s6+s2], $0x80, v3, vm0, $0xb8;
	[tilespmem:$0x10080] =	vst v63  }
0x34: {  	v3 =	vld [tilespmem:$0x10];
	_ =	sdelay $0x4  }
0x35: {  	v57 =	vshll.u32 v3, $0x3  }
0x36: {  	v3 =	vand.u32 $0x7, v3;
	v4 =	vand.u32 $0xFFFFFFC0, v57  }
0x37: {  	v3 =	vor.u32 v3, v4  }
0x38: {  	v4 =	vperm.xlane v3, v0;
	_ =	sdelay $0x1  }
0x39: {  	v4 =	vadd.s32 v1, v4;
	_ =	sdelay $0x3  }
0x3a: {  	s0 =	simm.s32 $0x4080  }
0x3b: {  	[tilespmem:s0], [sflag:$0x1] =	stream.indirect_vreg.gather [hbm4b:s3+s2], $0x80, v4, vm0, $0xb8;
	[tilespmem:$0x10080] =	vst v63  }
0x3c: {  	v3 =	vperm.xlane v3, v2  }
0x3d: {  	[tilespmem:s1], [sflag:$0x1] =	stream.indirect_vreg.gather [hbm4b:s4+s2], $0x80, v4, vm0, $0xb8;
	[tilespmem:$0x10080] =	vst v63  }
0x3e: {  	v3 =	vadd.s32 v1, v3  }
0x3f: {  	[tilespmem:s10], [sflag:$0x1] =	stream.indirect_vreg.gather [hbm4b:s5+s2], $0x80, v4, vm0, $0xb8;
	[tilespmem:$0x10080] =	vst v63  }
0x40: {  	_ = 	snop  }
0x41: {  	[tilespmem:s11], [sflag:$0x1] =	stream.indirect_vreg.gather [hbm4b:s6+s2], $0x80, v4, vm0, $0xb8;
	[tilespmem:$0x10080] =	vst v63  }
0x42: {  	_ = 	snop  }
0x43: {  	[tilespmem:s12], [sflag:$0x1] =	stream.indirect_vreg.gather [hbm4b:s3+s2], $0x80, v3, vm0, $0xb8;
	[tilespmem:$0x10080] =	vst v63  }
0x44: {  	_ = 	snop  }
0x45: {  	[tilespmem:s13], [sflag:$0x1] =	stream.indirect_vreg.gather [hbm4b:s4+s2], $0x80, v3, vm0, $0xb8;
	[tilespmem:$0x10080] =	vst v63  }
0x46: {  	_ = 	snop  }
0x47: {  	[tilespmem:s14], [sflag:$0x1] =	stream.indirect_vreg.gather [hbm4b:s5+s2], $0x80, v3, vm0, $0xb8;
	[tilespmem:$0x10080] =	vst v63  }
0x48: {  	_ = 	snop  }
0x49: {  	[tilespmem:s15], [sflag:$0x1] =	stream.indirect_vreg.gather [hbm4b:s6+s2], $0x80, v3, vm0, $0xb8;
	[tilespmem:$0x10080] =	vst v63  }
0x4a: {  	v3 =	vld [tilespmem:$0x20];
	_ =	sdelay $0x4  }
0x4b: {  	v58 =	vshll.u32 v3, $0x3  }
0x4c: {  	v3 =	vand.u32 $0x7, v3;
	v4 =	vand.u32 $0xFFFFFFC0, v58  }
0x4d: {  	v3 =	vor.u32 v3, v4  }
0x4e: {  	v4 =	vperm.xlane v3, v0;
	_ =	sdelay $0x1  }
0x4f: {  	v4 =	vadd.s32 v1, v4;
	_ =	sdelay $0x4  }
0x50: {  	[tilespmem:s8], [sflag:$0x2] =	stream.indirect_vreg.gather [hbm4b:s3+s2], $0x80, v4, vm0, $0xb8;
	[tilespmem:$0x10080] =	vst v63  }
0x51: {  	v3 =	vperm.xlane v3, v2  }
0x52: {  	[tilespmem:s16], [sflag:$0x2] =	stream.indirect_vreg.gather [hbm4b:s4+s2], $0x80, v4, vm0, $0xb8;
	[tilespmem:$0x10080] =	vst v63  }
0x53: {  	v3 =	vadd.s32 v1, v3  }
0x54: {  	[tilespmem:s17], [sflag:$0x2] =	stream.indirect_vreg.gather [hbm4b:s5+s2], $0x80, v4, vm0, $0xb8;
	[tilespmem:$0x10080] =	vst v63  }
0x55: {  	_ = 	snop  }
0x56: {  	[tilespmem:s9], [sflag:$0x2] =	stream.indirect_vreg.gather [hbm4b:s6+s2], $0x80, v4, vm0, $0xb8;
	[tilespmem:$0x10080] =	vst v63  }
0x57: {  	s22 =	simm.s32 $0xA080  }
0x58: {  	[tilespmem:s22], [sflag:$0x2] =	stream.indirect_vreg.gather [hbm4b:s3+s2], $0x80, v3, vm0, $0xb8;
	[tilespmem:$0x10080] =	vst v63  }
0x59: {  	s22 =	simm.s32 $0xA880  }
0x5a: {  	[tilespmem:s22], [sflag:$0x2] =	stream.indirect_vreg.gather [hbm4b:s4+s2], $0x80, v3, vm0, $0xb8;
	[tilespmem:$0x10080] =	vst v63  }
0x5b: {  	s22 =	simm.s32 $0xB080  }
0x5c: {  	[tilespmem:s22], [sflag:$0x2] =	stream.indirect_vreg.gather [hbm4b:s5+s2], $0x80, v3, vm0, $0xb8;
	[tilespmem:$0x10080] =	vst v63  }
0x5d: {  	s22 =	simm.s32 $0xB880  }
0x5e: {  	[tilespmem:s22], [sflag:$0x2] =	stream.indirect_vreg.gather [hbm4b:s6+s2], $0x80, v3, vm0, $0xb8;
	[tilespmem:$0x10080] =	vst v63  }
0x5f: {  	v3 =	vld [tilespmem:$0x30];
	_ =	sdelay $0x4  }
0x60: {  	v59 =	vshll.u32 v3, $0x3  }
0x61: {  	v3 =	vand.u32 $0x7, v3;
	v4 =	vand.u32 $0xFFFFFFC0, v59  }
0x62: {  	v3 =	vor.u32 v3, v4  }
0x63: {  	v4 =	vperm.xlane v3, v0;
	_ =	sdelay $0x1  }
0x64: {  	v4 =	vadd.s32 v1, v4;
	_ =	sdelay $0x3  }
0x65: {  	s22 =	simm.s32 $0xC080  }
0x66: {  	[tilespmem:s22], [sflag:$0x2] =	stream.indirect_vreg.gather [hbm4b:s3+s2], $0x80, v4, vm0, $0xb8;
	[tilespmem:$0x10080] =	vst v63  }
0x67: {  	v3 =	vperm.xlane v3, v2;
	s22 =	simm.s32 $0xC880  }
0x68: {  	[tilespmem:s22], [sflag:$0x2] =	stream.indirect_vreg.gather [hbm4b:s4+s2], $0x80, v4, vm0, $0xb8;
	[tilespmem:$0x10080] =	vst v63  }
0x69: {  	v3 =	vadd.s32 v1, v3;
	s22 =	simm.s32 $0xD080  }
0x6a: {  	[tilespmem:s22], [sflag:$0x2] =	stream.indirect_vreg.gather [hbm4b:s5+s2], $0x80, v4, vm0, $0xb8;
	[tilespmem:$0x10080] =	vst v63  }
0x6b: {  	s22 =	simm.s32 $0xD880  }
0x6c: {  	[tilespmem:s22], [sflag:$0x2] =	stream.indirect_vreg.gather [hbm4b:s6+s2], $0x80, v4, vm0, $0xb8;
	[tilespmem:$0x10080] =	vst v63  }
0x6d: {  	s22 =	simm.s32 $0xE080  }
0x6e: {  	[tilespmem:s22], [sflag:$0x2] =	stream.indirect_vreg.gather [hbm4b:s3+s2], $0x80, v3, vm0, $0xb8;
	[tilespmem:$0x10080] =	vst v63  }
0x6f: {  	s22 =	simm.s32 $0xE880  }
0x70: {  	[tilespmem:s22], [sflag:$0x2] =	stream.indirect_vreg.gather [hbm4b:s4+s2], $0x80, v3, vm0, $0xb8;
	[tilespmem:$0x10080] =	vst v63  }
0x71: {  	s22 =	simm.s32 $0xF080  }
0x72: {  	[tilespmem:s22], [sflag:$0x2] =	stream.indirect_vreg.gather [hbm4b:s5+s2], $0x80, v3, vm0, $0xb8;
	[tilespmem:$0x10080] =	vst v63  }
0x73: {  	s22 =	simm.s32 $0xF880  }
0x74: {  	[tilespmem:s22], [sflag:$0x2] =	stream.indirect_vreg.gather [hbm4b:s6+s2], $0x80, v3, vm0, $0xb8;
	[tilespmem:$0x10080] =	vst v63  }
0x75: {  	_ =	swait.ge [sflag:s18], $0x8000  }
0x76: {  	[sflag:s18] =	ssyncset.done $0x0  }
0x77: {  	s22 =	rddreg [dreg:$0x4];
	[sflag:s18] =	ssyncadd.s32 $0xFFFF8000  }
0x78: {  	[hbm4b:s22+s2] =	stream.linear.scatter [tilespmem:s25], [sflag:$0x3], $0x8000, $0x38;
	[tilespmem:$0x10080] =	vst v63  }
0x79: {  	_ =	swait.ge [sflag:s19], $0x8000  }
0x7a: {  	[sflag:s19] =	ssyncset.done $0x0  }
0x7b: {  	[sflag:s19] =	ssyncadd.s32 $0xFFFF8000  }
0x7c: {  	v3 =	vld [tilespmem:$0x40];
	_ =	sdelay $0x4  }
0x7d: {  	v60 =	vshll.u32 v3, $0x3  }
0x7e: {  	v3 =	vand.u32 $0x7, v3;
	v4 =	vand.u32 $0xFFFFFFC0, v60  }
0x7f: {  	v3 =	vor.u32 v3, v4  }
0x80: {  	v4 =	vperm.xlane v3, v0;
	_ =	sdelay $0x1  }
0x81: {  	v4 =	vadd.s32 v1, v4;
	_ =	sdelay $0x4  }
0x82: {  	[tilespmem:s25], [sflag:$0x1] =	stream.indirect_vreg.gather [hbm4b:s3+s2], $0x80, v4, vm0, $0xb8;
	[tilespmem:$0x10080] =	vst v63  }
0x83: {  	v3 =	vperm.xlane v3, v2  }
0x84: {  	[tilespmem:s23], [sflag:$0x1] =	stream.indirect_vreg.gather [hbm4b:s4+s2], $0x80, v4, vm0, $0xb8;
	[tilespmem:$0x10080] =	vst v63  }
0x85: {  	v3 =	vadd.s32 v1, v3  }
0x86: {  	[tilespmem:s24], [sflag:$0x1] =	stream.indirect_vreg.gather [hbm4b:s5+s2], $0x80, v4, vm0, $0xb8;
	[tilespmem:$0x10080] =	vst v63  }
0x87: {  	_ = 	snop  }
0x88: {  	[tilespmem:s26], [sflag:$0x1] =	stream.indirect_vreg.gather [hbm4b:s6+s2], $0x80, v4, vm0, $0xb8;
	[tilespmem:$0x10080] =	vst v63  }
0x89: {  	_ = 	snop  }
0x8a: {  	[tilespmem:s28], [sflag:$0x1] =	stream.indirect_vreg.gather [hbm4b:s3+s2], $0x80, v3, vm0, $0xb8;
	[tilespmem:$0x10080] =	vst v63  }
0x8b: {  	_ = 	snop  }
0x8c: {  	[tilespmem:s29], [sflag:$0x1] =	stream.indirect_vreg.gather [hbm4b:s4+s2], $0x80, v3, vm0, $0xb8;
	[tilespmem:$0x10080] =	vst v63  }
0x8d: {  	_ = 	snop  }
0x8e: {  	[tilespmem:s30], [sflag:$0x1] =	stream.indirect_vreg.gather [hbm4b:s5+s2], $0x80, v3, vm0, $0xb8;
	[tilespmem:$0x10080] =	vst v63  }
0x8f: {  	_ = 	snop  }
0x90: {  	[tilespmem:s31], [sflag:$0x1] =	stream.indirect_vreg.gather [hbm4b:s6+s2], $0x80, v3, vm0, $0xb8;
	[tilespmem:$0x10080] =	vst v63  }
0x91: {  	v3 =	vld [tilespmem:$0x50];
	_ =	sdelay $0x4  }
0x92: {  	v61 =	vshll.u32 v3, $0x3  }
0x93: {  	v3 =	vand.u32 $0x7, v3;
	v4 =	vand.u32 $0xFFFFFFC0, v61  }
0x94: {  	v3 =	vor.u32 v3, v4  }
0x95: {  	v4 =	vperm.xlane v3, v0;
	_ =	sdelay $0x1  }
0x96: {  	v4 =	vadd.s32 v1, v4;
	_ =	sdelay $0x4  }
0x97: {  	[tilespmem:s0], [sflag:$0x1] =	stream.indirect_vreg.gather [hbm4b:s3+s2], $0x80, v4, vm0, $0xb8;
	[tilespmem:$0x10080] =	vst v63  }
0x98: {  	v3 =	vperm.xlane v3, v2  }
0x99: {  	[tilespmem:s1], [sflag:$0x1] =	stream.indirect_vreg.gather [hbm4b:s4+s2], $0x80, v4, vm0, $0xb8;
	[tilespmem:$0x10080] =	vst v63  }
0x9a: {  	v3 =	vadd.s32 v1, v3  }
0x9b: {  	[tilespmem:s10], [sflag:$0x1] =	stream.indirect_vreg.gather [hbm4b:s5+s2], $0x80, v4, vm0, $0xb8;
	[tilespmem:$0x10080] =	vst v63  }
0x9c: {  	_ = 	snop  }
0x9d: {  	[tilespmem:s11], [sflag:$0x1] =	stream.indirect_vreg.gather [hbm4b:s6+s2], $0x80, v4, vm0, $0xb8;
	[tilespmem:$0x10080] =	vst v63  }
0x9e: {  	_ = 	snop  }
0x9f: {  	[tilespmem:s12], [sflag:$0x1] =	stream.indirect_vreg.gather [hbm4b:s3+s2], $0x80, v3, vm0, $0xb8;
	[tilespmem:$0x10080] =	vst v63  }
0xa0: {  	_ = 	snop  }
0xa1: {  	[tilespmem:s13], [sflag:$0x1] =	stream.indirect_vreg.gather [hbm4b:s4+s2], $0x80, v3, vm0, $0xb8;
	[tilespmem:$0x10080] =	vst v63  }
0xa2: {  	_ = 	snop  }
0xa3: {  	[tilespmem:s14], [sflag:$0x1] =	stream.indirect_vreg.gather [hbm4b:s5+s2], $0x80, v3, vm0, $0xb8;
	[tilespmem:$0x10080] =	vst v63  }
0xa4: {  	_ = 	snop  }
0xa5: {  	[tilespmem:s15], [sflag:$0x1] =	stream.indirect_vreg.gather [hbm4b:s6+s2], $0x80, v3, vm0, $0xb8;
	[tilespmem:$0x10080] =	vst v63  }
0xa6: {  	_ =	swait.ge [sflag:s20], $0x8000  }
0xa7: {  	[sflag:s20] =	ssyncset.done $0x0  }
0xa8: {  	s0 =	rddreg [dreg:$0x5];
	[sflag:s20] =	ssyncadd.s32 $0xFFFF8000  }
0xa9: {  	[hbm4b:s0+s2] =	stream.linear.scatter [tilespmem:s8], [sflag:$0x4], $0x8000, $0x38;
	[tilespmem:$0x10080] =	vst v63  }
0xaa: {  	_ =	swait.ge [sflag:s21], $0x8000  }
0xab: {  	[sflag:s21] =	ssyncset.done $0x0  }
0xac: {  	[sflag:s21] =	ssyncadd.s32 $0xFFFF8000  }
0xad: {  	v3 =	vld [tilespmem:$0x60];
	_ =	sdelay $0x4  }
0xae: {  	v62 =	vshll.u32 v3, $0x3  }
0xaf: {  	v3 =	vand.u32 $0x7, v3;
	v4 =	vand.u32 $0xFFFFFFC0, v62  }
0xb0: {  	v3 =	vor.u32 v3, v4  }
0xb1: {  	v4 =	vperm.xlane v3, v0;
	_ =	sdelay $0x1  }
0xb2: {  	v4 =	vadd.s32 v1, v4;
	_ =	sdelay $0x4  }
0xb3: {  	[tilespmem:s8], [sflag:$0x2] =	stream.indirect_vreg.gather [hbm4b:s3+s2], $0x80, v4, vm0, $0xb8;
	[tilespmem:$0x10080] =	vst v63  }
0xb4: {  	v3 =	vperm.xlane v3, v2  }
0xb5: {  	[tilespmem:s16], [sflag:$0x2] =	stream.indirect_vreg.gather [hbm4b:s4+s2], $0x80, v4, vm0, $0xb8;
	[tilespmem:$0x10080] =	vst v63  }
0xb6: {  	v3 =	vadd.s32 v1, v3  }
0xb7: {  	[tilespmem:s17], [sflag:$0x2] =	stream.indirect_vreg.gather [hbm4b:s5+s2], $0x80, v4, vm0, $0xb8;
	[tilespmem:$0x10080] =	vst v63  }
0xb8: {  	_ = 	snop  }
0xb9: {  	[tilespmem:s9], [sflag:$0x2] =	stream.indirect_vreg.gather [hbm4b:s6+s2], $0x80, v4, vm0, $0xb8;
	[tilespmem:$0x10080] =	vst v63  }
0xba: {  	s22 =	simm.s32 $0xA080  }
0xbb: {  	[tilespmem:s22], [sflag:$0x2] =	stream.indirect_vreg.gather [hbm4b:s3+s2], $0x80, v3, vm0, $0xb8;
	[tilespmem:$0x10080] =	vst v63  }
0xbc: {  	s23 =	simm.s32 $0xA880  }
0xbd: {  	[tilespmem:s23], [sflag:$0x2] =	stream.indirect_vreg.gather [hbm4b:s4+s2], $0x80, v3, vm0, $0xb8;
	[tilespmem:$0x10080] =	vst v63  }
0xbe: {  	s22 =	simm.s32 $0xB080  }
0xbf: {  	[tilespmem:s22], [sflag:$0x2] =	stream.indirect_vreg.gather [hbm4b:s5+s2], $0x80, v3, vm0, $0xb8;
	[tilespmem:$0x10080] =	vst v63  }
0xc0: {  	s23 =	simm.s32 $0xB880  }
0xc1: {  	[tilespmem:s23], [sflag:$0x2] =	stream.indirect_vreg.gather [hbm4b:s6+s2], $0x80, v3, vm0, $0xb8;
	[tilespmem:$0x10080] =	vst v63  }
0xc2: {  	v3 =	vld [tilespmem:$0x70];
	_ =	sdelay $0x4  }
0xc3: {  	v63 =	vshll.u32 v3, $0x3  }
0xc4: {  	v3 =	vand.u32 $0x7, v3;
	v4 =	vand.u32 $0xFFFFFFC0, v63  }
0xc5: {  	v3 =	vor.u32 v3, v4  }
0xc6: {  	v4 =	vperm.xlane v3, v0;
	_ =	sdelay $0x1  }
0xc7: {  	v4 =	vadd.s32 v1, v4;
	_ =	sdelay $0x3  }
0xc8: {  	s22 =	simm.s32 $0xC080  }
0xc9: {  	[tilespmem:s22], [sflag:$0x2] =	stream.indirect_vreg.gather [hbm4b:s3+s2], $0x80, v4, vm0, $0xb8;
	[tilespmem:$0x10080] =	vst v63  }
0xca: {  	s23 =	simm.s32 $0xC880;
	v3 =	vperm.xlane v3, v2  }
0xcb: {  	[tilespmem:s23], [sflag:$0x2] =	stream.indirect_vreg.gather [hbm4b:s4+s2], $0x80, v4, vm0, $0xb8;
	[tilespmem:$0x10080] =	vst v63  }
0xcc: {  	v3 =	vadd.s32 v1, v3;
	s22 =	simm.s32 $0xD080  }
0xcd: {  	[tilespmem:s22], [sflag:$0x2] =	stream.indirect_vreg.gather [hbm4b:s5+s2], $0x80, v4, vm0, $0xb8;
	[tilespmem:$0x10080] =	vst v63  }
0xce: {  	s23 =	simm.s32 $0xD880  }
0xcf: {  	[tilespmem:s23], [sflag:$0x2] =	stream.indirect_vreg.gather [hbm4b:s6+s2], $0x80, v4, vm0, $0xb8;
	[tilespmem:$0x10080] =	vst v63  }
0xd0: {  	s22 =	simm.s32 $0xE080  }
0xd1: {  	[tilespmem:s22], [sflag:$0x2] =	stream.indirect_vreg.gather [hbm4b:s3+s2], $0x80, v3, vm0, $0xb8;
	[tilespmem:$0x10080] =	vst v63  }
0xd2: {  	s23 =	simm.s32 $0xE880  }
0xd3: {  	[tilespmem:s23], [sflag:$0x2] =	stream.indirect_vreg.gather [hbm4b:s4+s2], $0x80, v3, vm0, $0xb8;
	[tilespmem:$0x10080] =	vst v63  }
0xd4: {  	s22 =	simm.s32 $0xF080  }
0xd5: {  	[tilespmem:s22], [sflag:$0x2] =	stream.indirect_vreg.gather [hbm4b:s5+s2], $0x80, v3, vm0, $0xb8;
	[tilespmem:$0x10080] =	vst v63  }
0xd6: {  	s23 =	simm.s32 $0xF880  }
0xd7: {  	[tilespmem:s23], [sflag:$0x2] =	stream.indirect_vreg.gather [hbm4b:s6+s2], $0x80, v3, vm0, $0xb8;
	[tilespmem:$0x10080] =	vst v63  }
0xd8: {  	_ =	swait.ge [sflag:s18], $0x8000  }
0xd9: {  	[sflag:s18] =	ssyncset.done $0x0  }
0xda: {  	s0 =	rddreg [dreg:$0x6];
	[sflag:s18] =	ssyncadd.s32 $0xFFFF8000  }
0xdb: {  	[hbm4b:s0+s2] =	stream.linear.scatter [tilespmem:s25], [sflag:$0x3], $0x8000, $0x38;
	[tilespmem:$0x10080] =	vst v63  }
0xdc: {  	_ =	swait.ge [sflag:s20], $0x8000  }
0xdd: {  	[sflag:s20] =	ssyncset.done $0x0  }
0xde: {  	s23 =	rddreg [dreg:$0x7];
	[sflag:s20] =	ssyncadd.s32 $0xFFFF8000  }
0xdf: {  	[hbm4b:s23+s2] =	stream.linear.scatter [tilespmem:s8], [sflag:$0x4], $0x8000, $0x38;
	[tilespmem:$0x10080] =	vst v63  }
0xe0: {  	p0 =	sne.s32 s7, $0x1;
	_ =	swait.ge [sflag:s19], $0x8000  }
.Ltmp0:
0xe1: {  	[sflag:s19] =	ssyncset.done $0x0;
	(pc) =	sbr.rel @p0 .LBB2_1-.Ltmp0, $4  }
0xe2: {  	[sflag:s19] =	ssyncadd.s32 $0xFFFF8000  }
0xe3: {  	_ =	swait.ge [sflag:s21], $0x8000  }
0xe4: {  	[sflag:s21] =	ssyncset.done $0x0  }
0xe5: {  	s7 =	sadd.s32 $0xFFFFFFFF, s7;
	[sflag:s21] =	ssyncadd.s32 $0xFFFF8000  }
0xe6: {  	_ =	sfence.sel $0x180000  }
0xe7: {  	[bflag:$0x0] =	sbarrier.arrive $0xFFFF  }
0xe8: {  	_ =	strace $0x9000004D  }
0xe9: {  	s0 =	stileid.u32;
	[bflag:$0x2] =	sbarrier.arrive $0xFFFF  }
0xea: {  	p0 =	sne.s32 s0, $0x0;
	s0 =	rddreg [dreg:$0x1]  }
0xeb: {  	s0 =	sadd.s32 @!p0 $0x100000, s0  }
0xec: {  	[sflag:s0] =	ssyncadd.tile.s32 @!p0 $0x1;
	_ =	shalt  }
.Lfunc_end2:
_tile_overlayer_lowered:
.L_overlay_start_2:
0xed: {  	(tag) =	ssettag $0x2  }
0xee: {  	s0 =	rddreg [dreg:$0x0];
	s2 =	stileid.u32  }
0xef: {  	s1 =	rddreg [dreg:$0x1];
	p0 =	sne.s32 s2, $0x0  }
0xf0: {  	s3 =	rddreg [dreg:$0x2];
	[bflag:$0x3] =	sbarrier.arrive $0xFFFF;
	s2 =	simm.s32 @!p0 $0x1C05  }
0xf1: {  	[timem:s3], [sflag:s2] =	dma.local @!p0 [hbm:s0], s1  }
0xf2: {  	s0 =	simm.s32 @!p0 $0x5  }
0xf3: {  	_ =	swait.ge @!p0 [sflag:s0], s1  }
0xf4: {  	s1 =	ssub.s32 @!p0 $0x0, s1;
	[sflag:s0] =	ssyncset.done @!p0 $0x0  }
0xf5: {  	[sflag:s0] =	ssyncadd.s32 @!p0 s1  }
0xf6: {  	[bflag:$0x3] =	sbarrier.arrive $0xFFFF  }
0xf7: {  	_ =	shalt  }

</sc_bundles>
